<compile_context>
chip_gen: v7x
topology: tpu7x:2x2x1
jax: 0.10.2.dev20260603
libtpu: 0.0.44.dev20260713+nightly
codegen_flags: <defaults>
</compile_context>

<pallas_src>
import functools
import math

import jax
import jax.numpy as jnp
from jax import lax
from jax.experimental import pallas as pl
from jax.experimental.pallas import tpu as pltpu
from jax.experimental.pallas import tpu_sc as plsc

N = 2048
E = 65536
D = 256
EMB = 1024
H = 4
C = 64
EW_W = 16

NC = 2
NS = 16
NW = NC * NS
CH = 128

TE = 2048
EA = 16384


def _pack_bf16(a):
    ab = a.astype(jnp.bfloat16)
    lo = lax.bitcast_convert_type(ab[:, :D // 2], jnp.uint16).astype(jnp.uint32)
    hi = lax.bitcast_convert_type(ab[:, D // 2:], jnp.uint16).astype(jnp.uint32)
    return lax.bitcast_convert_type(lo | (hi << 16), jnp.int32)


def _unpack_bf16(p32):
    lo = lax.bitcast_convert_type(p32 << 16, jnp.float32)
    hi = lax.bitcast_convert_type(p32 & jnp.int32(-65536), jnp.float32)
    return jnp.concatenate([lo, hi], axis=1)


def _ln(v, g, b, eps=1e-5):
    mu = jnp.mean(v, axis=-1, keepdims=True)
    var = jnp.mean((v - mu) ** 2, axis=-1, keepdims=True)
    return (v - mu) * jax.lax.rsqrt(var + eps) * g + b


def _q_body(x_ref, wq_ref, bq_ref, q_ref):
    q_ref[...] = (
        jnp.dot(x_ref[...], wq_ref[...], preferred_element_type=jnp.float32)
        + bq_ref[...]
    )


def _q_proj(x, Wq, bq2):
    return pl.pallas_call(
        _q_body,
        out_shape=jax.ShapeDtypeStruct((N, D), jnp.float32),
    )(x, Wq, bq2)


@functools.lru_cache(maxsize=None)
def _make_sc_gather(ne, ebase):
    mesh = plsc.VectorSubcoreMesh(core_axis_name="c", subcore_axis_name="s")
    epw = ne // NW
    nch = epw // CH

    @functools.partial(
        pl.kernel,
        out_type=(
            jax.ShapeDtypeStruct((ne, D // 2), jnp.int32),
            jax.ShapeDtypeStruct((ne, D // 2), jnp.int32),
        ),
        mesh=mesh,
        scratch_types=[
            pltpu.VMEM((epw,), jnp.int32),
            pltpu.VMEM((epw,), jnp.int32),
            pltpu.VMEM((CH, D // 2), jnp.int32),
            pltpu.VMEM((CH, D // 2), jnp.int32),
            pltpu.SemaphoreType.DMA,
            pltpu.SemaphoreType.DMA,
        ],
    )
    def _sc_gather(x_hbm, q_hbm, dst_hbm, src_hbm, xd_hbm, qs_hbm,
                   idxd_v, idxs_v, bufa, bufb, semg, sems):
        c = lax.axis_index("c")
        s = lax.axis_index("s")
        obase = (c * NS + s) * epw
        pltpu.sync_copy(dst_hbm.at[pl.ds(ebase + obase, epw)], idxd_v)
        pltpu.sync_copy(src_hbm.at[pl.ds(ebase + obase, epw)], idxs_v)

        def phase(tab, idx_v, out):
            pltpu.async_copy(tab.at[idx_v.at[pl.ds(0, CH)]], bufa, semg).wait()

            def body(j, carry):
                cc = 2 * j
                g = pltpu.async_copy(
                    tab.at[idx_v.at[pl.ds((cc + 1) * CH, CH)]], bufb, semg)
                st = pltpu.async_copy(
                    bufa, out.at[pl.ds(obase + cc * CH, CH)], sems)
                g.wait()
                st.wait()
                g2 = pltpu.async_copy(
                    tab.at[idx_v.at[pl.ds((cc + 2) * CH, CH)]], bufa, semg)
                st2 = pltpu.async_copy(
                    bufb, out.at[pl.ds(obase + (cc + 1) * CH, CH)], sems)
                g2.wait()
                st2.wait()
                return carry

            lax.fori_loop(0, nch // 2 - 1, body, 0)
            g = pltpu.async_copy(
                tab.at[idx_v.at[pl.ds((nch - 1) * CH, CH)]], bufb, semg)
            st = pltpu.async_copy(
                bufa, out.at[pl.ds(obase + (nch - 2) * CH, CH)], sems)
            g.wait()
            st.wait()
            pltpu.sync_copy(bufb, out.at[pl.ds(obase + (nch - 1) * CH, CH)])

        phase(x_hbm, idxd_v, xd_hbm)
        phase(q_hbm, idxs_v, qs_hbm)

    return _sc_gather


NB = 256


def _edge_body(*args):
    (src3, xd, qs, ef, wk, bk, wv, bv, we, be, we1, be1, we2, be2,
     g1, b1, g2, b2, o_init, den_init) = args[:20]
    rest = args[20:]
    if len(rest) == 4:
        _e2_prev, e2_out, o_out, den_out = rest
    else:
        e2_out, o_out, den_out = rest
    i = pl.program_id(0)
    z = _unpack_bf16(xd[...]) * ef[...]
    zb = z.astype(jnp.bfloat16)
    k = jnp.dot(zb, wk[...], preferred_element_type=jnp.float32) + bk[...]
    v = jnp.dot(zb, wv[...], preferred_element_type=jnp.float32) + bv[...]
    prod = _unpack_bf16(qs[...]) * k
    scale = 1.0 / math.sqrt(C)
    cidx = lax.broadcasted_iota(jnp.int32, (D, EW_W), 0) // C
    hidx = lax.broadcasted_iota(jnp.int32, (D, EW_W), 1)
    sel = jnp.where(cidx == hidx, scale, 0.0).astype(jnp.bfloat16)
    s16 = jnp.dot(prod.astype(jnp.bfloat16), sel,
                  preferred_element_type=jnp.float32)
    hmask = (lax.broadcasted_iota(jnp.int32, (1, EW_W), 1) < H).astype(
        jnp.float32)
    ewts_f = jnp.exp(s16) * hmask
    ewts = ewts_f.astype(jnp.bfloat16)
    ridx = lax.broadcasted_iota(jnp.int32, (EW_W, D), 0)
    cidx2 = lax.broadcasted_iota(jnp.int32, (EW_W, D), 1) // C
    expand = (ridx == cidx2).astype(jnp.bfloat16)
    ewfull = jnp.dot(ewts, expand, preferred_element_type=jnp.float32)
    wvals = (ewfull * v).astype(jnp.bfloat16)

    @pl.when(i == 0)
    def _init():
        o_out[...] = o_init[...]
        den_out[...] = den_init[...]

    srow = src3[0]
    for nb in range(N // NB):
        iota = lax.broadcasted_iota(jnp.int32, (NB, TE), 0) + nb * NB
        oh = (iota == srow).astype(jnp.bfloat16)
        o_out[nb * NB:(nb + 1) * NB, :] += jnp.dot(
            oh, wvals, preferred_element_type=jnp.float32)
        den_out[nb * NB:(nb + 1) * NB, :] += jnp.dot(
            oh, ewts, preferred_element_type=jnp.float32)

    eo = jnp.dot(zb, we[...], preferred_element_type=jnp.float32) + be[...]
    e1 = _ln(ef[...] + eo, g1[...], b1[...])
    h1 = (jnp.maximum(
        jnp.dot(e1.astype(jnp.bfloat16), we1[...],
                preferred_element_type=jnp.float32) + be1[...], 0.0,
    )).astype(jnp.bfloat16)
    e2 = e1 + jnp.dot(h1, we2[...],
                      preferred_element_type=jnp.float32) + be2[...]
    e2_out[...] = _ln(e2, g2[...], b2[...])


def _edge_call(src3, xd, qs, ef, Wk, bk2, Wv, bv2, We, be_2, We1, be12, We2,
               be22, g1, b1, g2, b2, o_init, den_init, e2_prev, off, n_steps):
    tile = lambda i: (i, 0)
    tile_off = lambda i: (i + off, 0)
    rep = lambda i: (0, 0)
    eb_off = pl.BlockSpec((TE, D), tile_off)
    ebp = pl.BlockSpec((TE, D // 2), tile)
    wspec = pl.BlockSpec((D, D), rep)
    bspec = pl.BlockSpec((1, D), rep)
    bspec_e = pl.BlockSpec((1, EMB), rep)
    in_specs = [
        pl.BlockSpec((1, 1, TE), lambda i: (i + off, 0, 0)),
        ebp, ebp, eb_off,
        wspec, bspec, wspec, bspec, wspec, bspec,
        pl.BlockSpec((D, EMB), rep), bspec_e,
        pl.BlockSpec((EMB, D), rep), bspec,
        bspec, bspec, bspec, bspec,
        pl.BlockSpec((N, D), rep),
        pl.BlockSpec((N, EW_W), rep),
    ]
    inputs = (src3, xd, qs, ef, Wk, bk2, Wv, bv2, We, be_2, We1, be12, We2,
              be22, g1, b1, g2, b2, o_init, den_init)
    aliases = {}
    if e2_prev is not None:
        in_specs.append(pl.BlockSpec((8, 128), rep))
        inputs = inputs + (e2_prev,)
        aliases = {20: 0}
    return pl.pallas_call(
        _edge_body,
        grid=(n_steps,),
        in_specs=in_specs,
        out_specs=[
            eb_off,
            pl.BlockSpec((N, D), rep),
            pl.BlockSpec((N, EW_W), rep),
        ],
        out_shape=[
            jax.ShapeDtypeStruct((E, D), jnp.float32),
            jax.ShapeDtypeStruct((N, D), jnp.float32),
            jax.ShapeDtypeStruct((N, EW_W), jnp.float32),
        ],
        input_output_aliases=aliases,
    )(*inputs)


def _node_body(x, o_in, den_in, wx1, bx1, wx2, bx2, g1, b1, g2, b2, x2_out):
    o = o_in[...]
    den = den_in[...]
    blocks = []
    for h in range(H):
        dh = den[:, h:h + 1]
        dh = jnp.where(dh > 0.0, dh, 1.0)
        blocks.append(o[:, h * C:(h + 1) * C] / dh)
    attn = jnp.concatenate(blocks, axis=1)
    x1 = _ln(x[...] + attn, g1[...], b1[...])
    h1 = jnp.maximum(
        jnp.dot(x1, wx1[...], preferred_element_type=jnp.float32) + bx1[...], 0.0
    )
    x2 = x1 + jnp.dot(h1, wx2[...], preferred_element_type=jnp.float32) + bx2[...]
    x2_out[...] = _ln(x2, g2[...], b2[...])


def _node_call(x, o, den, Wx1, bx12, Wx2, bx22, g1, b1, g2, b2):
    return pl.pallas_call(
        _node_body,
        out_shape=jax.ShapeDtypeStruct((N, D), jnp.float32),
    )(x, o, den, Wx1, bx12, Wx2, bx22, g1, b1, g2, b2)


def kernel(x, edge_index, edge_feat, Wq, bq, Wk, bk, Wv, bv, We, be,
           Wx1, bx1, Wx2, bx2, We1, be1, We2, be2,
           ln1_g, ln1_b, ln2_g, ln2_b):
    src = edge_index[0]
    dst = edge_index[1]
    r = lambda b: b.reshape(1, -1)
    g1, b1 = r(ln1_g), r(ln1_b)
    g2, b2 = r(ln2_g), r(ln2_b)

    q = _q_proj(x, Wq, r(bq))
    xp, qp = _pack_bf16(x), _pack_bf16(q)
    bf = jnp.bfloat16
    src3 = src.reshape(E // TE, 1, TE)
    wargs = (Wk.astype(bf), r(bk), Wv.astype(bf), r(bv), We.astype(bf), r(be),
             We1.astype(bf), r(be1), We2.astype(bf), r(be2), g1, b1, g2, b2)
    zo = jnp.zeros((N, D), jnp.float32)
    zd = jnp.zeros((N, EW_W), jnp.float32)
    splits = (EA, E - EA)
    o_c, den_c, e2_c = zo, zd, None
    ebase = 0
    for ne in splits:
        xd_i, qs_i = _make_sc_gather(ne, ebase)(xp, qp, dst, src)
        e2_c, o_c, den_c = _edge_call(
            src3, xd_i, qs_i, edge_feat, *wargs, o_c, den_c, e2_c,
            ebase // TE, ne // TE)
        ebase += ne
    x2 = _node_call(x, o_c, den_c, Wx1, r(bx1), Wx2, r(bx2), g1, b1, g2, b2)
    return (x2, e2_c)

# --- scband reference (transcript-rebuilt; emitter-appended) ---
"""Pipeline reference for scband-yate-block-43791486550328 (READ-ONLY COPY).

The authoritative reference and input builder live on the scoring server;
editing this copy changes nothing except your own understanding.
"""

import jax, jax.numpy as jnp
import numpy as np
import math

N = 2048
E = 65536
D = 256
EMB = 1024
H = 4


def _linear(key, din, dout):
    k1, k2 = jax.random.split(key)
    bound = 1.0 / math.sqrt(din)
    W = jax.random.uniform(k1, (din, dout), minval=-bound, maxval=bound, dtype=jnp.float32)
    b = jax.random.uniform(k2, (dout,), minval=-bound, maxval=bound, dtype=jnp.float32)
    return W, b


def setup_inputs(seed: int = 0):
    key = jax.random.key(seed)
    ks = jax.random.split(key, 12)
    x = jax.random.normal(ks[0], (N, D), dtype=jnp.float32)
    edge_index = jax.random.randint(ks[1], (2, E), 0, N, dtype=jnp.int32)
    edge_feat = jax.random.normal(ks[2], (E, D), dtype=jnp.float32)
    Wq, bq = _linear(ks[3], D, D)
    Wk, bk = _linear(ks[4], D, D)
    Wv, bv = _linear(ks[5], D, D)
    We, be = _linear(ks[6], D, D)
    Wx1, bx1 = _linear(ks[7], D, EMB)
    Wx2, bx2 = _linear(ks[8], EMB, D)
    We1, be1 = _linear(ks[9], D, EMB)
    We2, be2 = _linear(ks[10], EMB, D)
    ln1_g = jnp.ones((D,), jnp.float32)
    ln1_b = jnp.zeros((D,), jnp.float32)
    ln2_g = jnp.ones((D,), jnp.float32)
    ln2_b = jnp.zeros((D,), jnp.float32)
    return {
        "x": x, "edge_index": edge_index, "edge_feat": edge_feat,
        "Wq": Wq, "bq": bq, "Wk": Wk, "bk": bk, "Wv": Wv, "bv": bv,
        "We": We, "be": be,
        "Wx1": Wx1, "bx1": bx1, "Wx2": Wx2, "bx2": bx2,
        "We1": We1, "be1": be1, "We2": We2, "be2": be2,
        "ln1_g": ln1_g, "ln1_b": ln1_b, "ln2_g": ln2_g, "ln2_b": ln2_b,
    }


def _layer_norm(v, g, b, eps=1e-5):
    mu = jnp.mean(v, axis=-1, keepdims=True)
    var = jnp.mean((v - mu) ** 2, axis=-1, keepdims=True)
    return (v - mu) / jnp.sqrt(var + eps) * g + b


def reference(x, edge_index, edge_feat, Wq, bq, Wk, bk, Wv, bv, We, be,
              Wx1, bx1, Wx2, bx2, We1, be1, We2, be2,
              ln1_g, ln1_b, ln2_g, ln2_b):
    n = x.shape[0]
    C = D // H
    # YATE_Z: elementwise product of destination node features with edge features
    Z = x[edge_index[1]] * edge_feat
    query = (x @ Wq + bq).reshape(-1, H, C)
    key_ = (Z @ Wk + bk).reshape(-1, H, C)
    value = (Z @ Wv + bv).reshape(-1, H, C)
    head_outs = []
    for h in range(H):
        Q = query[:, h, :]
        K = key_[:, h, :]
        V = value[:, h, :]
        # YATE_Att_Calc: per-edge scaled dot product, dense NxN softmax over dim 1,
        # then scatter-add of attention-weighted per-edge values to source nodes
        scores = jnp.sum(Q[edge_index[0]] * K, axis=1) / math.sqrt(C)
        att = jnp.full((n, n), -9e15, dtype=x.dtype)
        att = att.at[edge_index[0], edge_index[1]].set(scores)
        att = jax.nn.softmax(att, axis=1)
        att_e = att[edge_index[0], edge_index[1]]
        O = jnp.zeros((n, C), dtype=x.dtype).at[edge_index[0]].add(att_e[:, None] * V)
        head_outs.append(O)
    attn_out_x = jnp.stack(head_outs, axis=1).reshape(-1, D)  # concat=True
    attn_out_e = Z @ We + be
    x1 = _layer_norm(x + attn_out_x, ln1_g, ln1_b)
    e1 = _layer_norm(edge_feat + attn_out_e, ln1_g, ln1_b)
    # dropout in eval mode == identity
    x2 = _layer_norm(x1 + (jax.nn.relu(x1 @ Wx1 + bx1) @ Wx2 + bx2), ln2_g, ln2_b)
    e2 = _layer_norm(e1 + (jax.nn.relu(e1 @ We1 + be1) @ We2 + be2), ln2_g, ln2_b)
    return (x2, e2)

if __name__ == "__main__":
    import jax
    _d = setup_inputs()
    print(jax.jit(kernel)(*tuple(_d.values())))

</pallas_src>

<mosaic_0001>
#map = affine_map<(d0, d1) -> (0, 0)>
#map1 = affine_map<(d0, d1) -> (0)>
module attributes {stable_mosaic.version = 14 : i64} {
  func.func @_sc_gather(%arg0: i32, %arg1: i32, %arg2: memref<2048x128xi32, #tpu.memory_space<hbm>>, %arg3: memref<2048x128xi32, #tpu.memory_space<hbm>>, %arg4: memref<65536xi32, #tpu.memory_space<hbm>>, %arg5: memref<65536xi32, #tpu.memory_space<hbm>>, %arg6: memref<16384x128xi32, #tpu.memory_space<hbm>>, %arg7: memref<16384x128xi32, #tpu.memory_space<hbm>>, %arg8: memref<512xi32, #tpu.memory_space<vmem>>, %arg9: memref<512xi32, #tpu.memory_space<vmem>>, %arg10: memref<128x128xi32, #tpu.memory_space<vmem>>, %arg11: memref<128x128xi32, #tpu.memory_space<vmem>>, %arg12: memref<!tpu.dma_semaphore, #tpu.memory_space<semaphore_mem>>, %arg13: memref<!tpu.dma_semaphore, #tpu.memory_space<semaphore_mem>>) attributes {dimension_semantics = [#tpu.dimension_semantics<core_parallel>, #tpu.dimension_semantics<subcore_parallel>], iteration_bounds = array<i64: 2, 16>, scalar_prefetch = 0 : i64, scratch_operands = 6 : i64, tpu.core_type = #tpu.core_type<sc_vector_subcore>, window_params = [{transform_indices = #map}, {transform_indices = #map}, {transform_indices = #map1}, {transform_indices = #map1}, {transform_indices = #map}, {transform_indices = #map}]} {
    %mul3A = arith.constant 16 : i32
    %mul3A_0 = arith.muli %arg0, %mul3A : i32
    %add3A = arith.addi %mul3A_0, %arg1 : i32
    %mul3A_1 = arith.constant 512 : i32
    %mul3A_2 = arith.muli %add3A, %mul3A_1 : i32
    %add3A_3 = arith.constant 0 : i32
    %add3A_4 = arith.addi %add3A_3, %mul3A_2 : i32
    "tpu.region"() ({
      %run_scoped3A = tpu.sem_alloc : memref<!tpu.dma_semaphore, #tpu.memory_space<semaphore_mem>>
      %dma_start3A_174 = tpu.memref_slice %arg4[%add3A_4] : memref<65536xi32, #tpu.memory_space<hbm>> -> memref<512xi32, #tpu.memory_space<hbm>>
      %dma_start3A_175 = tpu.memref_slice %arg4[%add3A_4] : memref<65536xi32, #tpu.memory_space<hbm>> -> memref<512xi32, #tpu.memory_space<hbm>>
      tpu.enqueue_dma source(%dma_start3A_175 : memref<512xi32, #tpu.memory_space<hbm>>) target(%arg8 : memref<512xi32, #tpu.memory_space<vmem>>) target_semaphore(%run_scoped3A : memref<!tpu.dma_semaphore, #tpu.memory_space<semaphore_mem>>)
      %dma_wait3A_176 = tpu.memref_slice %arg4[%add3A_4] : memref<65536xi32, #tpu.memory_space<hbm>> -> memref<512xi32, #tpu.memory_space<hbm>>
      %dma_wait3A_177 = tpu.memref_slice %arg4[%add3A_4] : memref<65536xi32, #tpu.memory_space<hbm>> -> memref<512xi32, #tpu.memory_space<hbm>>
      tpu.wait_dma2 semaphore(%run_scoped3A : memref<!tpu.dma_semaphore, #tpu.memory_space<semaphore_mem>>) src(%dma_wait3A_177 : memref<512xi32, #tpu.memory_space<hbm>>) dst(%arg8 : memref<512xi32, #tpu.memory_space<vmem>>)
      tpu.yield
    }) : () -> ()
    %add3A_5 = arith.constant 0 : i32
    %add3A_6 = arith.addi %add3A_5, %mul3A_2 : i32
    "tpu.region"() ({
      %run_scoped3A = tpu.sem_alloc : memref<!tpu.dma_semaphore, #tpu.memory_space<semaphore_mem>>
      %dma_start3A_174 = tpu.memref_slice %arg5[%add3A_6] : memref<65536xi32, #tpu.memory_space<hbm>> -> memref<512xi32, #tpu.memory_space<hbm>>
      %dma_start3A_175 = tpu.memref_slice %arg5[%add3A_6] : memref<65536xi32, #tpu.memory_space<hbm>> -> memref<512xi32, #tpu.memory_space<hbm>>
      tpu.enqueue_dma source(%dma_start3A_175 : memref<512xi32, #tpu.memory_space<hbm>>) target(%arg9 : memref<512xi32, #tpu.memory_space<vmem>>) target_semaphore(%run_scoped3A : memref<!tpu.dma_semaphore, #tpu.memory_space<semaphore_mem>>)
      %dma_wait3A_176 = tpu.memref_slice %arg5[%add3A_6] : memref<65536xi32, #tpu.memory_space<hbm>> -> memref<512xi32, #tpu.memory_space<hbm>>
      %dma_wait3A_177 = tpu.memref_slice %arg5[%add3A_6] : memref<65536xi32, #tpu.memory_space<hbm>> -> memref<512xi32, #tpu.memory_space<hbm>>
      tpu.wait_dma2 semaphore(%run_scoped3A : memref<!tpu.dma_semaphore, #tpu.memory_space<semaphore_mem>>) src(%dma_wait3A_177 : memref<512xi32, #tpu.memory_space<hbm>>) dst(%arg9 : memref<512xi32, #tpu.memory_space<vmem>>)
      tpu.yield
    }) : () -> ()
    %dma_start3A = arith.constant 0 : i32
    %dma_start3A_7 = tpu.memref_slice %arg8[%dma_start3A] : memref<512xi32, #tpu.memory_space<vmem>> -> memref<128xi32, #tpu.memory_space<vmem>>
    %dma_start3A_8 = arith.constant 0 : i32
    %dma_start3A_9 = arith.constant 0 : i32
    %dma_start3A_10 = tpu.memref_slice %arg2[%dma_start3A_8, %dma_start3A_9] : memref<2048x128xi32, #tpu.memory_space<hbm>> -> memref<2048x128xi32, #tpu.memory_space<hbm>>
    tpu.enqueue_indirect_dma source(%dma_start3A_10 : memref<2048x128xi32, #tpu.memory_space<hbm>>) target(%arg10 : memref<128x128xi32, #tpu.memory_space<vmem>>) offsets(%dma_start3A_7 : memref<128xi32, #tpu.memory_space<vmem>>) semaphore(%arg12 : memref<!tpu.dma_semaphore, #tpu.memory_space<semaphore_mem>>)
    %dma_wait3A = arith.constant 0 : i32
    %dma_wait3A_11 = tpu.memref_slice %arg8[%dma_wait3A] : memref<512xi32, #tpu.memory_space<vmem>> -> memref<128xi32, #tpu.memory_space<vmem>>
    %dma_wait3A_12 = arith.constant 0 : i32
    %dma_wait3A_13 = arith.constant 0 : i32
    %dma_wait3A_14 = tpu.memref_slice %arg2[%dma_wait3A_12, %dma_wait3A_13] : memref<2048x128xi32, #tpu.memory_space<hbm>> -> memref<2048x128xi32, #tpu.memory_space<hbm>>
    tpu.wait_indirect_dma semaphore(%arg12 : memref<!tpu.dma_semaphore, #tpu.memory_space<semaphore_mem>>) src(%dma_wait3A_14 : memref<2048x128xi32, #tpu.memory_space<hbm>>) dst(%arg10 : memref<128x128xi32, #tpu.memory_space<vmem>>)
    %scan3A = arith.constant 0 : i32
    %scan3A_15 = arith.constant 0 : i32
    %mul3A_16 = arith.constant 2 : i32
    %mul3A_17 = arith.muli %mul3A_16, %scan3A_15 : i32
    %add3A_18 = arith.constant 1 : i32
    %add3A_19 = arith.addi %mul3A_17, %add3A_18 : i32
    %mul3A_20 = arith.constant 128 : i32
    %mul3A_21 = arith.muli %add3A_19, %mul3A_20 : i32
    %dma_start3A_22 = tpu.memref_slice %arg8[%mul3A_21] : memref<512xi32, #tpu.memory_space<vmem>> -> memref<128xi32, #tpu.memory_space<vmem>>
    %dma_start3A_23 = arith.constant 0 : i32
    %dma_start3A_24 = arith.constant 0 : i32
    %dma_start3A_25 = tpu.memref_slice %arg2[%dma_start3A_23, %dma_start3A_24] : memref<2048x128xi32, #tpu.memory_space<hbm>> -> memref<2048x128xi32, #tpu.memory_space<hbm>>
    tpu.enqueue_indirect_dma source(%dma_start3A_25 : memref<2048x128xi32, #tpu.memory_space<hbm>>) target(%arg11 : memref<128x128xi32, #tpu.memory_space<vmem>>) offsets(%dma_start3A_22 : memref<128xi32, #tpu.memory_space<vmem>>) semaphore(%arg12 : memref<!tpu.dma_semaphore, #tpu.memory_space<semaphore_mem>>)
    %mul3A_26 = arith.constant 128 : i32
    %mul3A_27 = arith.muli %mul3A_17, %mul3A_26 : i32
    %add3A_28 = arith.addi %mul3A_2, %mul3A_27 : i32
    %dma_start3A_29 = arith.constant 0 : i32
    %dma_start3A_30 = tpu.memref_slice %arg6[%add3A_28, %dma_start3A_29] : memref<16384x128xi32, #tpu.memory_space<hbm>> -> memref<128x128xi32, #tpu.memory_space<hbm>>
    %dma_start3A_31 = arith.constant 0 : i32
    %dma_start3A_32 = tpu.memref_slice %arg6[%add3A_28, %dma_start3A_31] : memref<16384x128xi32, #tpu.memory_space<hbm>> -> memref<128x128xi32, #tpu.memory_space<hbm>>
    tpu.enqueue_dma source(%arg10 : memref<128x128xi32, #tpu.memory_space<vmem>>) target(%dma_start3A_32 : memref<128x128xi32, #tpu.memory_space<hbm>>) target_semaphore(%arg13 : memref<!tpu.dma_semaphore, #tpu.memory_space<semaphore_mem>>)
    %dma_wait3A_33 = tpu.memref_slice %arg8[%mul3A_21] : memref<512xi32, #tpu.memory_space<vmem>> -> memref<128xi32, #tpu.memory_space<vmem>>
    %dma_wait3A_34 = arith.constant 0 : i32
    %dma_wait3A_35 = arith.constant 0 : i32
    %dma_wait3A_36 = tpu.memref_slice %arg2[%dma_wait3A_34, %dma_wait3A_35] : memref<2048x128xi32, #tpu.memory_space<hbm>> -> memref<2048x128xi32, #tpu.memory_space<hbm>>
    tpu.wait_indirect_dma semaphore(%arg12 : memref<!tpu.dma_semaphore, #tpu.memory_space<semaphore_mem>>) src(%dma_wait3A_36 : memref<2048x128xi32, #tpu.memory_space<hbm>>) dst(%arg11 : memref<128x128xi32, #tpu.memory_space<vmem>>)
    %dma_wait3A_37 = arith.constant 0 : i32
    %dma_wait3A_38 = tpu.memref_slice %arg6[%add3A_28, %dma_wait3A_37] : memref<16384x128xi32, #tpu.memory_space<hbm>> -> memref<128x128xi32, #tpu.memory_space<hbm>>
    %dma_wait3A_39 = arith.constant 0 : i32
    %dma_wait3A_40 = tpu.memref_slice %arg6[%add3A_28, %dma_wait3A_39] : memref<16384x128xi32, #tpu.memory_space<hbm>> -> memref<128x128xi32, #tpu.memory_space<hbm>>
    tpu.wait_dma2 semaphore(%arg13 : memref<!tpu.dma_semaphore, #tpu.memory_space<semaphore_mem>>) src(%arg10 : memref<128x128xi32, #tpu.memory_space<vmem>>) dst(%dma_wait3A_40 : memref<128x128xi32, #tpu.memory_space<hbm>>)
    %add3A_41 = arith.constant 2 : i32
    %add3A_42 = arith.addi %mul3A_17, %add3A_41 : i32
    %mul3A_43 = arith.constant 128 : i32
    %mul3A_44 = arith.muli %add3A_42, %mul3A_43 : i32
    %dma_start3A_45 = tpu.memref_slice %arg8[%mul3A_44] : memref<512xi32, #tpu.memory_space<vmem>> -> memref<128xi32, #tpu.memory_space<vmem>>
    %dma_start3A_46 = arith.constant 0 : i32
    %dma_start3A_47 = arith.constant 0 : i32
    %dma_start3A_48 = tpu.memref_slice %arg2[%dma_start3A_46, %dma_start3A_47] : memref<2048x128xi32, #tpu.memory_space<hbm>> -> memref<2048x128xi32, #tpu.memory_space<hbm>>
    tpu.enqueue_indirect_dma source(%dma_start3A_48 : memref<2048x128xi32, #tpu.memory_space<hbm>>) target(%arg10 : memref<128x128xi32, #tpu.memory_space<vmem>>) offsets(%dma_start3A_45 : memref<128xi32, #tpu.memory_space<vmem>>) semaphore(%arg12 : memref<!tpu.dma_semaphore, #tpu.memory_space<semaphore_mem>>)
    %add3A_49 = arith.constant 1 : i32
    %add3A_50 = arith.addi %mul3A_17, %add3A_49 : i32
    %mul3A_51 = arith.constant 128 : i32
    %mul3A_52 = arith.muli %add3A_50, %mul3A_51 : i32
    %add3A_53 = arith.addi %mul3A_2, %mul3A_52 : i32
    %dma_start3A_54 = arith.constant 0 : i32
    %dma_start3A_55 = tpu.memref_slice %arg6[%add3A_53, %dma_start3A_54] : memref<16384x128xi32, #tpu.memory_space<hbm>> -> memref<128x128xi32, #tpu.memory_space<hbm>>
    %dma_start3A_56 = arith.constant 0 : i32
    %dma_start3A_57 = tpu.memref_slice %arg6[%add3A_53, %dma_start3A_56] : memref<16384x128xi32, #tpu.memory_space<hbm>> -> memref<128x128xi32, #tpu.memory_space<hbm>>
    tpu.enqueue_dma source(%arg11 : memref<128x128xi32, #tpu.memory_space<vmem>>) target(%dma_start3A_57 : memref<128x128xi32, #tpu.memory_space<hbm>>) target_semaphore(%arg13 : memref<!tpu.dma_semaphore, #tpu.memory_space<semaphore_mem>>)
    %dma_wait3A_58 = tpu.memref_slice %arg8[%mul3A_44] : memref<512xi32, #tpu.memory_space<vmem>> -> memref<128xi32, #tpu.memory_space<vmem>>
    %dma_wait3A_59 = arith.constant 0 : i32
    %dma_wait3A_60 = arith.constant 0 : i32
    %dma_wait3A_61 = tpu.memref_slice %arg2[%dma_wait3A_59, %dma_wait3A_60] : memref<2048x128xi32, #tpu.memory_space<hbm>> -> memref<2048x128xi32, #tpu.memory_space<hbm>>
    tpu.wait_indirect_dma semaphore(%arg12 : memref<!tpu.dma_semaphore, #tpu.memory_space<semaphore_mem>>) src(%dma_wait3A_61 : memref<2048x128xi32, #tpu.memory_space<hbm>>) dst(%arg10 : memref<128x128xi32, #tpu.memory_space<vmem>>)
    %dma_wait3A_62 = arith.constant 0 : i32
    %dma_wait3A_63 = tpu.memref_slice %arg6[%add3A_53, %dma_wait3A_62] : memref<16384x128xi32, #tpu.memory_space<hbm>> -> memref<128x128xi32, #tpu.memory_space<hbm>>
    %dma_wait3A_64 = arith.constant 0 : i32
    %dma_wait3A_65 = tpu.memref_slice %arg6[%add3A_53, %dma_wait3A_64] : memref<16384x128xi32, #tpu.memory_space<hbm>> -> memref<128x128xi32, #tpu.memory_space<hbm>>
    tpu.wait_dma2 semaphore(%arg13 : memref<!tpu.dma_semaphore, #tpu.memory_space<semaphore_mem>>) src(%arg11 : memref<128x128xi32, #tpu.memory_space<vmem>>) dst(%dma_wait3A_65 : memref<128x128xi32, #tpu.memory_space<hbm>>)
    %scan3A_66 = arith.constant 1 : i32
    %dma_start3A_67 = arith.constant 384 : i32
    %dma_start3A_68 = tpu.memref_slice %arg8[%dma_start3A_67] : memref<512xi32, #tpu.memory_space<vmem>> -> memref<128xi32, #tpu.memory_space<vmem>>
    %dma_start3A_69 = arith.constant 0 : i32
    %dma_start3A_70 = arith.constant 0 : i32
    %dma_start3A_71 = tpu.memref_slice %arg2[%dma_start3A_69, %dma_start3A_70] : memref<2048x128xi32, #tpu.memory_space<hbm>> -> memref<2048x128xi32, #tpu.memory_space<hbm>>
    tpu.enqueue_indirect_dma source(%dma_start3A_71 : memref<2048x128xi32, #tpu.memory_space<hbm>>) target(%arg11 : memref<128x128xi32, #tpu.memory_space<vmem>>) offsets(%dma_start3A_68 : memref<128xi32, #tpu.memory_space<vmem>>) semaphore(%arg12 : memref<!tpu.dma_semaphore, #tpu.memory_space<semaphore_mem>>)
    %add3A_72 = arith.constant 256 : i32
    %add3A_73 = arith.addi %mul3A_2, %add3A_72 : i32
    %dma_start3A_74 = arith.constant 0 : i32
    %dma_start3A_75 = tpu.memref_slice %arg6[%add3A_73, %dma_start3A_74] : memref<16384x128xi32, #tpu.memory_space<hbm>> -> memref<128x128xi32, #tpu.memory_space<hbm>>
    %dma_start3A_76 = arith.constant 0 : i32
    %dma_start3A_77 = tpu.memref_slice %arg6[%add3A_73, %dma_start3A_76] : memref<16384x128xi32, #tpu.memory_space<hbm>> -> memref<128x128xi32, #tpu.memory_space<hbm>>
    tpu.enqueue_dma source(%arg10 : memref<128x128xi32, #tpu.memory_space<vmem>>) target(%dma_start3A_77 : memref<128x128xi32, #tpu.memory_space<hbm>>) target_semaphore(%arg13 : memref<!tpu.dma_semaphore, #tpu.memory_space<semaphore_mem>>)
    %dma_wait3A_78 = arith.constant 384 : i32
    %dma_wait3A_79 = tpu.memref_slice %arg8[%dma_wait3A_78] : memref<512xi32, #tpu.memory_space<vmem>> -> memref<128xi32, #tpu.memory_space<vmem>>
    %dma_wait3A_80 = arith.constant 0 : i32
    %dma_wait3A_81 = arith.constant 0 : i32
    %dma_wait3A_82 = tpu.memref_slice %arg2[%dma_wait3A_80, %dma_wait3A_81] : memref<2048x128xi32, #tpu.memory_space<hbm>> -> memref<2048x128xi32, #tpu.memory_space<hbm>>
    tpu.wait_indirect_dma semaphore(%arg12 : memref<!tpu.dma_semaphore, #tpu.memory_space<semaphore_mem>>) src(%dma_wait3A_82 : memref<2048x128xi32, #tpu.memory_space<hbm>>) dst(%arg11 : memref<128x128xi32, #tpu.memory_space<vmem>>)
    %dma_wait3A_83 = arith.constant 0 : i32
    %dma_wait3A_84 = tpu.memref_slice %arg6[%add3A_73, %dma_wait3A_83] : memref<16384x128xi32, #tpu.memory_space<hbm>> -> memref<128x128xi32, #tpu.memory_space<hbm>>
    %dma_wait3A_85 = arith.constant 0 : i32
    %dma_wait3A_86 = tpu.memref_slice %arg6[%add3A_73, %dma_wait3A_85] : memref<16384x128xi32, #tpu.memory_space<hbm>> -> memref<128x128xi32, #tpu.memory_space<hbm>>
    tpu.wait_dma2 semaphore(%arg13 : memref<!tpu.dma_semaphore, #tpu.memory_space<semaphore_mem>>) src(%arg10 : memref<128x128xi32, #tpu.memory_space<vmem>>) dst(%dma_wait3A_86 : memref<128x128xi32, #tpu.memory_space<hbm>>)
    %add3A_87 = arith.constant 384 : i32
    %add3A_88 = arith.addi %mul3A_2, %add3A_87 : i32
    "tpu.region"() ({
      %run_scoped3A = tpu.sem_alloc : memref<!tpu.dma_semaphore, #tpu.memory_space<semaphore_mem>>
      %dma_start3A_174 = arith.constant 0 : i32
      %dma_start3A_175 = tpu.memref_slice %arg6[%add3A_88, %dma_start3A_174] : memref<16384x128xi32, #tpu.memory_space<hbm>> -> memref<128x128xi32, #tpu.memory_space<hbm>>
      %dma_start3A_176 = arith.constant 0 : i32
      %dma_start3A_177 = tpu.memref_slice %arg6[%add3A_88, %dma_start3A_176] : memref<16384x128xi32, #tpu.memory_space<hbm>> -> memref<128x128xi32, #tpu.memory_space<hbm>>
      tpu.enqueue_dma source(%arg11 : memref<128x128xi32, #tpu.memory_space<vmem>>) target(%dma_start3A_177 : memref<128x128xi32, #tpu.memory_space<hbm>>) target_semaphore(%run_scoped3A : memref<!tpu.dma_semaphore, #tpu.memory_space<semaphore_mem>>)
      %dma_wait3A_178 = arith.constant 0 : i32
      %dma_wait3A_179 = tpu.memref_slice %arg6[%add3A_88, %dma_wait3A_178] : memref<16384x128xi32, #tpu.memory_space<hbm>> -> memref<128x128xi32, #tpu.memory_space<hbm>>
      %dma_wait3A_180 = arith.constant 0 : i32
      %dma_wait3A_181 = tpu.memref_slice %arg6[%add3A_88, %dma_wait3A_180] : memref<16384x128xi32, #tpu.memory_space<hbm>> -> memref<128x128xi32, #tpu.memory_space<hbm>>
      tpu.wait_dma2 semaphore(%run_scoped3A : memref<!tpu.dma_semaphore, #tpu.memory_space<semaphore_mem>>) src(%arg11 : memref<128x128xi32, #tpu.memory_space<vmem>>) dst(%dma_wait3A_181 : memref<128x128xi32, #tpu.memory_space<hbm>>)
      tpu.yield
    }) : () -> ()
    %dma_start3A_89 = arith.constant 0 : i32
    %dma_start3A_90 = tpu.memref_slice %arg9[%dma_start3A_89] : memref<512xi32, #tpu.memory_space<vmem>> -> memref<128xi32, #tpu.memory_space<vmem>>
    %dma_start3A_91 = arith.constant 0 : i32
    %dma_start3A_92 = arith.constant 0 : i32
    %dma_start3A_93 = tpu.memref_slice %arg3[%dma_start3A_91, %dma_start3A_92] : memref<2048x128xi32, #tpu.memory_space<hbm>> -> memref<2048x128xi32, #tpu.memory_space<hbm>>
    tpu.enqueue_indirect_dma source(%dma_start3A_93 : memref<2048x128xi32, #tpu.memory_space<hbm>>) target(%arg10 : memref<128x128xi32, #tpu.memory_space<vmem>>) offsets(%dma_start3A_90 : memref<128xi32, #tpu.memory_space<vmem>>) semaphore(%arg12 : memref<!tpu.dma_semaphore, #tpu.memory_space<semaphore_mem>>)
    %dma_wait3A_94 = arith.constant 0 : i32
    %dma_wait3A_95 = tpu.memref_slice %arg9[%dma_wait3A_94] : memref<512xi32, #tpu.memory_space<vmem>> -> memref<128xi32, #tpu.memory_space<vmem>>
    %dma_wait3A_96 = arith.constant 0 : i32
    %dma_wait3A_97 = arith.constant 0 : i32
    %dma_wait3A_98 = tpu.memref_slice %arg3[%dma_wait3A_96, %dma_wait3A_97] : memref<2048x128xi32, #tpu.memory_space<hbm>> -> memref<2048x128xi32, #tpu.memory_space<hbm>>
    tpu.wait_indirect_dma semaphore(%arg12 : memref<!tpu.dma_semaphore, #tpu.memory_space<semaphore_mem>>) src(%dma_wait3A_98 : memref<2048x128xi32, #tpu.memory_space<hbm>>) dst(%arg10 : memref<128x128xi32, #tpu.memory_space<vmem>>)
    %scan3A_99 = arith.constant 0 : i32
    %scan3A_100 = arith.constant 0 : i32
    %mul3A_101 = arith.constant 2 : i32
    %mul3A_102 = arith.muli %mul3A_101, %scan3A_100 : i32
    %add3A_103 = arith.constant 1 : i32
    %add3A_104 = arith.addi %mul3A_102, %add3A_103 : i32
    %mul3A_105 = arith.constant 128 : i32
    %mul3A_106 = arith.muli %add3A_104, %mul3A_105 : i32
    %dma_start3A_107 = tpu.memref_slice %arg9[%mul3A_106] : memref<512xi32, #tpu.memory_space<vmem>> -> memref<128xi32, #tpu.memory_space<vmem>>
    %dma_start3A_108 = arith.constant 0 : i32
    %dma_start3A_109 = arith.constant 0 : i32
    %dma_start3A_110 = tpu.memref_slice %arg3[%dma_start3A_108, %dma_start3A_109] : memref<2048x128xi32, #tpu.memory_space<hbm>> -> memref<2048x128xi32, #tpu.memory_space<hbm>>
    tpu.enqueue_indirect_dma source(%dma_start3A_110 : memref<2048x128xi32, #tpu.memory_space<hbm>>) target(%arg11 : memref<128x128xi32, #tpu.memory_space<vmem>>) offsets(%dma_start3A_107 : memref<128xi32, #tpu.memory_space<vmem>>) semaphore(%arg12 : memref<!tpu.dma_semaphore, #tpu.memory_space<semaphore_mem>>)
    %mul3A_111 = arith.constant 128 : i32
    %mul3A_112 = arith.muli %mul3A_102, %mul3A_111 : i32
    %add3A_113 = arith.addi %mul3A_2, %mul3A_112 : i32
    %dma_start3A_114 = arith.constant 0 : i32
    %dma_start3A_115 = tpu.memref_slice %arg7[%add3A_113, %dma_start3A_114] : memref<16384x128xi32, #tpu.memory_space<hbm>> -> memref<128x128xi32, #tpu.memory_space<hbm>>
    %dma_start3A_116 = arith.constant 0 : i32
    %dma_start3A_117 = tpu.memref_slice %arg7[%add3A_113, %dma_start3A_116] : memref<16384x128xi32, #tpu.memory_space<hbm>> -> memref<128x128xi32, #tpu.memory_space<hbm>>
    tpu.enqueue_dma source(%arg10 : memref<128x128xi32, #tpu.memory_space<vmem>>) target(%dma_start3A_117 : memref<128x128xi32, #tpu.memory_space<hbm>>) target_semaphore(%arg13 : memref<!tpu.dma_semaphore, #tpu.memory_space<semaphore_mem>>)
    %dma_wait3A_118 = tpu.memref_slice %arg9[%mul3A_106] : memref<512xi32, #tpu.memory_space<vmem>> -> memref<128xi32, #tpu.memory_space<vmem>>
    %dma_wait3A_119 = arith.constant 0 : i32
    %dma_wait3A_120 = arith.constant 0 : i32
    %dma_wait3A_121 = tpu.memref_slice %arg3[%dma_wait3A_119, %dma_wait3A_120] : memref<2048x128xi32, #tpu.memory_space<hbm>> -> memref<2048x128xi32, #tpu.memory_space<hbm>>
    tpu.wait_indirect_dma semaphore(%arg12 : memref<!tpu.dma_semaphore, #tpu.memory_space<semaphore_mem>>) src(%dma_wait3A_121 : memref<2048x128xi32, #tpu.memory_space<hbm>>) dst(%arg11 : memref<128x128xi32, #tpu.memory_space<vmem>>)
    %dma_wait3A_122 = arith.constant 0 : i32
    %dma_wait3A_123 = tpu.memref_slice %arg7[%add3A_113, %dma_wait3A_122] : memref<16384x128xi32, #tpu.memory_space<hbm>> -> memref<128x128xi32, #tpu.memory_space<hbm>>
    %dma_wait3A_124 = arith.constant 0 : i32
    %dma_wait3A_125 = tpu.memref_slice %arg7[%add3A_113, %dma_wait3A_124] : memref<16384x128xi32, #tpu.memory_space<hbm>> -> memref<128x128xi32, #tpu.memory_space<hbm>>
    tpu.wait_dma2 semaphore(%arg13 : memref<!tpu.dma_semaphore, #tpu.memory_space<semaphore_mem>>) src(%arg10 : memref<128x128xi32, #tpu.memory_space<vmem>>) dst(%dma_wait3A_125 : memref<128x128xi32, #tpu.memory_space<hbm>>)
    %add3A_126 = arith.constant 2 : i32
    %add3A_127 = arith.addi %mul3A_102, %add3A_126 : i32
    %mul3A_128 = arith.constant 128 : i32
    %mul3A_129 = arith.muli %add3A_127, %mul3A_128 : i32
    %dma_start3A_130 = tpu.memref_slice %arg9[%mul3A_129] : memref<512xi32, #tpu.memory_space<vmem>> -> memref<128xi32, #tpu.memory_space<vmem>>
    %dma_start3A_131 = arith.constant 0 : i32
    %dma_start3A_132 = arith.constant 0 : i32
    %dma_start3A_133 = tpu.memref_slice %arg3[%dma_start3A_131, %dma_start3A_132] : memref<2048x128xi32, #tpu.memory_space<hbm>> -> memref<2048x128xi32, #tpu.memory_space<hbm>>
    tpu.enqueue_indirect_dma source(%dma_start3A_133 : memref<2048x128xi32, #tpu.memory_space<hbm>>) target(%arg10 : memref<128x128xi32, #tpu.memory_space<vmem>>) offsets(%dma_start3A_130 : memref<128xi32, #tpu.memory_space<vmem>>) semaphore(%arg12 : memref<!tpu.dma_semaphore, #tpu.memory_space<semaphore_mem>>)
    %add3A_134 = arith.constant 1 : i32
    %add3A_135 = arith.addi %mul3A_102, %add3A_134 : i32
    %mul3A_136 = arith.constant 128 : i32
    %mul3A_137 = arith.muli %add3A_135, %mul3A_136 : i32
    %add3A_138 = arith.addi %mul3A_2, %mul3A_137 : i32
    %dma_start3A_139 = arith.constant 0 : i32
    %dma_start3A_140 = tpu.memref_slice %arg7[%add3A_138, %dma_start3A_139] : memref<16384x128xi32, #tpu.memory_space<hbm>> -> memref<128x128xi32, #tpu.memory_space<hbm>>
    %dma_start3A_141 = arith.constant 0 : i32
    %dma_start3A_142 = tpu.memref_slice %arg7[%add3A_138, %dma_start3A_141] : memref<16384x128xi32, #tpu.memory_space<hbm>> -> memref<128x128xi32, #tpu.memory_space<hbm>>
    tpu.enqueue_dma source(%arg11 : memref<128x128xi32, #tpu.memory_space<vmem>>) target(%dma_start3A_142 : memref<128x128xi32, #tpu.memory_space<hbm>>) target_semaphore(%arg13 : memref<!tpu.dma_semaphore, #tpu.memory_space<semaphore_mem>>)
    %dma_wait3A_143 = tpu.memref_slice %arg9[%mul3A_129] : memref<512xi32, #tpu.memory_space<vmem>> -> memref<128xi32, #tpu.memory_space<vmem>>
    %dma_wait3A_144 = arith.constant 0 : i32
    %dma_wait3A_145 = arith.constant 0 : i32
    %dma_wait3A_146 = tpu.memref_slice %arg3[%dma_wait3A_144, %dma_wait3A_145] : memref<2048x128xi32, #tpu.memory_space<hbm>> -> memref<2048x128xi32, #tpu.memory_space<hbm>>
    tpu.wait_indirect_dma semaphore(%arg12 : memref<!tpu.dma_semaphore, #tpu.memory_space<semaphore_mem>>) src(%dma_wait3A_146 : memref<2048x128xi32, #tpu.memory_space<hbm>>) dst(%arg10 : memref<128x128xi32, #tpu.memory_space<vmem>>)
    %dma_wait3A_147 = arith.constant 0 : i32
    %dma_wait3A_148 = tpu.memref_slice %arg7[%add3A_138, %dma_wait3A_147] : memref<16384x128xi32, #tpu.memory_space<hbm>> -> memref<128x128xi32, #tpu.memory_space<hbm>>
    %dma_wait3A_149 = arith.constant 0 : i32
    %dma_wait3A_150 = tpu.memref_slice %arg7[%add3A_138, %dma_wait3A_149] : memref<16384x128xi32, #tpu.memory_space<hbm>> -> memref<128x128xi32, #tpu.memory_space<hbm>>
    tpu.wait_dma2 semaphore(%arg13 : memref<!tpu.dma_semaphore, #tpu.memory_space<semaphore_mem>>) src(%arg11 : memref<128x128xi32, #tpu.memory_space<vmem>>) dst(%dma_wait3A_150 : memref<128x128xi32, #tpu.memory_space<hbm>>)
    %scan3A_151 = arith.constant 1 : i32
    %dma_start3A_152 = arith.constant 384 : i32
    %dma_start3A_153 = tpu.memref_slice %arg9[%dma_start3A_152] : memref<512xi32, #tpu.memory_space<vmem>> -> memref<128xi32, #tpu.memory_space<vmem>>
    %dma_start3A_154 = arith.constant 0 : i32
    %dma_start3A_155 = arith.constant 0 : i32
    %dma_start3A_156 = tpu.memref_slice %arg3[%dma_start3A_154, %dma_start3A_155] : memref<2048x128xi32, #tpu.memory_space<hbm>> -> memref<2048x128xi32, #tpu.memory_space<hbm>>
    tpu.enqueue_indirect_dma source(%dma_start3A_156 : memref<2048x128xi32, #tpu.memory_space<hbm>>) target(%arg11 : memref<128x128xi32, #tpu.memory_space<vmem>>) offsets(%dma_start3A_153 : memref<128xi32, #tpu.memory_space<vmem>>) semaphore(%arg12 : memref<!tpu.dma_semaphore, #tpu.memory_space<semaphore_mem>>)
    %add3A_157 = arith.constant 256 : i32
    %add3A_158 = arith.addi %mul3A_2, %add3A_157 : i32
    %dma_start3A_159 = arith.constant 0 : i32
    %dma_start3A_160 = tpu.memref_slice %arg7[%add3A_158, %dma_start3A_159] : memref<16384x128xi32, #tpu.memory_space<hbm>> -> memref<128x128xi32, #tpu.memory_space<hbm>>
    %dma_start3A_161 = arith.constant 0 : i32
    %dma_start3A_162 = tpu.memref_slice %arg7[%add3A_158, %dma_start3A_161] : memref<16384x128xi32, #tpu.memory_space<hbm>> -> memref<128x128xi32, #tpu.memory_space<hbm>>
    tpu.enqueue_dma source(%arg10 : memref<128x128xi32, #tpu.memory_space<vmem>>) target(%dma_start3A_162 : memref<128x128xi32, #tpu.memory_space<hbm>>) target_semaphore(%arg13 : memref<!tpu.dma_semaphore, #tpu.memory_space<semaphore_mem>>)
    %dma_wait3A_163 = arith.constant 384 : i32
    %dma_wait3A_164 = tpu.memref_slice %arg9[%dma_wait3A_163] : memref<512xi32, #tpu.memory_space<vmem>> -> memref<128xi32, #tpu.memory_space<vmem>>
    %dma_wait3A_165 = arith.constant 0 : i32
    %dma_wait3A_166 = arith.constant 0 : i32
    %dma_wait3A_167 = tpu.memref_slice %arg3[%dma_wait3A_165, %dma_wait3A_166] : memref<2048x128xi32, #tpu.memory_space<hbm>> -> memref<2048x128xi32, #tpu.memory_space<hbm>>
    tpu.wait_indirect_dma semaphore(%arg12 : memref<!tpu.dma_semaphore, #tpu.memory_space<semaphore_mem>>) src(%dma_wait3A_167 : memref<2048x128xi32, #tpu.memory_space<hbm>>) dst(%arg11 : memref<128x128xi32, #tpu.memory_space<vmem>>)
    %dma_wait3A_168 = arith.constant 0 : i32
    %dma_wait3A_169 = tpu.memref_slice %arg7[%add3A_158, %dma_wait3A_168] : memref<16384x128xi32, #tpu.memory_space<hbm>> -> memref<128x128xi32, #tpu.memory_space<hbm>>
    %dma_wait3A_170 = arith.constant 0 : i32
    %dma_wait3A_171 = tpu.memref_slice %arg7[%add3A_158, %dma_wait3A_170] : memref<16384x128xi32, #tpu.memory_space<hbm>> -> memref<128x128xi32, #tpu.memory_space<hbm>>
    tpu.wait_dma2 semaphore(%arg13 : memref<!tpu.dma_semaphore, #tpu.memory_space<semaphore_mem>>) src(%arg10 : memref<128x128xi32, #tpu.memory_space<vmem>>) dst(%dma_wait3A_171 : memref<128x128xi32, #tpu.memory_space<hbm>>)
    %add3A_172 = arith.constant 384 : i32
    %add3A_173 = arith.addi %mul3A_2, %add3A_172 : i32
    "tpu.region"() ({
      %run_scoped3A = tpu.sem_alloc : memref<!tpu.dma_semaphore, #tpu.memory_space<semaphore_mem>>
      %dma_start3A_174 = arith.constant 0 : i32
      %dma_start3A_175 = tpu.memref_slice %arg7[%add3A_173, %dma_start3A_174] : memref<16384x128xi32, #tpu.memory_space<hbm>> -> memref<128x128xi32, #tpu.memory_space<hbm>>
      %dma_start3A_176 = arith.constant 0 : i32
      %dma_start3A_177 = tpu.memref_slice %arg7[%add3A_173, %dma_start3A_176] : memref<16384x128xi32, #tpu.memory_space<hbm>> -> memref<128x128xi32, #tpu.memory_space<hbm>>
      tpu.enqueue_dma source(%arg11 : memref<128x128xi32, #tpu.memory_space<vmem>>) target(%dma_start3A_177 : memref<128x128xi32, #tpu.memory_space<hbm>>) target_semaphore(%run_scoped3A : memref<!tpu.dma_semaphore, #tpu.memory_space<semaphore_mem>>)
      %dma_wait3A_178 = arith.constant 0 : i32
      %dma_wait3A_179 = tpu.memref_slice %arg7[%add3A_173, %dma_wait3A_178] : memref<16384x128xi32, #tpu.memory_space<hbm>> -> memref<128x128xi32, #tpu.memory_space<hbm>>
      %dma_wait3A_180 = arith.constant 0 : i32
      %dma_wait3A_181 = tpu.memref_slice %arg7[%add3A_173, %dma_wait3A_180] : memref<16384x128xi32, #tpu.memory_space<hbm>> -> memref<128x128xi32, #tpu.memory_space<hbm>>
      tpu.wait_dma2 semaphore(%run_scoped3A : memref<!tpu.dma_semaphore, #tpu.memory_space<semaphore_mem>>) src(%arg11 : memref<128x128xi32, #tpu.memory_space<vmem>>) dst(%dma_wait3A_181 : memref<128x128xi32, #tpu.memory_space<hbm>>)
      tpu.yield
    }) : () -> ()
    return
  }
}

#map = affine_map<(d0, d1) -> (0, 0)>
#map1 = affine_map<(d0, d1) -> (0)>
module attributes {stable_mosaic.version = 14 : i64} {
  func.func @_sc_gather(%arg0: i32, %arg1: i32, %arg2: memref<2048x128xi32, #tpu.memory_space<hbm>>, %arg3: memref<2048x128xi32, #tpu.memory_space<hbm>>, %arg4: memref<65536xi32, #tpu.memory_space<hbm>>, %arg5: memref<65536xi32, #tpu.memory_space<hbm>>, %arg6: memref<49152x128xi32, #tpu.memory_space<hbm>>, %arg7: memref<49152x128xi32, #tpu.memory_space<hbm>>, %arg8: memref<1536xi32, #tpu.memory_space<vmem>>, %arg9: memref<1536xi32, #tpu.memory_space<vmem>>, %arg10: memref<128x128xi32, #tpu.memory_space<vmem>>, %arg11: memref<128x128xi32, #tpu.memory_space<vmem>>, %arg12: memref<!tpu.dma_semaphore, #tpu.memory_space<semaphore_mem>>, %arg13: memref<!tpu.dma_semaphore, #tpu.memory_space<semaphore_mem>>) attributes {dimension_semantics = [#tpu.dimension_semantics<core_parallel>, #tpu.dimension_semantics<subcore_parallel>], iteration_bounds = array<i64: 2, 16>, scalar_prefetch = 0 : i64, scratch_operands = 6 : i64, tpu.core_type = #tpu.core_type<sc_vector_subcore>, window_params = [{transform_indices = #map}, {transform_indices = #map}, {transform_indices = #map1}, {transform_indices = #map1}, {transform_indices = #map}, {transform_indices = #map}]} {
    %mul3A = arith.constant 16 : i32
    %mul3A_0 = arith.muli %arg0, %mul3A : i32
    %add3A = arith.addi %mul3A_0, %arg1 : i32
    %mul3A_1 = arith.constant 1536 : i32
    %mul3A_2 = arith.muli %add3A, %mul3A_1 : i32
    %add3A_3 = arith.constant 16384 : i32
    %add3A_4 = arith.addi %add3A_3, %mul3A_2 : i32
    "tpu.region"() ({
      %run_scoped3A = tpu.sem_alloc : memref<!tpu.dma_semaphore, #tpu.memory_space<semaphore_mem>>
      %dma_start3A_80 = tpu.memref_slice %arg4[%add3A_4] : memref<65536xi32, #tpu.memory_space<hbm>> -> memref<1536xi32, #tpu.memory_space<hbm>>
      %dma_start3A_81 = tpu.memref_slice %arg4[%add3A_4] : memref<65536xi32, #tpu.memory_space<hbm>> -> memref<1536xi32, #tpu.memory_space<hbm>>
      tpu.enqueue_dma source(%dma_start3A_81 : memref<1536xi32, #tpu.memory_space<hbm>>) target(%arg8 : memref<1536xi32, #tpu.memory_space<vmem>>) target_semaphore(%run_scoped3A : memref<!tpu.dma_semaphore, #tpu.memory_space<semaphore_mem>>)
      %dma_wait3A_82 = tpu.memref_slice %arg4[%add3A_4] : memref<65536xi32, #tpu.memory_space<hbm>> -> memref<1536xi32, #tpu.memory_space<hbm>>
      %dma_wait3A_83 = tpu.memref_slice %arg4[%add3A_4] : memref<65536xi32, #tpu.memory_space<hbm>> -> memref<1536xi32, #tpu.memory_space<hbm>>
      tpu.wait_dma2 semaphore(%run_scoped3A : memref<!tpu.dma_semaphore, #tpu.memory_space<semaphore_mem>>) src(%dma_wait3A_83 : memref<1536xi32, #tpu.memory_space<hbm>>) dst(%arg8 : memref<1536xi32, #tpu.memory_space<vmem>>)
      tpu.yield
    }) : () -> ()
    %add3A_5 = arith.constant 16384 : i32
    %add3A_6 = arith.addi %add3A_5, %mul3A_2 : i32
    "tpu.region"() ({
      %run_scoped3A = tpu.sem_alloc : memref<!tpu.dma_semaphore, #tpu.memory_space<semaphore_mem>>
      %dma_start3A_80 = tpu.memref_slice %arg5[%add3A_6] : memref<65536xi32, #tpu.memory_space<hbm>> -> memref<1536xi32, #tpu.memory_space<hbm>>
      %dma_start3A_81 = tpu.memref_slice %arg5[%add3A_6] : memref<65536xi32, #tpu.memory_space<hbm>> -> memref<1536xi32, #tpu.memory_space<hbm>>
      tpu.enqueue_dma source(%dma_start3A_81 : memref<1536xi32, #tpu.memory_space<hbm>>) target(%arg9 : memref<1536xi32, #tpu.memory_space<vmem>>) target_semaphore(%run_scoped3A : memref<!tpu.dma_semaphore, #tpu.memory_space<semaphore_mem>>)
      %dma_wait3A_82 = tpu.memref_slice %arg5[%add3A_6] : memref<65536xi32, #tpu.memory_space<hbm>> -> memref<1536xi32, #tpu.memory_space<hbm>>
      %dma_wait3A_83 = tpu.memref_slice %arg5[%add3A_6] : memref<65536xi32, #tpu.memory_space<hbm>> -> memref<1536xi32, #tpu.memory_space<hbm>>
      tpu.wait_dma2 semaphore(%run_scoped3A : memref<!tpu.dma_semaphore, #tpu.memory_space<semaphore_mem>>) src(%dma_wait3A_83 : memref<1536xi32, #tpu.memory_space<hbm>>) dst(%arg9 : memref<1536xi32, #tpu.memory_space<vmem>>)
      tpu.yield
    }) : () -> ()
    %dma_start3A = arith.constant 0 : i32
    %dma_start3A_7 = tpu.memref_slice %arg8[%dma_start3A] : memref<1536xi32, #tpu.memory_space<vmem>> -> memref<128xi32, #tpu.memory_space<vmem>>
    %dma_start3A_8 = arith.constant 0 : i32
    %dma_start3A_9 = arith.constant 0 : i32
    %dma_start3A_10 = tpu.memref_slice %arg2[%dma_start3A_8, %dma_start3A_9] : memref<2048x128xi32, #tpu.memory_space<hbm>> -> memref<2048x128xi32, #tpu.memory_space<hbm>>
    tpu.enqueue_indirect_dma source(%dma_start3A_10 : memref<2048x128xi32, #tpu.memory_space<hbm>>) target(%arg10 : memref<128x128xi32, #tpu.memory_space<vmem>>) offsets(%dma_start3A_7 : memref<128xi32, #tpu.memory_space<vmem>>) semaphore(%arg12 : memref<!tpu.dma_semaphore, #tpu.memory_space<semaphore_mem>>)
    %dma_wait3A = arith.constant 0 : i32
    %dma_wait3A_11 = tpu.memref_slice %arg8[%dma_wait3A] : memref<1536xi32, #tpu.memory_space<vmem>> -> memref<128xi32, #tpu.memory_space<vmem>>
    %dma_wait3A_12 = arith.constant 0 : i32
    %dma_wait3A_13 = arith.constant 0 : i32
    %dma_wait3A_14 = tpu.memref_slice %arg2[%dma_wait3A_12, %dma_wait3A_13] : memref<2048x128xi32, #tpu.memory_space<hbm>> -> memref<2048x128xi32, #tpu.memory_space<hbm>>
    tpu.wait_indirect_dma semaphore(%arg12 : memref<!tpu.dma_semaphore, #tpu.memory_space<semaphore_mem>>) src(%dma_wait3A_14 : memref<2048x128xi32, #tpu.memory_space<hbm>>) dst(%arg10 : memref<128x128xi32, #tpu.memory_space<vmem>>)
    %scan3A = arith.constant 0 : i32
    %scan3A_15 = arith.constant 0 : i32
    %scan3A_16 = arith.constant 5 : i32
    %scan3A_17 = arith.addi %scan3A_15, %scan3A_16 : i32
    %scan3A_18 = arith.constant 1 : i32
    scf.for %scan3A_80 = %scan3A_15 to %scan3A_17 step %scan3A_18  : i32 {
      %mul3A_81 = arith.constant 2 : i32
      %mul3A_82 = arith.muli %mul3A_81, %scan3A_80 : i32
      %add3A_83 = arith.constant 1 : i32
      %add3A_84 = arith.addi %mul3A_82, %add3A_83 : i32
      %mul3A_85 = arith.constant 128 : i32
      %mul3A_86 = arith.muli %add3A_84, %mul3A_85 : i32
      %dma_start3A_87 = tpu.memref_slice %arg8[%mul3A_86] : memref<1536xi32, #tpu.memory_space<vmem>> -> memref<128xi32, #tpu.memory_space<vmem>>
      %dma_start3A_88 = arith.constant 0 : i32
      %dma_start3A_89 = arith.constant 0 : i32
      %dma_start3A_90 = tpu.memref_slice %arg2[%dma_start3A_88, %dma_start3A_89] : memref<2048x128xi32, #tpu.memory_space<hbm>> -> memref<2048x128xi32, #tpu.memory_space<hbm>>
      tpu.enqueue_indirect_dma source(%dma_start3A_90 : memref<2048x128xi32, #tpu.memory_space<hbm>>) target(%arg11 : memref<128x128xi32, #tpu.memory_space<vmem>>) offsets(%dma_start3A_87 : memref<128xi32, #tpu.memory_space<vmem>>) semaphore(%arg12 : memref<!tpu.dma_semaphore, #tpu.memory_space<semaphore_mem>>)
      %mul3A_91 = arith.constant 128 : i32
      %mul3A_92 = arith.muli %mul3A_82, %mul3A_91 : i32
      %add3A_93 = arith.addi %mul3A_2, %mul3A_92 : i32
      %dma_start3A_94 = arith.constant 0 : i32
      %dma_start3A_95 = tpu.memref_slice %arg6[%add3A_93, %dma_start3A_94] : memref<49152x128xi32, #tpu.memory_space<hbm>> -> memref<128x128xi32, #tpu.memory_space<hbm>>
      %dma_start3A_96 = arith.constant 0 : i32
      %dma_start3A_97 = tpu.memref_slice %arg6[%add3A_93, %dma_start3A_96] : memref<49152x128xi32, #tpu.memory_space<hbm>> -> memref<128x128xi32, #tpu.memory_space<hbm>>
      tpu.enqueue_dma source(%arg10 : memref<128x128xi32, #tpu.memory_space<vmem>>) target(%dma_start3A_97 : memref<128x128xi32, #tpu.memory_space<hbm>>) target_semaphore(%arg13 : memref<!tpu.dma_semaphore, #tpu.memory_space<semaphore_mem>>)
      %dma_wait3A_98 = tpu.memref_slice %arg8[%mul3A_86] : memref<1536xi32, #tpu.memory_space<vmem>> -> memref<128xi32, #tpu.memory_space<vmem>>
      %dma_wait3A_99 = arith.constant 0 : i32
      %dma_wait3A_100 = arith.constant 0 : i32
      %dma_wait3A_101 = tpu.memref_slice %arg2[%dma_wait3A_99, %dma_wait3A_100] : memref<2048x128xi32, #tpu.memory_space<hbm>> -> memref<2048x128xi32, #tpu.memory_space<hbm>>
      tpu.wait_indirect_dma semaphore(%arg12 : memref<!tpu.dma_semaphore, #tpu.memory_space<semaphore_mem>>) src(%dma_wait3A_101 : memref<2048x128xi32, #tpu.memory_space<hbm>>) dst(%arg11 : memref<128x128xi32, #tpu.memory_space<vmem>>)
      %dma_wait3A_102 = arith.constant 0 : i32
      %dma_wait3A_103 = tpu.memref_slice %arg6[%add3A_93, %dma_wait3A_102] : memref<49152x128xi32, #tpu.memory_space<hbm>> -> memref<128x128xi32, #tpu.memory_space<hbm>>
      %dma_wait3A_104 = arith.constant 0 : i32
      %dma_wait3A_105 = tpu.memref_slice %arg6[%add3A_93, %dma_wait3A_104] : memref<49152x128xi32, #tpu.memory_space<hbm>> -> memref<128x128xi32, #tpu.memory_space<hbm>>
      tpu.wait_dma2 semaphore(%arg13 : memref<!tpu.dma_semaphore, #tpu.memory_space<semaphore_mem>>) src(%arg10 : memref<128x128xi32, #tpu.memory_space<vmem>>) dst(%dma_wait3A_105 : memref<128x128xi32, #tpu.memory_space<hbm>>)
      %add3A_106 = arith.constant 2 : i32
      %add3A_107 = arith.addi %mul3A_82, %add3A_106 : i32
      %mul3A_108 = arith.constant 128 : i32
      %mul3A_109 = arith.muli %add3A_107, %mul3A_108 : i32
      %dma_start3A_110 = tpu.memref_slice %arg8[%mul3A_109] : memref<1536xi32, #tpu.memory_space<vmem>> -> memref<128xi32, #tpu.memory_space<vmem>>
      %dma_start3A_111 = arith.constant 0 : i32
      %dma_start3A_112 = arith.constant 0 : i32
      %dma_start3A_113 = tpu.memref_slice %arg2[%dma_start3A_111, %dma_start3A_112] : memref<2048x128xi32, #tpu.memory_space<hbm>> -> memref<2048x128xi32, #tpu.memory_space<hbm>>
      tpu.enqueue_indirect_dma source(%dma_start3A_113 : memref<2048x128xi32, #tpu.memory_space<hbm>>) target(%arg10 : memref<128x128xi32, #tpu.memory_space<vmem>>) offsets(%dma_start3A_110 : memref<128xi32, #tpu.memory_space<vmem>>) semaphore(%arg12 : memref<!tpu.dma_semaphore, #tpu.memory_space<semaphore_mem>>)
      %add3A_114 = arith.constant 1 : i32
      %add3A_115 = arith.addi %mul3A_82, %add3A_114 : i32
      %mul3A_116 = arith.constant 128 : i32
      %mul3A_117 = arith.muli %add3A_115, %mul3A_116 : i32
      %add3A_118 = arith.addi %mul3A_2, %mul3A_117 : i32
      %dma_start3A_119 = arith.constant 0 : i32
      %dma_start3A_120 = tpu.memref_slice %arg6[%add3A_118, %dma_start3A_119] : memref<49152x128xi32, #tpu.memory_space<hbm>> -> memref<128x128xi32, #tpu.memory_space<hbm>>
      %dma_start3A_121 = arith.constant 0 : i32
      %dma_start3A_122 = tpu.memref_slice %arg6[%add3A_118, %dma_start3A_121] : memref<49152x128xi32, #tpu.memory_space<hbm>> -> memref<128x128xi32, #tpu.memory_space<hbm>>
      tpu.enqueue_dma source(%arg11 : memref<128x128xi32, #tpu.memory_space<vmem>>) target(%dma_start3A_122 : memref<128x128xi32, #tpu.memory_space<hbm>>) target_semaphore(%arg13 : memref<!tpu.dma_semaphore, #tpu.memory_space<semaphore_mem>>)
      %dma_wait3A_123 = tpu.memref_slice %arg8[%mul3A_109] : memref<1536xi32, #tpu.memory_space<vmem>> -> memref<128xi32, #tpu.memory_space<vmem>>
      %dma_wait3A_124 = arith.constant 0 : i32
      %dma_wait3A_125 = arith.constant 0 : i32
      %dma_wait3A_126 = tpu.memref_slice %arg2[%dma_wait3A_124, %dma_wait3A_125] : memref<2048x128xi32, #tpu.memory_space<hbm>> -> memref<2048x128xi32, #tpu.memory_space<hbm>>
      tpu.wait_indirect_dma semaphore(%arg12 : memref<!tpu.dma_semaphore, #tpu.memory_space<semaphore_mem>>) src(%dma_wait3A_126 : memref<2048x128xi32, #tpu.memory_space<hbm>>) dst(%arg10 : memref<128x128xi32, #tpu.memory_space<vmem>>)
      %dma_wait3A_127 = arith.constant 0 : i32
      %dma_wait3A_128 = tpu.memref_slice %arg6[%add3A_118, %dma_wait3A_127] : memref<49152x128xi32, #tpu.memory_space<hbm>> -> memref<128x128xi32, #tpu.memory_space<hbm>>
      %dma_wait3A_129 = arith.constant 0 : i32
      %dma_wait3A_130 = tpu.memref_slice %arg6[%add3A_118, %dma_wait3A_129] : memref<49152x128xi32, #tpu.memory_space<hbm>> -> memref<128x128xi32, #tpu.memory_space<hbm>>
      tpu.wait_dma2 semaphore(%arg13 : memref<!tpu.dma_semaphore, #tpu.memory_space<semaphore_mem>>) src(%arg11 : memref<128x128xi32, #tpu.memory_space<vmem>>) dst(%dma_wait3A_130 : memref<128x128xi32, #tpu.memory_space<hbm>>)
    }
    %scan3A_19 = arith.constant 5 : i32
    %dma_start3A_20 = arith.constant 1408 : i32
    %dma_start3A_21 = tpu.memref_slice %arg8[%dma_start3A_20] : memref<1536xi32, #tpu.memory_space<vmem>> -> memref<128xi32, #tpu.memory_space<vmem>>
    %dma_start3A_22 = arith.constant 0 : i32
    %dma_start3A_23 = arith.constant 0 : i32
    %dma_start3A_24 = tpu.memref_slice %arg2[%dma_start3A_22, %dma_start3A_23] : memref<2048x128xi32, #tpu.memory_space<hbm>> -> memref<2048x128xi32, #tpu.memory_space<hbm>>
    tpu.enqueue_indirect_dma source(%dma_start3A_24 : memref<2048x128xi32, #tpu.memory_space<hbm>>) target(%arg11 : memref<128x128xi32, #tpu.memory_space<vmem>>) offsets(%dma_start3A_21 : memref<128xi32, #tpu.memory_space<vmem>>) semaphore(%arg12 : memref<!tpu.dma_semaphore, #tpu.memory_space<semaphore_mem>>)
    %add3A_25 = arith.constant 1280 : i32
    %add3A_26 = arith.addi %mul3A_2, %add3A_25 : i32
    %dma_start3A_27 = arith.constant 0 : i32
    %dma_start3A_28 = tpu.memref_slice %arg6[%add3A_26, %dma_start3A_27] : memref<49152x128xi32, #tpu.memory_space<hbm>> -> memref<128x128xi32, #tpu.memory_space<hbm>>
    %dma_start3A_29 = arith.constant 0 : i32
    %dma_start3A_30 = tpu.memref_slice %arg6[%add3A_26, %dma_start3A_29] : memref<49152x128xi32, #tpu.memory_space<hbm>> -> memref<128x128xi32, #tpu.memory_space<hbm>>
    tpu.enqueue_dma source(%arg10 : memref<128x128xi32, #tpu.memory_space<vmem>>) target(%dma_start3A_30 : memref<128x128xi32, #tpu.memory_space<hbm>>) target_semaphore(%arg13 : memref<!tpu.dma_semaphore, #tpu.memory_space<semaphore_mem>>)
    %dma_wait3A_31 = arith.constant 1408 : i32
    %dma_wait3A_32 = tpu.memref_slice %arg8[%dma_wait3A_31] : memref<1536xi32, #tpu.memory_space<vmem>> -> memref<128xi32, #tpu.memory_space<vmem>>
    %dma_wait3A_33 = arith.constant 0 : i32
    %dma_wait3A_34 = arith.constant 0 : i32
    %dma_wait3A_35 = tpu.memref_slice %arg2[%dma_wait3A_33, %dma_wait3A_34] : memref<2048x128xi32, #tpu.memory_space<hbm>> -> memref<2048x128xi32, #tpu.memory_space<hbm>>
    tpu.wait_indirect_dma semaphore(%arg12 : memref<!tpu.dma_semaphore, #tpu.memory_space<semaphore_mem>>) src(%dma_wait3A_35 : memref<2048x128xi32, #tpu.memory_space<hbm>>) dst(%arg11 : memref<128x128xi32, #tpu.memory_space<vmem>>)
    %dma_wait3A_36 = arith.constant 0 : i32
    %dma_wait3A_37 = tpu.memref_slice %arg6[%add3A_26, %dma_wait3A_36] : memref<49152x128xi32, #tpu.memory_space<hbm>> -> memref<128x128xi32, #tpu.memory_space<hbm>>
    %dma_wait3A_38 = arith.constant 0 : i32
    %dma_wait3A_39 = tpu.memref_slice %arg6[%add3A_26, %dma_wait3A_38] : memref<49152x128xi32, #tpu.memory_space<hbm>> -> memref<128x128xi32, #tpu.memory_space<hbm>>
    tpu.wait_dma2 semaphore(%arg13 : memref<!tpu.dma_semaphore, #tpu.memory_space<semaphore_mem>>) src(%arg10 : memref<128x128xi32, #tpu.memory_space<vmem>>) dst(%dma_wait3A_39 : memref<128x128xi32, #tpu.memory_space<hbm>>)
    %add3A_40 = arith.constant 1408 : i32
    %add3A_41 = arith.addi %mul3A_2, %add3A_40 : i32
    "tpu.region"() ({
      %run_scoped3A = tpu.sem_alloc : memref<!tpu.dma_semaphore, #tpu.memory_space<semaphore_mem>>
      %dma_start3A_80 = arith.constant 0 : i32
      %dma_start3A_81 = tpu.memref_slice %arg6[%add3A_41, %dma_start3A_80] : memref<49152x128xi32, #tpu.memory_space<hbm>> -> memref<128x128xi32, #tpu.memory_space<hbm>>
      %dma_start3A_82 = arith.constant 0 : i32
      %dma_start3A_83 = tpu.memref_slice %arg6[%add3A_41, %dma_start3A_82] : memref<49152x128xi32, #tpu.memory_space<hbm>> -> memref<128x128xi32, #tpu.memory_space<hbm>>
      tpu.enqueue_dma source(%arg11 : memref<128x128xi32, #tpu.memory_space<vmem>>) target(%dma_start3A_83 : memref<128x128xi32, #tpu.memory_space<hbm>>) target_semaphore(%run_scoped3A : memref<!tpu.dma_semaphore, #tpu.memory_space<semaphore_mem>>)
      %dma_wait3A_84 = arith.constant 0 : i32
      %dma_wait3A_85 = tpu.memref_slice %arg6[%add3A_41, %dma_wait3A_84] : memref<49152x128xi32, #tpu.memory_space<hbm>> -> memref<128x128xi32, #tpu.memory_space<hbm>>
      %dma_wait3A_86 = arith.constant 0 : i32
      %dma_wait3A_87 = tpu.memref_slice %arg6[%add3A_41, %dma_wait3A_86] : memref<49152x128xi32, #tpu.memory_space<hbm>> -> memref<128x128xi32, #tpu.memory_space<hbm>>
      tpu.wait_dma2 semaphore(%run_scoped3A : memref<!tpu.dma_semaphore, #tpu.memory_space<semaphore_mem>>) src(%arg11 : memref<128x128xi32, #tpu.memory_space<vmem>>) dst(%dma_wait3A_87 : memref<128x128xi32, #tpu.memory_space<hbm>>)
      tpu.yield
    }) : () -> ()
    %dma_start3A_42 = arith.constant 0 : i32
    %dma_start3A_43 = tpu.memref_slice %arg9[%dma_start3A_42] : memref<1536xi32, #tpu.memory_space<vmem>> -> memref<128xi32, #tpu.memory_space<vmem>>
    %dma_start3A_44 = arith.constant 0 : i32
    %dma_start3A_45 = arith.constant 0 : i32
    %dma_start3A_46 = tpu.memref_slice %arg3[%dma_start3A_44, %dma_start3A_45] : memref<2048x128xi32, #tpu.memory_space<hbm>> -> memref<2048x128xi32, #tpu.memory_space<hbm>>
    tpu.enqueue_indirect_dma source(%dma_start3A_46 : memref<2048x128xi32, #tpu.memory_space<hbm>>) target(%arg10 : memref<128x128xi32, #tpu.memory_space<vmem>>) offsets(%dma_start3A_43 : memref<128xi32, #tpu.memory_space<vmem>>) semaphore(%arg12 : memref<!tpu.dma_semaphore, #tpu.memory_space<semaphore_mem>>)
    %dma_wait3A_47 = arith.constant 0 : i32
    %dma_wait3A_48 = tpu.memref_slice %arg9[%dma_wait3A_47] : memref<1536xi32, #tpu.memory_space<vmem>> -> memref<128xi32, #tpu.memory_space<vmem>>
    %dma_wait3A_49 = arith.constant 0 : i32
    %dma_wait3A_50 = arith.constant 0 : i32
    %dma_wait3A_51 = tpu.memref_slice %arg3[%dma_wait3A_49, %dma_wait3A_50] : memref<2048x128xi32, #tpu.memory_space<hbm>> -> memref<2048x128xi32, #tpu.memory_space<hbm>>
    tpu.wait_indirect_dma semaphore(%arg12 : memref<!tpu.dma_semaphore, #tpu.memory_space<semaphore_mem>>) src(%dma_wait3A_51 : memref<2048x128xi32, #tpu.memory_space<hbm>>) dst(%arg10 : memref<128x128xi32, #tpu.memory_space<vmem>>)
    %scan3A_52 = arith.constant 0 : i32
    %scan3A_53 = arith.constant 0 : i32
    %scan3A_54 = arith.constant 5 : i32
    %scan3A_55 = arith.addi %scan3A_53, %scan3A_54 : i32
    %scan3A_56 = arith.constant 1 : i32
    scf.for %scan3A_80 = %scan3A_53 to %scan3A_55 step %scan3A_56  : i32 {
      %mul3A_81 = arith.constant 2 : i32
      %mul3A_82 = arith.muli %mul3A_81, %scan3A_80 : i32
      %add3A_83 = arith.constant 1 : i32
      %add3A_84 = arith.addi %mul3A_82, %add3A_83 : i32
      %mul3A_85 = arith.constant 128 : i32
      %mul3A_86 = arith.muli %add3A_84, %mul3A_85 : i32
      %dma_start3A_87 = tpu.memref_slice %arg9[%mul3A_86] : memref<1536xi32, #tpu.memory_space<vmem>> -> memref<128xi32, #tpu.memory_space<vmem>>
      %dma_start3A_88 = arith.constant 0 : i32
      %dma_start3A_89 = arith.constant 0 : i32
      %dma_start3A_90 = tpu.memref_slice %arg3[%dma_start3A_88, %dma_start3A_89] : memref<2048x128xi32, #tpu.memory_space<hbm>> -> memref<2048x128xi32, #tpu.memory_space<hbm>>
      tpu.enqueue_indirect_dma source(%dma_start3A_90 : memref<2048x128xi32, #tpu.memory_space<hbm>>) target(%arg11 : memref<128x128xi32, #tpu.memory_space<vmem>>) offsets(%dma_start3A_87 : memref<128xi32, #tpu.memory_space<vmem>>) semaphore(%arg12 : memref<!tpu.dma_semaphore, #tpu.memory_space<semaphore_mem>>)
      %mul3A_91 = arith.constant 128 : i32
      %mul3A_92 = arith.muli %mul3A_82, %mul3A_91 : i32
      %add3A_93 = arith.addi %mul3A_2, %mul3A_92 : i32
      %dma_start3A_94 = arith.constant 0 : i32
      %dma_start3A_95 = tpu.memref_slice %arg7[%add3A_93, %dma_start3A_94] : memref<49152x128xi32, #tpu.memory_space<hbm>> -> memref<128x128xi32, #tpu.memory_space<hbm>>
      %dma_start3A_96 = arith.constant 0 : i32
      %dma_start3A_97 = tpu.memref_slice %arg7[%add3A_93, %dma_start3A_96] : memref<49152x128xi32, #tpu.memory_space<hbm>> -> memref<128x128xi32, #tpu.memory_space<hbm>>
      tpu.enqueue_dma source(%arg10 : memref<128x128xi32, #tpu.memory_space<vmem>>) target(%dma_start3A_97 : memref<128x128xi32, #tpu.memory_space<hbm>>) target_semaphore(%arg13 : memref<!tpu.dma_semaphore, #tpu.memory_space<semaphore_mem>>)
      %dma_wait3A_98 = tpu.memref_slice %arg9[%mul3A_86] : memref<1536xi32, #tpu.memory_space<vmem>> -> memref<128xi32, #tpu.memory_space<vmem>>
      %dma_wait3A_99 = arith.constant 0 : i32
      %dma_wait3A_100 = arith.constant 0 : i32
      %dma_wait3A_101 = tpu.memref_slice %arg3[%dma_wait3A_99, %dma_wait3A_100] : memref<2048x128xi32, #tpu.memory_space<hbm>> -> memref<2048x128xi32, #tpu.memory_space<hbm>>
      tpu.wait_indirect_dma semaphore(%arg12 : memref<!tpu.dma_semaphore, #tpu.memory_space<semaphore_mem>>) src(%dma_wait3A_101 : memref<2048x128xi32, #tpu.memory_space<hbm>>) dst(%arg11 : memref<128x128xi32, #tpu.memory_space<vmem>>)
      %dma_wait3A_102 = arith.constant 0 : i32
      %dma_wait3A_103 = tpu.memref_slice %arg7[%add3A_93, %dma_wait3A_102] : memref<49152x128xi32, #tpu.memory_space<hbm>> -> memref<128x128xi32, #tpu.memory_space<hbm>>
      %dma_wait3A_104 = arith.constant 0 : i32
      %dma_wait3A_105 = tpu.memref_slice %arg7[%add3A_93, %dma_wait3A_104] : memref<49152x128xi32, #tpu.memory_space<hbm>> -> memref<128x128xi32, #tpu.memory_space<hbm>>
      tpu.wait_dma2 semaphore(%arg13 : memref<!tpu.dma_semaphore, #tpu.memory_space<semaphore_mem>>) src(%arg10 : memref<128x128xi32, #tpu.memory_space<vmem>>) dst(%dma_wait3A_105 : memref<128x128xi32, #tpu.memory_space<hbm>>)
      %add3A_106 = arith.constant 2 : i32
      %add3A_107 = arith.addi %mul3A_82, %add3A_106 : i32
      %mul3A_108 = arith.constant 128 : i32
      %mul3A_109 = arith.muli %add3A_107, %mul3A_108 : i32
      %dma_start3A_110 = tpu.memref_slice %arg9[%mul3A_109] : memref<1536xi32, #tpu.memory_space<vmem>> -> memref<128xi32, #tpu.memory_space<vmem>>
      %dma_start3A_111 = arith.constant 0 : i32
      %dma_start3A_112 = arith.constant 0 : i32
      %dma_start3A_113 = tpu.memref_slice %arg3[%dma_start3A_111, %dma_start3A_112] : memref<2048x128xi32, #tpu.memory_space<hbm>> -> memref<2048x128xi32, #tpu.memory_space<hbm>>
      tpu.enqueue_indirect_dma source(%dma_start3A_113 : memref<2048x128xi32, #tpu.memory_space<hbm>>) target(%arg10 : memref<128x128xi32, #tpu.memory_space<vmem>>) offsets(%dma_start3A_110 : memref<128xi32, #tpu.memory_space<vmem>>) semaphore(%arg12 : memref<!tpu.dma_semaphore, #tpu.memory_space<semaphore_mem>>)
      %add3A_114 = arith.constant 1 : i32
      %add3A_115 = arith.addi %mul3A_82, %add3A_114 : i32
      %mul3A_116 = arith.constant 128 : i32
      %mul3A_117 = arith.muli %add3A_115, %mul3A_116 : i32
      %add3A_118 = arith.addi %mul3A_2, %mul3A_117 : i32
      %dma_start3A_119 = arith.constant 0 : i32
      %dma_start3A_120 = tpu.memref_slice %arg7[%add3A_118, %dma_start3A_119] : memref<49152x128xi32, #tpu.memory_space<hbm>> -> memref<128x128xi32, #tpu.memory_space<hbm>>
      %dma_start3A_121 = arith.constant 0 : i32
      %dma_start3A_122 = tpu.memref_slice %arg7[%add3A_118, %dma_start3A_121] : memref<49152x128xi32, #tpu.memory_space<hbm>> -> memref<128x128xi32, #tpu.memory_space<hbm>>
      tpu.enqueue_dma source(%arg11 : memref<128x128xi32, #tpu.memory_space<vmem>>) target(%dma_start3A_122 : memref<128x128xi32, #tpu.memory_space<hbm>>) target_semaphore(%arg13 : memref<!tpu.dma_semaphore, #tpu.memory_space<semaphore_mem>>)
      %dma_wait3A_123 = tpu.memref_slice %arg9[%mul3A_109] : memref<1536xi32, #tpu.memory_space<vmem>> -> memref<128xi32, #tpu.memory_space<vmem>>
      %dma_wait3A_124 = arith.constant 0 : i32
      %dma_wait3A_125 = arith.constant 0 : i32
      %dma_wait3A_126 = tpu.memref_slice %arg3[%dma_wait3A_124, %dma_wait3A_125] : memref<2048x128xi32, #tpu.memory_space<hbm>> -> memref<2048x128xi32, #tpu.memory_space<hbm>>
      tpu.wait_indirect_dma semaphore(%arg12 : memref<!tpu.dma_semaphore, #tpu.memory_space<semaphore_mem>>) src(%dma_wait3A_126 : memref<2048x128xi32, #tpu.memory_space<hbm>>) dst(%arg10 : memref<128x128xi32, #tpu.memory_space<vmem>>)
      %dma_wait3A_127 = arith.constant 0 : i32
      %dma_wait3A_128 = tpu.memref_slice %arg7[%add3A_118, %dma_wait3A_127] : memref<49152x128xi32, #tpu.memory_space<hbm>> -> memref<128x128xi32, #tpu.memory_space<hbm>>
      %dma_wait3A_129 = arith.constant 0 : i32
      %dma_wait3A_130 = tpu.memref_slice %arg7[%add3A_118, %dma_wait3A_129] : memref<49152x128xi32, #tpu.memory_space<hbm>> -> memref<128x128xi32, #tpu.memory_space<hbm>>
      tpu.wait_dma2 semaphore(%arg13 : memref<!tpu.dma_semaphore, #tpu.memory_space<semaphore_mem>>) src(%arg11 : memref<128x128xi32, #tpu.memory_space<vmem>>) dst(%dma_wait3A_130 : memref<128x128xi32, #tpu.memory_space<hbm>>)
    }
    %scan3A_57 = arith.constant 5 : i32
    %dma_start3A_58 = arith.constant 1408 : i32
    %dma_start3A_59 = tpu.memref_slice %arg9[%dma_start3A_58] : memref<1536xi32, #tpu.memory_space<vmem>> -> memref<128xi32, #tpu.memory_space<vmem>>
    %dma_start3A_60 = arith.constant 0 : i32
    %dma_start3A_61 = arith.constant 0 : i32
    %dma_start3A_62 = tpu.memref_slice %arg3[%dma_start3A_60, %dma_start3A_61] : memref<2048x128xi32, #tpu.memory_space<hbm>> -> memref<2048x128xi32, #tpu.memory_space<hbm>>
    tpu.enqueue_indirect_dma source(%dma_start3A_62 : memref<2048x128xi32, #tpu.memory_space<hbm>>) target(%arg11 : memref<128x128xi32, #tpu.memory_space<vmem>>) offsets(%dma_start3A_59 : memref<128xi32, #tpu.memory_space<vmem>>) semaphore(%arg12 : memref<!tpu.dma_semaphore, #tpu.memory_space<semaphore_mem>>)
    %add3A_63 = arith.constant 1280 : i32
    %add3A_64 = arith.addi %mul3A_2, %add3A_63 : i32
    %dma_start3A_65 = arith.constant 0 : i32
    %dma_start3A_66 = tpu.memref_slice %arg7[%add3A_64, %dma_start3A_65] : memref<49152x128xi32, #tpu.memory_space<hbm>> -> memref<128x128xi32, #tpu.memory_space<hbm>>
    %dma_start3A_67 = arith.constant 0 : i32
    %dma_start3A_68 = tpu.memref_slice %arg7[%add3A_64, %dma_start3A_67] : memref<49152x128xi32, #tpu.memory_space<hbm>> -> memref<128x128xi32, #tpu.memory_space<hbm>>
    tpu.enqueue_dma source(%arg10 : memref<128x128xi32, #tpu.memory_space<vmem>>) target(%dma_start3A_68 : memref<128x128xi32, #tpu.memory_space<hbm>>) target_semaphore(%arg13 : memref<!tpu.dma_semaphore, #tpu.memory_space<semaphore_mem>>)
    %dma_wait3A_69 = arith.constant 1408 : i32
    %dma_wait3A_70 = tpu.memref_slice %arg9[%dma_wait3A_69] : memref<1536xi32, #tpu.memory_space<vmem>> -> memref<128xi32, #tpu.memory_space<vmem>>
    %dma_wait3A_71 = arith.constant 0 : i32
    %dma_wait3A_72 = arith.constant 0 : i32
    %dma_wait3A_73 = tpu.memref_slice %arg3[%dma_wait3A_71, %dma_wait3A_72] : memref<2048x128xi32, #tpu.memory_space<hbm>> -> memref<2048x128xi32, #tpu.memory_space<hbm>>
    tpu.wait_indirect_dma semaphore(%arg12 : memref<!tpu.dma_semaphore, #tpu.memory_space<semaphore_mem>>) src(%dma_wait3A_73 : memref<2048x128xi32, #tpu.memory_space<hbm>>) dst(%arg11 : memref<128x128xi32, #tpu.memory_space<vmem>>)
    %dma_wait3A_74 = arith.constant 0 : i32
    %dma_wait3A_75 = tpu.memref_slice %arg7[%add3A_64, %dma_wait3A_74] : memref<49152x128xi32, #tpu.memory_space<hbm>> -> memref<128x128xi32, #tpu.memory_space<hbm>>
    %dma_wait3A_76 = arith.constant 0 : i32
    %dma_wait3A_77 = tpu.memref_slice %arg7[%add3A_64, %dma_wait3A_76] : memref<49152x128xi32, #tpu.memory_space<hbm>> -> memref<128x128xi32, #tpu.memory_space<hbm>>
    tpu.wait_dma2 semaphore(%arg13 : memref<!tpu.dma_semaphore, #tpu.memory_space<semaphore_mem>>) src(%arg10 : memref<128x128xi32, #tpu.memory_space<vmem>>) dst(%dma_wait3A_77 : memref<128x128xi32, #tpu.memory_space<hbm>>)
    %add3A_78 = arith.constant 1408 : i32
    %add3A_79 = arith.addi %mul3A_2, %add3A_78 : i32
    "tpu.region"() ({
      %run_scoped3A = tpu.sem_alloc : memref<!tpu.dma_semaphore, #tpu.memory_space<semaphore_mem>>
      %dma_start3A_80 = arith.constant 0 : i32
      %dma_start3A_81 = tpu.memref_slice %arg7[%add3A_79, %dma_start3A_80] : memref<49152x128xi32, #tpu.memory_space<hbm>> -> memref<128x128xi32, #tpu.memory_space<hbm>>
      %dma_start3A_82 = arith.constant 0 : i32
      %dma_start3A_83 = tpu.memref_slice %arg7[%add3A_79, %dma_start3A_82] : memref<49152x128xi32, #tpu.memory_space<hbm>> -> memref<128x128xi32, #tpu.memory_space<hbm>>
      tpu.enqueue_dma source(%arg11 : memref<128x128xi32, #tpu.memory_space<vmem>>) target(%dma_start3A_83 : memref<128x128xi32, #tpu.memory_space<hbm>>) target_semaphore(%run_scoped3A : memref<!tpu.dma_semaphore, #tpu.memory_space<semaphore_mem>>)
      %dma_wait3A_84 = arith.constant 0 : i32
      %dma_wait3A_85 = tpu.memref_slice %arg7[%add3A_79, %dma_wait3A_84] : memref<49152x128xi32, #tpu.memory_space<hbm>> -> memref<128x128xi32, #tpu.memory_space<hbm>>
      %dma_wait3A_86 = arith.constant 0 : i32
      %dma_wait3A_87 = tpu.memref_slice %arg7[%add3A_79, %dma_wait3A_86] : memref<49152x128xi32, #tpu.memory_space<hbm>> -> memref<128x128xi32, #tpu.memory_space<hbm>>
      tpu.wait_dma2 semaphore(%run_scoped3A : memref<!tpu.dma_semaphore, #tpu.memory_space<semaphore_mem>>) src(%arg11 : memref<128x128xi32, #tpu.memory_space<vmem>>) dst(%dma_wait3A_87 : memref<128x128xi32, #tpu.memory_space<hbm>>)
      tpu.yield
    }) : () -> ()
    return
  }
}

module attributes {stable_mosaic.version = 14 : i64} {
  func.func @_q_body(%arg0: memref<2048x256xf32, #tpu.memory_space<vmem>>, %arg1: memref<256x256xf32, #tpu.memory_space<vmem>>, %arg2: memref<1x256xf32, #tpu.memory_space<vmem>>, %arg3: memref<2048x256xf32, #tpu.memory_space<vmem>>) attributes {dimension_semantics = [], scalar_prefetch = 0 : i64, scratch_operands = 0 : i64, tpu.core_type = #tpu.core_type<tc>} {
    %get3A = arith.constant 0 : index
    %get3A_0 = arith.constant 0 : index
    %get3A_1 = vector.load %arg0[%get3A, %get3A_0] : memref<2048x256xf32, #tpu.memory_space<vmem>>, vector<2048x256xf32>
    %get3A_2 = arith.constant 0 : index
    %get3A_3 = arith.constant 0 : index
    %get3A_4 = vector.load %arg1[%get3A_2, %get3A_3] : memref<256x256xf32, #tpu.memory_space<vmem>>, vector<256x256xf32>
    %dot_general3A = arith.constant dense<0.000000e+00> : vector<2048x256xf32>
    %dot_general3A_5 = tpu.matmul %get3A_1, %get3A_4, %dot_general3A {dimension_numbers = #tpu.dot_dimension_numbers<[1], [0], [0], [1], [0, 0, 1, 1], [], []>, transpose_lhs_hint = false} : vector<2048x256xf32>, vector<256x256xf32>, vector<2048x256xf32> -> vector<2048x256xf32>
    %get3A_6 = arith.constant 0 : index
    %get3A_7 = arith.constant 0 : index
    %get3A_8 = vector.load %arg2[%get3A_6, %get3A_7] : memref<1x256xf32, #tpu.memory_space<vmem>>, vector<1x256xf32>
    %add3A = vector.broadcast %get3A_8 : vector<1x256xf32> to vector<2048x256xf32>
    %add3A_9 = arith.addf %dot_general3A_5, %add3A : vector<2048x256xf32>
    %swap3A = arith.constant 0 : index
    %swap3A_10 = arith.constant 0 : index
    %swap3A_11 = vector.load %arg3[%swap3A, %swap3A_10] : memref<2048x256xf32, #tpu.memory_space<vmem>>, vector<2048x256xf32>
    tpu.vector_store %arg3[%swap3A, %swap3A_10], %add3A_9 {strides = array<i32>} : memref<2048x256xf32, #tpu.memory_space<vmem>>, vector<2048x256xf32>,
    return
  }
}

module attributes {stable_mosaic.version = 14 : i64} {
  func.func @_edge_body(%arg0: i32, %arg1: memref<1x1x2048xi32, #tpu.memory_space<vmem>>, %arg2: memref<2048x128xi32, #tpu.memory_space<vmem>>, %arg3: memref<2048x128xi32, #tpu.memory_space<vmem>>, %arg4: memref<2048x256xf32, #tpu.memory_space<vmem>>, %arg5: memref<256x256xbf16, #tpu.memory_space<vmem>>, %arg6: memref<1x256xf32, #tpu.memory_space<vmem>>, %arg7: memref<256x256xbf16, #tpu.memory_space<vmem>>, %arg8: memref<1x256xf32, #tpu.memory_space<vmem>>, %arg9: memref<256x256xbf16, #tpu.memory_space<vmem>>, %arg10: memref<1x256xf32, #tpu.memory_space<vmem>>, %arg11: memref<256x1024xbf16, #tpu.memory_space<vmem>>, %arg12: memref<1x1024xf32, #tpu.memory_space<vmem>>, %arg13: memref<1024x256xbf16, #tpu.memory_space<vmem>>, %arg14: memref<1x256xf32, #tpu.memory_space<vmem>>, %arg15: memref<1x256xf32, #tpu.memory_space<vmem>>, %arg16: memref<1x256xf32, #tpu.memory_space<vmem>>, %arg17: memref<1x256xf32, #tpu.memory_space<vmem>>, %arg18: memref<1x256xf32, #tpu.memory_space<vmem>>, %arg19: memref<2048x256xf32, #tpu.memory_space<vmem>>, %arg20: memref<2048x16xf32, #tpu.memory_space<vmem>>, %arg21: memref<2048x256xf32, #tpu.memory_space<vmem>>, %arg22: memref<2048x256xf32, #tpu.memory_space<vmem>>, %arg23: memref<2048x16xf32, #tpu.memory_space<vmem>>) attributes {dimension_semantics = [#tpu.dimension_semantics<arbitrary>], iteration_bounds = array<i64: 8>, scalar_prefetch = 0 : i64, scratch_operands = 0 : i64, tpu.core_type = #tpu.core_type<tc>, window_params = [{transform_indices = @transform_0, window_bounds = array<i64: 1, 1, 2048>}, {transform_indices = @transform_1, window_bounds = array<i64: 2048, 128>}, {transform_indices = @transform_2, window_bounds = array<i64: 2048, 128>}, {transform_indices = @transform_3, window_bounds = array<i64: 2048, 256>}, {pipeline_mode = #tpu.pipeline_mode<synchronous>, transform_indices = @transform_4, window_bounds = array<i64: 256, 256>}, {pipeline_mode = #tpu.pipeline_mode<synchronous>, transform_indices = @transform_5, window_bounds = array<i64: 1, 256>}, {pipeline_mode = #tpu.pipeline_mode<synchronous>, transform_indices = @transform_6, window_bounds = array<i64: 256, 256>}, {pipeline_mode = #tpu.pipeline_mode<synchronous>, transform_indices = @transform_7, window_bounds = array<i64: 1, 256>}, {pipeline_mode = #tpu.pipeline_mode<synchronous>, transform_indices = @transform_8, window_bounds = array<i64: 256, 256>}, {pipeline_mode = #tpu.pipeline_mode<synchronous>, transform_indices = @transform_9, window_bounds = array<i64: 1, 256>}, {pipeline_mode = #tpu.pipeline_mode<synchronous>, transform_indices = @transform_10, window_bounds = array<i64: 256, 1024>}, {pipeline_mode = #tpu.pipeline_mode<synchronous>, transform_indices = @transform_11, window_bounds = array<i64: 1, 1024>}, {pipeline_mode = #tpu.pipeline_mode<synchronous>, transform_indices = @transform_12, window_bounds = array<i64: 1024, 256>}, {pipeline_mode = #tpu.pipeline_mode<synchronous>, transform_indices = @transform_13, window_bounds = array<i64: 1, 256>}, {pipeline_mode = #tpu.pipeline_mode<synchronous>, transform_indices = @transform_14, window_bounds = array<i64: 1, 256>}, {pipeline_mode = #tpu.pipeline_mode<synchronous>, transform_indices = @transform_15, window_bounds = array<i64: 1, 256>}, {pipeline_mode = #tpu.pipeline_mode<synchronous>, transform_indices = @transform_16, window_bounds = array<i64: 1, 256>}, {pipeline_mode = #tpu.pipeline_mode<synchronous>, transform_indices = @transform_17, window_bounds = array<i64: 1, 256>}, {pipeline_mode = #tpu.pipeline_mode<synchronous>, transform_indices = @transform_18, window_bounds = array<i64: 2048, 256>}, {pipeline_mode = #tpu.pipeline_mode<synchronous>, transform_indices = @transform_19, window_bounds = array<i64: 2048, 16>}, {transform_indices = @transform_20, window_bounds = array<i64: 2048, 256>}, {pipeline_mode = #tpu.pipeline_mode<synchronous>, transform_indices = @transform_21, window_bounds = array<i64: 2048, 256>}, {pipeline_mode = #tpu.pipeline_mode<synchronous>, transform_indices = @transform_22, window_bounds = array<i64: 2048, 16>}]} {
    %get3A = arith.constant 0 : index
    %get3A_0 = arith.constant 0 : index
    %get3A_1 = vector.load %arg2[%get3A, %get3A_0] : memref<2048x128xi32, #tpu.memory_space<vmem>>, vector<2048x128xi32>
    %shift_left3A = arith.constant 16 : i32
    %shift_left3A_2 = vector.broadcast %shift_left3A : i32 to vector<2048x128xi32>
    %shift_left3A_3 = arith.shli %get3A_1, %shift_left3A_2 : vector<2048x128xi32>
    %bitcast_convert_type3A = tpu.bitcast %shift_left3A_3 : vector<2048x128xi32> -> vector<2048x128xf32>
    %and3A = arith.constant -65536 : i32
    %and3A_4 = vector.broadcast %and3A : i32 to vector<2048x128xi32>
    %and3A_5 = arith.andi %get3A_1, %and3A_4 : vector<2048x128xi32>
    %bitcast_convert_type3A_6 = tpu.bitcast %and3A_5 : vector<2048x128xi32> -> vector<2048x128xf32>
    %concatenate3A = tpu.concatenate %bitcast_convert_type3A, %bitcast_convert_type3A_6 in 1 : vector<2048x128xf32>, vector<2048x128xf32> -> vector<2048x256xf32>
    %get3A_7 = arith.constant 0 : index
    %get3A_8 = arith.constant 0 : index
    %get3A_9 = vector.load %arg4[%get3A_7, %get3A_8] : memref<2048x256xf32, #tpu.memory_space<vmem>>, vector<2048x256xf32>
    %mul3A = arith.mulf %concatenate3A, %get3A_9 : vector<2048x256xf32>
    %convert_element_type3A = arith.truncf %mul3A : vector<2048x256xf32> to vector<2048x256xbf16>
    %get3A_10 = arith.constant 0 : index
    %get3A_11 = arith.constant 0 : index
    %get3A_12 = vector.load %arg5[%get3A_10, %get3A_11] : memref<256x256xbf16, #tpu.memory_space<vmem>>, vector<256x256xbf16>
    %dot_general3A = arith.constant dense<0.000000e+00> : vector<2048x256xf32>
    %dot_general3A_13 = tpu.matmul %convert_element_type3A, %get3A_12, %dot_general3A {dimension_numbers = #tpu.dot_dimension_numbers<[1], [0], [0], [1], [0, 0, 1, 1], [], []>, transpose_lhs_hint = false} : vector<2048x256xbf16>, vector<256x256xbf16>, vector<2048x256xf32> -> vector<2048x256xf32>
    %get3A_14 = arith.constant 0 : index
    %get3A_15 = arith.constant 0 : index
    %get3A_16 = vector.load %arg6[%get3A_14, %get3A_15] : memref<1x256xf32, #tpu.memory_space<vmem>>, vector<1x256xf32>
    %add3A = vector.broadcast %get3A_16 : vector<1x256xf32> to vector<2048x256xf32>
    %add3A_17 = arith.addf %dot_general3A_13, %add3A : vector<2048x256xf32>
    %get3A_18 = arith.constant 0 : index
    %get3A_19 = arith.constant 0 : index
    %get3A_20 = vector.load %arg7[%get3A_18, %get3A_19] : memref<256x256xbf16, #tpu.memory_space<vmem>>, vector<256x256xbf16>
    %dot_general3A_21 = arith.constant dense<0.000000e+00> : vector<2048x256xf32>
    %dot_general3A_22 = tpu.matmul %convert_element_type3A, %get3A_20, %dot_general3A_21 {dimension_numbers = #tpu.dot_dimension_numbers<[1], [0], [0], [1], [0, 0, 1, 1], [], []>, transpose_lhs_hint = false} : vector<2048x256xbf16>, vector<256x256xbf16>, vector<2048x256xf32> -> vector<2048x256xf32>
    %get3A_23 = arith.constant 0 : index
    %get3A_24 = arith.constant 0 : index
    %get3A_25 = vector.load %arg8[%get3A_23, %get3A_24] : memref<1x256xf32, #tpu.memory_space<vmem>>, vector<1x256xf32>
    %add3A_26 = vector.broadcast %get3A_25 : vector<1x256xf32> to vector<2048x256xf32>
    %add3A_27 = arith.addf %dot_general3A_22, %add3A_26 : vector<2048x256xf32>
    %get3A_28 = arith.constant 0 : index
    %get3A_29 = arith.constant 0 : index
    %get3A_30 = vector.load %arg3[%get3A_28, %get3A_29] : memref<2048x128xi32, #tpu.memory_space<vmem>>, vector<2048x128xi32>
    %shift_left3A_31 = arith.constant 16 : i32
    %shift_left3A_32 = vector.broadcast %shift_left3A_31 : i32 to vector<2048x128xi32>
    %shift_left3A_33 = arith.shli %get3A_30, %shift_left3A_32 : vector<2048x128xi32>
    %bitcast_convert_type3A_34 = tpu.bitcast %shift_left3A_33 : vector<2048x128xi32> -> vector<2048x128xf32>
    %and3A_35 = arith.constant -65536 : i32
    %and3A_36 = vector.broadcast %and3A_35 : i32 to vector<2048x128xi32>
    %and3A_37 = arith.andi %get3A_30, %and3A_36 : vector<2048x128xi32>
    %bitcast_convert_type3A_38 = tpu.bitcast %and3A_37 : vector<2048x128xi32> -> vector<2048x128xf32>
    %concatenate3A_39 = tpu.concatenate %bitcast_convert_type3A_34, %bitcast_convert_type3A_38 in 1 : vector<2048x128xf32>, vector<2048x128xf32> -> vector<2048x256xf32>
    %mul3A_40 = arith.mulf %concatenate3A_39, %add3A_17 : vector<2048x256xf32>
    %iota3A = tpu.iota {dimensions = array<i32: 0>} : vector<256x16xi32>
    %jit3A = arith.constant 64 : i32
    %div3A = vector.broadcast %jit3A : i32 to vector<256x16xi32>
    %div3A_41 = arith.divsi %iota3A, %div3A : vector<256x16xi32>
    %sign3A = arith.constant 0 : i32
    %sign3A_42 = vector.broadcast %sign3A : i32 to vector<256x16xi32>
    %sign3A_43 = arith.cmpi sgt, %iota3A, %sign3A_42 : vector<256x16xi32>
    %sign3A_44 = arith.extui %sign3A_43 : vector<256x16xi1> to vector<256x16xi32>
    %sign3A_45 = arith.constant 0 : i32
    %sign3A_46 = vector.broadcast %sign3A_45 : i32 to vector<256x16xi32>
    %sign3A_47 = arith.cmpi slt, %iota3A, %sign3A_46 : vector<256x16xi32>
    %sign3A_48 = arith.extui %sign3A_47 : vector<256x16xi1> to vector<256x16xi32>
    %sign3A_49 = arith.subi %sign3A_44, %sign3A_48 : vector<256x16xi32>
    %sign3A_50 = arith.constant 0 : i32
    %sign3A_51 = arith.cmpi sgt, %jit3A, %sign3A_50 : i32
    %sign3A_52 = arith.extui %sign3A_51 : i1 to i32
    %sign3A_53 = arith.constant 0 : i32
    %sign3A_54 = arith.cmpi slt, %jit3A, %sign3A_53 : i32
    %sign3A_55 = arith.extui %sign3A_54 : i1 to i32
    %sign3A_56 = arith.subi %sign3A_52, %sign3A_55 : i32
    %ne3A = vector.broadcast %sign3A_56 : i32 to vector<256x16xi32>
    %ne3A_57 = arith.cmpi ne, %sign3A_49, %ne3A : vector<256x16xi32>
    %rem3A = vector.broadcast %jit3A : i32 to vector<256x16xi32>
    %rem3A_58 = arith.remsi %iota3A, %rem3A : vector<256x16xi32>
    %ne3A_59 = arith.constant 0 : i32
    %ne3A_60 = vector.broadcast %ne3A_59 : i32 to vector<256x16xi32>
    %ne3A_61 = arith.cmpi ne, %rem3A_58, %ne3A_60 : vector<256x16xi32>
    %and3A_62 = arith.andi %ne3A_57, %ne3A_61 : vector<256x16xi1>
    %sub3A = arith.constant 1 : i32
    %sub3A_63 = vector.broadcast %sub3A : i32 to vector<256x16xi32>
    %sub3A_64 = arith.subi %div3A_41, %sub3A_63 : vector<256x16xi32>
    %select_n3A = arith.select %and3A_62, %sub3A_64, %div3A_41 : vector<256x16xi1>, vector<256x16xi32>
    %iota3A_65 = tpu.iota {dimensions = array<i32: 1>} : vector<256x16xi32>
    %eq3A = arith.cmpi eq, %select_n3A, %iota3A_65 : vector<256x16xi32>
    %jit3A_66 = arith.constant 1.250000e-01 : f32
    %jit3A_67 = arith.constant 0.000000e+00 : f32
    %broadcast_in_dim3A = vector.broadcast %jit3A_66 : f32 to vector<256x16xf32>
    %broadcast_in_dim3A_68 = vector.broadcast %jit3A_67 : f32 to vector<256x16xf32>
    %select_n3A_69 = arith.select %eq3A, %broadcast_in_dim3A, %broadcast_in_dim3A_68 : vector<256x16xi1>, vector<256x16xf32>
    %convert_element_type3A_70 = arith.truncf %select_n3A_69 : vector<256x16xf32> to vector<256x16xbf16>
    %convert_element_type3A_71 = arith.truncf %mul3A_40 : vector<2048x256xf32> to vector<2048x256xbf16>
    %dot_general3A_72 = arith.constant dense<0.000000e+00> : vector<2048x16xf32>
    %dot_general3A_73 = tpu.matmul %convert_element_type3A_71, %convert_element_type3A_70, %dot_general3A_72 {dimension_numbers = #tpu.dot_dimension_numbers<[1], [0], [0], [1], [0, 0, 1, 1], [], []>, transpose_lhs_hint = false} : vector<2048x256xbf16>, vector<256x16xbf16>, vector<2048x16xf32> -> vector<2048x16xf32>
    %iota3A_74 = tpu.iota {dimensions = array<i32: 1>} : vector<1x16xi32>
    %lt3A = arith.constant 4 : i32
    %lt3A_75 = vector.broadcast %lt3A : i32 to vector<1x16xi32>
    %lt3A_76 = arith.cmpi slt, %iota3A_74, %lt3A_75 : vector<1x16xi32>
    %convert_element_type3A_77 = arith.extui %lt3A_76 : vector<1x16xi1> to vector<1x16xi32>
    %convert_element_type3A_78 = arith.sitofp %convert_element_type3A_77 : vector<1x16xi32> to vector<1x16xf32>
    %exp3A = math.exp %dot_general3A_73 : vector<2048x16xf32>
    %mul3A_79 = vector.broadcast %convert_element_type3A_78 : vector<1x16xf32> to vector<2048x16xf32>
    %mul3A_80 = arith.mulf %exp3A, %mul3A_79 : vector<2048x16xf32>
    %convert_element_type3A_81 = arith.truncf %mul3A_80 : vector<2048x16xf32> to vector<2048x16xbf16>
    %iota3A_82 = tpu.iota {dimensions = array<i32: 0>} : vector<16x256xi32>
    %iota3A_83 = tpu.iota {dimensions = array<i32: 1>} : vector<16x256xi32>
    %jit3A_84 = arith.constant 64 : i32
    %div3A_85 = vector.broadcast %jit3A_84 : i32 to vector<16x256xi32>
    %div3A_86 = arith.divsi %iota3A_83, %div3A_85 : vector<16x256xi32>
    %sign3A_87 = arith.constant 0 : i32
    %sign3A_88 = vector.broadcast %sign3A_87 : i32 to vector<16x256xi32>
    %sign3A_89 = arith.cmpi sgt, %iota3A_83, %sign3A_88 : vector<16x256xi32>
    %sign3A_90 = arith.extui %sign3A_89 : vector<16x256xi1> to vector<16x256xi32>
    %sign3A_91 = arith.constant 0 : i32
    %sign3A_92 = vector.broadcast %sign3A_91 : i32 to vector<16x256xi32>
    %sign3A_93 = arith.cmpi slt, %iota3A_83, %sign3A_92 : vector<16x256xi32>
    %sign3A_94 = arith.extui %sign3A_93 : vector<16x256xi1> to vector<16x256xi32>
    %sign3A_95 = arith.subi %sign3A_90, %sign3A_94 : vector<16x256xi32>
    %sign3A_96 = arith.constant 0 : i32
    %sign3A_97 = arith.cmpi sgt, %jit3A_84, %sign3A_96 : i32
    %sign3A_98 = arith.extui %sign3A_97 : i1 to i32
    %sign3A_99 = arith.constant 0 : i32
    %sign3A_100 = arith.cmpi slt, %jit3A_84, %sign3A_99 : i32
    %sign3A_101 = arith.extui %sign3A_100 : i1 to i32
    %sign3A_102 = arith.subi %sign3A_98, %sign3A_101 : i32
    %ne3A_103 = vector.broadcast %sign3A_102 : i32 to vector<16x256xi32>
    %ne3A_104 = arith.cmpi ne, %sign3A_95, %ne3A_103 : vector<16x256xi32>
    %rem3A_105 = vector.broadcast %jit3A_84 : i32 to vector<16x256xi32>
    %rem3A_106 = arith.remsi %iota3A_83, %rem3A_105 : vector<16x256xi32>
    %ne3A_107 = arith.constant 0 : i32
    %ne3A_108 = vector.broadcast %ne3A_107 : i32 to vector<16x256xi32>
    %ne3A_109 = arith.cmpi ne, %rem3A_106, %ne3A_108 : vector<16x256xi32>
    %and3A_110 = arith.andi %ne3A_104, %ne3A_109 : vector<16x256xi1>
    %sub3A_111 = arith.constant 1 : i32
    %sub3A_112 = vector.broadcast %sub3A_111 : i32 to vector<16x256xi32>
    %sub3A_113 = arith.subi %div3A_86, %sub3A_112 : vector<16x256xi32>
    %select_n3A_114 = arith.select %and3A_110, %sub3A_113, %div3A_86 : vector<16x256xi1>, vector<16x256xi32>
    %eq3A_115 = arith.cmpi eq, %iota3A_82, %select_n3A_114 : vector<16x256xi32>
    %convert_element_type3A_116 = arith.extui %eq3A_115 : vector<16x256xi1> to vector<16x256xi32>
    %convert_element_type3A_117 = arith.sitofp %convert_element_type3A_116 : vector<16x256xi32> to vector<16x256xf32>
    %convert_element_type3A_118 = arith.truncf %convert_element_type3A_117 : vector<16x256xf32> to vector<16x256xbf16>
    %dot_general3A_119 = arith.constant dense<0.000000e+00> : vector<2048x256xf32>
    %dot_general3A_120 = tpu.matmul %convert_element_type3A_81, %convert_element_type3A_118, %dot_general3A_119 {dimension_numbers = #tpu.dot_dimension_numbers<[1], [0], [0], [1], [0, 0, 1, 1], [], []>, transpose_lhs_hint = false} : vector<2048x16xbf16>, vector<16x256xbf16>, vector<2048x256xf32> -> vector<2048x256xf32>
    %mul3A_121 = arith.mulf %dot_general3A_120, %add3A_27 : vector<2048x256xf32>
    %convert_element_type3A_122 = arith.truncf %mul3A_121 : vector<2048x256xf32> to vector<2048x256xbf16>
    %eq3A_123 = arith.constant 0 : i32
    %eq3A_124 = arith.cmpi eq, %arg0, %eq3A_123 : i32
    %convert_element_type3A_125 = arith.extui %eq3A_124 : i1 to i32
    %cond3A = arith.constant 0 : i32
    %cond3A_126 = arith.cmpi ne, %convert_element_type3A_125, %cond3A : i32
    scf.if %cond3A_126 {
      %get3A_452 = arith.constant 0 : index
      %get3A_453 = arith.constant 0 : index
      %get3A_454 = vector.load %arg19[%get3A_452, %get3A_453] : memref<2048x256xf32, #tpu.memory_space<vmem>>, vector<2048x256xf32>
      %swap3A_455 = arith.constant 0 : index
      %swap3A_456 = arith.constant 0 : index
      %swap3A_457 = vector.load %arg22[%swap3A_455, %swap3A_456] : memref<2048x256xf32, #tpu.memory_space<vmem>>, vector<2048x256xf32>
      tpu.vector_store %arg22[%swap3A_455, %swap3A_456], %get3A_454 {strides = array<i32>} : memref<2048x256xf32, #tpu.memory_space<vmem>>, vector<2048x256xf32>,
      %get3A_458 = arith.constant 0 : index
      %get3A_459 = arith.constant 0 : index
      %get3A_460 = vector.load %arg20[%get3A_458, %get3A_459] : memref<2048x16xf32, #tpu.memory_space<vmem>>, vector<2048x16xf32>
      %swap3A_461 = arith.constant 0 : index
      %swap3A_462 = arith.constant 0 : index
      %swap3A_463 = vector.load %arg23[%swap3A_461, %swap3A_462] : memref<2048x16xf32, #tpu.memory_space<vmem>>, vector<2048x16xf32>
      tpu.vector_store %arg23[%swap3A_461, %swap3A_462], %get3A_460 {strides = array<i32>} : memref<2048x16xf32, #tpu.memory_space<vmem>>, vector<2048x16xf32>,
    } else {
    }
    %get3A_127 = arith.constant 0 : index
    %get3A_128 = arith.constant 0 : index
    %get3A_129 = arith.constant 0 : index
    %get3A_130 = vector.load %arg1[%get3A_127, %get3A_128, %get3A_129] : memref<1x1x2048xi32, #tpu.memory_space<vmem>>, vector<1x1x2048xi32>
    %get3A_131 = vector.shape_cast %get3A_130 : vector<1x1x2048xi32> to vector<1x2048xi32>
    %iota3A_132 = tpu.iota {dimensions = array<i32: 0>} : vector<256x2048xi32>
    %add3A_133 = arith.constant 0 : i32
    %add3A_134 = vector.broadcast %add3A_133 : i32 to vector<256x2048xi32>
    %add3A_135 = arith.addi %iota3A_132, %add3A_134 : vector<256x2048xi32>
    %eq3A_136 = vector.broadcast %get3A_131 : vector<1x2048xi32> to vector<256x2048xi32>
    %eq3A_137 = arith.cmpi eq, %add3A_135, %eq3A_136 : vector<256x2048xi32>
    %convert_element_type3A_138 = arith.extui %eq3A_137 : vector<256x2048xi1> to vector<256x2048xi32>
    %convert_element_type3A_139 = arith.sitofp %convert_element_type3A_138 : vector<256x2048xi32> to vector<256x2048xf32>
    %convert_element_type3A_140 = arith.truncf %convert_element_type3A_139 : vector<256x2048xf32> to vector<256x2048xbf16>
    %get3A_141 = arith.constant 0 : index
    %get3A_142 = arith.constant 0 : index
    %get3A_143 = vector.load %arg22[%get3A_141, %get3A_142] : memref<2048x256xf32, #tpu.memory_space<vmem>>, vector<256x256xf32>
    %dot_general3A_144 = arith.constant dense<0.000000e+00> : vector<256x256xf32>
    %dot_general3A_145 = tpu.matmul %convert_element_type3A_140, %convert_element_type3A_122, %dot_general3A_144 {dimension_numbers = #tpu.dot_dimension_numbers<[1], [0], [0], [1], [0, 0, 1, 1], [], []>, transpose_lhs_hint = false} : vector<256x2048xbf16>, vector<2048x256xbf16>, vector<256x256xf32> -> vector<256x256xf32>
    %add3A_146 = arith.addf %get3A_143, %dot_general3A_145 : vector<256x256xf32>
    %swap3A = arith.constant 0 : index
    %swap3A_147 = arith.constant 0 : index
    %swap3A_148 = vector.load %arg22[%swap3A, %swap3A_147] : memref<2048x256xf32, #tpu.memory_space<vmem>>, vector<256x256xf32>
    tpu.vector_store %arg22[%swap3A, %swap3A_147], %add3A_146 {strides = array<i32>} : memref<2048x256xf32, #tpu.memory_space<vmem>>, vector<256x256xf32>,
    %get3A_149 = arith.constant 0 : index
    %get3A_150 = arith.constant 0 : index
    %get3A_151 = vector.load %arg23[%get3A_149, %get3A_150] : memref<2048x16xf32, #tpu.memory_space<vmem>>, vector<256x16xf32>
    %dot_general3A_152 = arith.constant dense<0.000000e+00> : vector<256x16xf32>
    %dot_general3A_153 = tpu.matmul %convert_element_type3A_140, %convert_element_type3A_81, %dot_general3A_152 {dimension_numbers = #tpu.dot_dimension_numbers<[1], [0], [0], [1], [0, 0, 1, 1], [], []>, transpose_lhs_hint = false} : vector<256x2048xbf16>, vector<2048x16xbf16>, vector<256x16xf32> -> vector<256x16xf32>
    %add3A_154 = arith.addf %get3A_151, %dot_general3A_153 : vector<256x16xf32>
    %swap3A_155 = arith.constant 0 : index
    %swap3A_156 = arith.constant 0 : index
    %swap3A_157 = vector.load %arg23[%swap3A_155, %swap3A_156] : memref<2048x16xf32, #tpu.memory_space<vmem>>, vector<256x16xf32>
    tpu.vector_store %arg23[%swap3A_155, %swap3A_156], %add3A_154 {strides = array<i32>} : memref<2048x16xf32, #tpu.memory_space<vmem>>, vector<256x16xf32>,
    %iota3A_158 = tpu.iota {dimensions = array<i32: 0>} : vector<256x2048xi32>
    %add3A_159 = arith.constant 256 : i32
    %add3A_160 = vector.broadcast %add3A_159 : i32 to vector<256x2048xi32>
    %add3A_161 = arith.addi %iota3A_158, %add3A_160 : vector<256x2048xi32>
    %eq3A_162 = vector.broadcast %get3A_131 : vector<1x2048xi32> to vector<256x2048xi32>
    %eq3A_163 = arith.cmpi eq, %add3A_161, %eq3A_162 : vector<256x2048xi32>
    %convert_element_type3A_164 = arith.extui %eq3A_163 : vector<256x2048xi1> to vector<256x2048xi32>
    %convert_element_type3A_165 = arith.sitofp %convert_element_type3A_164 : vector<256x2048xi32> to vector<256x2048xf32>
    %convert_element_type3A_166 = arith.truncf %convert_element_type3A_165 : vector<256x2048xf32> to vector<256x2048xbf16>
    %get3A_167 = arith.constant 256 : index
    %get3A_168 = arith.constant 0 : index
    %get3A_169 = vector.load %arg22[%get3A_167, %get3A_168] : memref<2048x256xf32, #tpu.memory_space<vmem>>, vector<256x256xf32>
    %dot_general3A_170 = arith.constant dense<0.000000e+00> : vector<256x256xf32>
    %dot_general3A_171 = tpu.matmul %convert_element_type3A_166, %convert_element_type3A_122, %dot_general3A_170 {dimension_numbers = #tpu.dot_dimension_numbers<[1], [0], [0], [1], [0, 0, 1, 1], [], []>, transpose_lhs_hint = false} : vector<256x2048xbf16>, vector<2048x256xbf16>, vector<256x256xf32> -> vector<256x256xf32>
    %add3A_172 = arith.addf %get3A_169, %dot_general3A_171 : vector<256x256xf32>
    %swap3A_173 = arith.constant 256 : index
    %swap3A_174 = arith.constant 0 : index
    %swap3A_175 = vector.load %arg22[%swap3A_173, %swap3A_174] : memref<2048x256xf32, #tpu.memory_space<vmem>>, vector<256x256xf32>
    tpu.vector_store %arg22[%swap3A_173, %swap3A_174], %add3A_172 {strides = array<i32>} : memref<2048x256xf32, #tpu.memory_space<vmem>>, vector<256x256xf32>,
    %get3A_176 = arith.constant 256 : index
    %get3A_177 = arith.constant 0 : index
    %get3A_178 = vector.load %arg23[%get3A_176, %get3A_177] : memref<2048x16xf32, #tpu.memory_space<vmem>>, vector<256x16xf32>
    %dot_general3A_179 = arith.constant dense<0.000000e+00> : vector<256x16xf32>
    %dot_general3A_180 = tpu.matmul %convert_element_type3A_166, %convert_element_type3A_81, %dot_general3A_179 {dimension_numbers = #tpu.dot_dimension_numbers<[1], [0], [0], [1], [0, 0, 1, 1], [], []>, transpose_lhs_hint = false} : vector<256x2048xbf16>, vector<2048x16xbf16>, vector<256x16xf32> -> vector<256x16xf32>
    %add3A_181 = arith.addf %get3A_178, %dot_general3A_180 : vector<256x16xf32>
    %swap3A_182 = arith.constant 256 : index
    %swap3A_183 = arith.constant 0 : index
    %swap3A_184 = vector.load %arg23[%swap3A_182, %swap3A_183] : memref<2048x16xf32, #tpu.memory_space<vmem>>, vector<256x16xf32>
    tpu.vector_store %arg23[%swap3A_182, %swap3A_183], %add3A_181 {strides = array<i32>} : memref<2048x16xf32, #tpu.memory_space<vmem>>, vector<256x16xf32>,
    %iota3A_185 = tpu.iota {dimensions = array<i32: 0>} : vector<256x2048xi32>
    %add3A_186 = arith.constant 512 : i32
    %add3A_187 = vector.broadcast %add3A_186 : i32 to vector<256x2048xi32>
    %add3A_188 = arith.addi %iota3A_185, %add3A_187 : vector<256x2048xi32>
    %eq3A_189 = vector.broadcast %get3A_131 : vector<1x2048xi32> to vector<256x2048xi32>
    %eq3A_190 = arith.cmpi eq, %add3A_188, %eq3A_189 : vector<256x2048xi32>
    %convert_element_type3A_191 = arith.extui %eq3A_190 : vector<256x2048xi1> to vector<256x2048xi32>
    %convert_element_type3A_192 = arith.sitofp %convert_element_type3A_191 : vector<256x2048xi32> to vector<256x2048xf32>
    %convert_element_type3A_193 = arith.truncf %convert_element_type3A_192 : vector<256x2048xf32> to vector<256x2048xbf16>
    %get3A_194 = arith.constant 512 : index
    %get3A_195 = arith.constant 0 : index
    %get3A_196 = vector.load %arg22[%get3A_194, %get3A_195] : memref<2048x256xf32, #tpu.memory_space<vmem>>, vector<256x256xf32>
    %dot_general3A_197 = arith.constant dense<0.000000e+00> : vector<256x256xf32>
    %dot_general3A_198 = tpu.matmul %convert_element_type3A_193, %convert_element_type3A_122, %dot_general3A_197 {dimension_numbers = #tpu.dot_dimension_numbers<[1], [0], [0], [1], [0, 0, 1, 1], [], []>, transpose_lhs_hint = false} : vector<256x2048xbf16>, vector<2048x256xbf16>, vector<256x256xf32> -> vector<256x256xf32>
    %add3A_199 = arith.addf %get3A_196, %dot_general3A_198 : vector<256x256xf32>
    %swap3A_200 = arith.constant 512 : index
    %swap3A_201 = arith.constant 0 : index
    %swap3A_202 = vector.load %arg22[%swap3A_200, %swap3A_201] : memref<2048x256xf32, #tpu.memory_space<vmem>>, vector<256x256xf32>
    tpu.vector_store %arg22[%swap3A_200, %swap3A_201], %add3A_199 {strides = array<i32>} : memref<2048x256xf32, #tpu.memory_space<vmem>>, vector<256x256xf32>,
    %get3A_203 = arith.constant 512 : index
    %get3A_204 = arith.constant 0 : index
    %get3A_205 = vector.load %arg23[%get3A_203, %get3A_204] : memref<2048x16xf32, #tpu.memory_space<vmem>>, vector<256x16xf32>
    %dot_general3A_206 = arith.constant dense<0.000000e+00> : vector<256x16xf32>
    %dot_general3A_207 = tpu.matmul %convert_element_type3A_193, %convert_element_type3A_81, %dot_general3A_206 {dimension_numbers = #tpu.dot_dimension_numbers<[1], [0], [0], [1], [0, 0, 1, 1], [], []>, transpose_lhs_hint = false} : vector<256x2048xbf16>, vector<2048x16xbf16>, vector<256x16xf32> -> vector<256x16xf32>
    %add3A_208 = arith.addf %get3A_205, %dot_general3A_207 : vector<256x16xf32>
    %swap3A_209 = arith.constant 512 : index
    %swap3A_210 = arith.constant 0 : index
    %swap3A_211 = vector.load %arg23[%swap3A_209, %swap3A_210] : memref<2048x16xf32, #tpu.memory_space<vmem>>, vector<256x16xf32>
    tpu.vector_store %arg23[%swap3A_209, %swap3A_210], %add3A_208 {strides = array<i32>} : memref<2048x16xf32, #tpu.memory_space<vmem>>, vector<256x16xf32>,
    %iota3A_212 = tpu.iota {dimensions = array<i32: 0>} : vector<256x2048xi32>
    %add3A_213 = arith.constant 768 : i32
    %add3A_214 = vector.broadcast %add3A_213 : i32 to vector<256x2048xi32>
    %add3A_215 = arith.addi %iota3A_212, %add3A_214 : vector<256x2048xi32>
    %eq3A_216 = vector.broadcast %get3A_131 : vector<1x2048xi32> to vector<256x2048xi32>
    %eq3A_217 = arith.cmpi eq, %add3A_215, %eq3A_216 : vector<256x2048xi32>
    %convert_element_type3A_218 = arith.extui %eq3A_217 : vector<256x2048xi1> to vector<256x2048xi32>
    %convert_element_type3A_219 = arith.sitofp %convert_element_type3A_218 : vector<256x2048xi32> to vector<256x2048xf32>
    %convert_element_type3A_220 = arith.truncf %convert_element_type3A_219 : vector<256x2048xf32> to vector<256x2048xbf16>
    %get3A_221 = arith.constant 768 : index
    %get3A_222 = arith.constant 0 : index
    %get3A_223 = vector.load %arg22[%get3A_221, %get3A_222] : memref<2048x256xf32, #tpu.memory_space<vmem>>, vector<256x256xf32>
    %dot_general3A_224 = arith.constant dense<0.000000e+00> : vector<256x256xf32>
    %dot_general3A_225 = tpu.matmul %convert_element_type3A_220, %convert_element_type3A_122, %dot_general3A_224 {dimension_numbers = #tpu.dot_dimension_numbers<[1], [0], [0], [1], [0, 0, 1, 1], [], []>, transpose_lhs_hint = false} : vector<256x2048xbf16>, vector<2048x256xbf16>, vector<256x256xf32> -> vector<256x256xf32>
    %add3A_226 = arith.addf %get3A_223, %dot_general3A_225 : vector<256x256xf32>
    %swap3A_227 = arith.constant 768 : index
    %swap3A_228 = arith.constant 0 : index
    %swap3A_229 = vector.load %arg22[%swap3A_227, %swap3A_228] : memref<2048x256xf32, #tpu.memory_space<vmem>>, vector<256x256xf32>
    tpu.vector_store %arg22[%swap3A_227, %swap3A_228], %add3A_226 {strides = array<i32>} : memref<2048x256xf32, #tpu.memory_space<vmem>>, vector<256x256xf32>,
    %get3A_230 = arith.constant 768 : index
    %get3A_231 = arith.constant 0 : index
    %get3A_232 = vector.load %arg23[%get3A_230, %get3A_231] : memref<2048x16xf32, #tpu.memory_space<vmem>>, vector<256x16xf32>
    %dot_general3A_233 = arith.constant dense<0.000000e+00> : vector<256x16xf32>
    %dot_general3A_234 = tpu.matmul %convert_element_type3A_220, %convert_element_type3A_81, %dot_general3A_233 {dimension_numbers = #tpu.dot_dimension_numbers<[1], [0], [0], [1], [0, 0, 1, 1], [], []>, transpose_lhs_hint = false} : vector<256x2048xbf16>, vector<2048x16xbf16>, vector<256x16xf32> -> vector<256x16xf32>
    %add3A_235 = arith.addf %get3A_232, %dot_general3A_234 : vector<256x16xf32>
    %swap3A_236 = arith.constant 768 : index
    %swap3A_237 = arith.constant 0 : index
    %swap3A_238 = vector.load %arg23[%swap3A_236, %swap3A_237] : memref<2048x16xf32, #tpu.memory_space<vmem>>, vector<256x16xf32>
    tpu.vector_store %arg23[%swap3A_236, %swap3A_237], %add3A_235 {strides = array<i32>} : memref<2048x16xf32, #tpu.memory_space<vmem>>, vector<256x16xf32>,
    %iota3A_239 = tpu.iota {dimensions = array<i32: 0>} : vector<256x2048xi32>
    %add3A_240 = arith.constant 1024 : i32
    %add3A_241 = vector.broadcast %add3A_240 : i32 to vector<256x2048xi32>
    %add3A_242 = arith.addi %iota3A_239, %add3A_241 : vector<256x2048xi32>
    %eq3A_243 = vector.broadcast %get3A_131 : vector<1x2048xi32> to vector<256x2048xi32>
    %eq3A_244 = arith.cmpi eq, %add3A_242, %eq3A_243 : vector<256x2048xi32>
    %convert_element_type3A_245 = arith.extui %eq3A_244 : vector<256x2048xi1> to vector<256x2048xi32>
    %convert_element_type3A_246 = arith.sitofp %convert_element_type3A_245 : vector<256x2048xi32> to vector<256x2048xf32>
    %convert_element_type3A_247 = arith.truncf %convert_element_type3A_246 : vector<256x2048xf32> to vector<256x2048xbf16>
    %get3A_248 = arith.constant 1024 : index
    %get3A_249 = arith.constant 0 : index
    %get3A_250 = vector.load %arg22[%get3A_248, %get3A_249] : memref<2048x256xf32, #tpu.memory_space<vmem>>, vector<256x256xf32>
    %dot_general3A_251 = arith.constant dense<0.000000e+00> : vector<256x256xf32>
    %dot_general3A_252 = tpu.matmul %convert_element_type3A_247, %convert_element_type3A_122, %dot_general3A_251 {dimension_numbers = #tpu.dot_dimension_numbers<[1], [0], [0], [1], [0, 0, 1, 1], [], []>, transpose_lhs_hint = false} : vector<256x2048xbf16>, vector<2048x256xbf16>, vector<256x256xf32> -> vector<256x256xf32>
    %add3A_253 = arith.addf %get3A_250, %dot_general3A_252 : vector<256x256xf32>
    %swap3A_254 = arith.constant 1024 : index
    %swap3A_255 = arith.constant 0 : index
    %swap3A_256 = vector.load %arg22[%swap3A_254, %swap3A_255] : memref<2048x256xf32, #tpu.memory_space<vmem>>, vector<256x256xf32>
    tpu.vector_store %arg22[%swap3A_254, %swap3A_255], %add3A_253 {strides = array<i32>} : memref<2048x256xf32, #tpu.memory_space<vmem>>, vector<256x256xf32>,
    %get3A_257 = arith.constant 1024 : index
    %get3A_258 = arith.constant 0 : index
    %get3A_259 = vector.load %arg23[%get3A_257, %get3A_258] : memref<2048x16xf32, #tpu.memory_space<vmem>>, vector<256x16xf32>
    %dot_general3A_260 = arith.constant dense<0.000000e+00> : vector<256x16xf32>
    %dot_general3A_261 = tpu.matmul %convert_element_type3A_247, %convert_element_type3A_81, %dot_general3A_260 {dimension_numbers = #tpu.dot_dimension_numbers<[1], [0], [0], [1], [0, 0, 1, 1], [], []>, transpose_lhs_hint = false} : vector<256x2048xbf16>, vector<2048x16xbf16>, vector<256x16xf32> -> vector<256x16xf32>
    %add3A_262 = arith.addf %get3A_259, %dot_general3A_261 : vector<256x16xf32>
    %swap3A_263 = arith.constant 1024 : index
    %swap3A_264 = arith.constant 0 : index
    %swap3A_265 = vector.load %arg23[%swap3A_263, %swap3A_264] : memref<2048x16xf32, #tpu.memory_space<vmem>>, vector<256x16xf32>
    tpu.vector_store %arg23[%swap3A_263, %swap3A_264], %add3A_262 {strides = array<i32>} : memref<2048x16xf32, #tpu.memory_space<vmem>>, vector<256x16xf32>,
    %iota3A_266 = tpu.iota {dimensions = array<i32: 0>} : vector<256x2048xi32>
    %add3A_267 = arith.constant 1280 : i32
    %add3A_268 = vector.broadcast %add3A_267 : i32 to vector<256x2048xi32>
    %add3A_269 = arith.addi %iota3A_266, %add3A_268 : vector<256x2048xi32>
    %eq3A_270 = vector.broadcast %get3A_131 : vector<1x2048xi32> to vector<256x2048xi32>
    %eq3A_271 = arith.cmpi eq, %add3A_269, %eq3A_270 : vector<256x2048xi32>
    %convert_element_type3A_272 = arith.extui %eq3A_271 : vector<256x2048xi1> to vector<256x2048xi32>
    %convert_element_type3A_273 = arith.sitofp %convert_element_type3A_272 : vector<256x2048xi32> to vector<256x2048xf32>
    %convert_element_type3A_274 = arith.truncf %convert_element_type3A_273 : vector<256x2048xf32> to vector<256x2048xbf16>
    %get3A_275 = arith.constant 1280 : index
    %get3A_276 = arith.constant 0 : index
    %get3A_277 = vector.load %arg22[%get3A_275, %get3A_276] : memref<2048x256xf32, #tpu.memory_space<vmem>>, vector<256x256xf32>
    %dot_general3A_278 = arith.constant dense<0.000000e+00> : vector<256x256xf32>
    %dot_general3A_279 = tpu.matmul %convert_element_type3A_274, %convert_element_type3A_122, %dot_general3A_278 {dimension_numbers = #tpu.dot_dimension_numbers<[1], [0], [0], [1], [0, 0, 1, 1], [], []>, transpose_lhs_hint = false} : vector<256x2048xbf16>, vector<2048x256xbf16>, vector<256x256xf32> -> vector<256x256xf32>
    %add3A_280 = arith.addf %get3A_277, %dot_general3A_279 : vector<256x256xf32>
    %swap3A_281 = arith.constant 1280 : index
    %swap3A_282 = arith.constant 0 : index
    %swap3A_283 = vector.load %arg22[%swap3A_281, %swap3A_282] : memref<2048x256xf32, #tpu.memory_space<vmem>>, vector<256x256xf32>
    tpu.vector_store %arg22[%swap3A_281, %swap3A_282], %add3A_280 {strides = array<i32>} : memref<2048x256xf32, #tpu.memory_space<vmem>>, vector<256x256xf32>,
    %get3A_284 = arith.constant 1280 : index
    %get3A_285 = arith.constant 0 : index
    %get3A_286 = vector.load %arg23[%get3A_284, %get3A_285] : memref<2048x16xf32, #tpu.memory_space<vmem>>, vector<256x16xf32>
    %dot_general3A_287 = arith.constant dense<0.000000e+00> : vector<256x16xf32>
    %dot_general3A_288 = tpu.matmul %convert_element_type3A_274, %convert_element_type3A_81, %dot_general3A_287 {dimension_numbers = #tpu.dot_dimension_numbers<[1], [0], [0], [1], [0, 0, 1, 1], [], []>, transpose_lhs_hint = false} : vector<256x2048xbf16>, vector<2048x16xbf16>, vector<256x16xf32> -> vector<256x16xf32>
    %add3A_289 = arith.addf %get3A_286, %dot_general3A_288 : vector<256x16xf32>
    %swap3A_290 = arith.constant 1280 : index
    %swap3A_291 = arith.constant 0 : index
    %swap3A_292 = vector.load %arg23[%swap3A_290, %swap3A_291] : memref<2048x16xf32, #tpu.memory_space<vmem>>, vector<256x16xf32>
    tpu.vector_store %arg23[%swap3A_290, %swap3A_291], %add3A_289 {strides = array<i32>} : memref<2048x16xf32, #tpu.memory_space<vmem>>, vector<256x16xf32>,
    %iota3A_293 = tpu.iota {dimensions = array<i32: 0>} : vector<256x2048xi32>
    %add3A_294 = arith.constant 1536 : i32
    %add3A_295 = vector.broadcast %add3A_294 : i32 to vector<256x2048xi32>
    %add3A_296 = arith.addi %iota3A_293, %add3A_295 : vector<256x2048xi32>
    %eq3A_297 = vector.broadcast %get3A_131 : vector<1x2048xi32> to vector<256x2048xi32>
    %eq3A_298 = arith.cmpi eq, %add3A_296, %eq3A_297 : vector<256x2048xi32>
    %convert_element_type3A_299 = arith.extui %eq3A_298 : vector<256x2048xi1> to vector<256x2048xi32>
    %convert_element_type3A_300 = arith.sitofp %convert_element_type3A_299 : vector<256x2048xi32> to vector<256x2048xf32>
    %convert_element_type3A_301 = arith.truncf %convert_element_type3A_300 : vector<256x2048xf32> to vector<256x2048xbf16>
    %get3A_302 = arith.constant 1536 : index
    %get3A_303 = arith.constant 0 : index
    %get3A_304 = vector.load %arg22[%get3A_302, %get3A_303] : memref<2048x256xf32, #tpu.memory_space<vmem>>, vector<256x256xf32>
    %dot_general3A_305 = arith.constant dense<0.000000e+00> : vector<256x256xf32>
    %dot_general3A_306 = tpu.matmul %convert_element_type3A_301, %convert_element_type3A_122, %dot_general3A_305 {dimension_numbers = #tpu.dot_dimension_numbers<[1], [0], [0], [1], [0, 0, 1, 1], [], []>, transpose_lhs_hint = false} : vector<256x2048xbf16>, vector<2048x256xbf16>, vector<256x256xf32> -> vector<256x256xf32>
    %add3A_307 = arith.addf %get3A_304, %dot_general3A_306 : vector<256x256xf32>
    %swap3A_308 = arith.constant 1536 : index
    %swap3A_309 = arith.constant 0 : index
    %swap3A_310 = vector.load %arg22[%swap3A_308, %swap3A_309] : memref<2048x256xf32, #tpu.memory_space<vmem>>, vector<256x256xf32>
    tpu.vector_store %arg22[%swap3A_308, %swap3A_309], %add3A_307 {strides = array<i32>} : memref<2048x256xf32, #tpu.memory_space<vmem>>, vector<256x256xf32>,
    %get3A_311 = arith.constant 1536 : index
    %get3A_312 = arith.constant 0 : index
    %get3A_313 = vector.load %arg23[%get3A_311, %get3A_312] : memref<2048x16xf32, #tpu.memory_space<vmem>>, vector<256x16xf32>
    %dot_general3A_314 = arith.constant dense<0.000000e+00> : vector<256x16xf32>
    %dot_general3A_315 = tpu.matmul %convert_element_type3A_301, %convert_element_type3A_81, %dot_general3A_314 {dimension_numbers = #tpu.dot_dimension_numbers<[1], [0], [0], [1], [0, 0, 1, 1], [], []>, transpose_lhs_hint = false} : vector<256x2048xbf16>, vector<2048x16xbf16>, vector<256x16xf32> -> vector<256x16xf32>
    %add3A_316 = arith.addf %get3A_313, %dot_general3A_315 : vector<256x16xf32>
    %swap3A_317 = arith.constant 1536 : index
    %swap3A_318 = arith.constant 0 : index
    %swap3A_319 = vector.load %arg23[%swap3A_317, %swap3A_318] : memref<2048x16xf32, #tpu.memory_space<vmem>>, vector<256x16xf32>
    tpu.vector_store %arg23[%swap3A_317, %swap3A_318], %add3A_316 {strides = array<i32>} : memref<2048x16xf32, #tpu.memory_space<vmem>>, vector<256x16xf32>,
    %iota3A_320 = tpu.iota {dimensions = array<i32: 0>} : vector<256x2048xi32>
    %add3A_321 = arith.constant 1792 : i32
    %add3A_322 = vector.broadcast %add3A_321 : i32 to vector<256x2048xi32>
    %add3A_323 = arith.addi %iota3A_320, %add3A_322 : vector<256x2048xi32>
    %eq3A_324 = vector.broadcast %get3A_131 : vector<1x2048xi32> to vector<256x2048xi32>
    %eq3A_325 = arith.cmpi eq, %add3A_323, %eq3A_324 : vector<256x2048xi32>
    %convert_element_type3A_326 = arith.extui %eq3A_325 : vector<256x2048xi1> to vector<256x2048xi32>
    %convert_element_type3A_327 = arith.sitofp %convert_element_type3A_326 : vector<256x2048xi32> to vector<256x2048xf32>
    %convert_element_type3A_328 = arith.truncf %convert_element_type3A_327 : vector<256x2048xf32> to vector<256x2048xbf16>
    %get3A_329 = arith.constant 1792 : index
    %get3A_330 = arith.constant 0 : index
    %get3A_331 = vector.load %arg22[%get3A_329, %get3A_330] : memref<2048x256xf32, #tpu.memory_space<vmem>>, vector<256x256xf32>
    %dot_general3A_332 = arith.constant dense<0.000000e+00> : vector<256x256xf32>
    %dot_general3A_333 = tpu.matmul %convert_element_type3A_328, %convert_element_type3A_122, %dot_general3A_332 {dimension_numbers = #tpu.dot_dimension_numbers<[1], [0], [0], [1], [0, 0, 1, 1], [], []>, transpose_lhs_hint = false} : vector<256x2048xbf16>, vector<2048x256xbf16>, vector<256x256xf32> -> vector<256x256xf32>
    %add3A_334 = arith.addf %get3A_331, %dot_general3A_333 : vector<256x256xf32>
    %swap3A_335 = arith.constant 1792 : index
    %swap3A_336 = arith.constant 0 : index
    %swap3A_337 = vector.load %arg22[%swap3A_335, %swap3A_336] : memref<2048x256xf32, #tpu.memory_space<vmem>>, vector<256x256xf32>
    tpu.vector_store %arg22[%swap3A_335, %swap3A_336], %add3A_334 {strides = array<i32>} : memref<2048x256xf32, #tpu.memory_space<vmem>>, vector<256x256xf32>,
    %get3A_338 = arith.constant 1792 : index
    %get3A_339 = arith.constant 0 : index
    %get3A_340 = vector.load %arg23[%get3A_338, %get3A_339] : memref<2048x16xf32, #tpu.memory_space<vmem>>, vector<256x16xf32>
    %dot_general3A_341 = arith.constant dense<0.000000e+00> : vector<256x16xf32>
    %dot_general3A_342 = tpu.matmul %convert_element_type3A_328, %convert_element_type3A_81, %dot_general3A_341 {dimension_numbers = #tpu.dot_dimension_numbers<[1], [0], [0], [1], [0, 0, 1, 1], [], []>, transpose_lhs_hint = false} : vector<256x2048xbf16>, vector<2048x16xbf16>, vector<256x16xf32> -> vector<256x16xf32>
    %add3A_343 = arith.addf %get3A_340, %dot_general3A_342 : vector<256x16xf32>
    %swap3A_344 = arith.constant 1792 : index
    %swap3A_345 = arith.constant 0 : index
    %swap3A_346 = vector.load %arg23[%swap3A_344, %swap3A_345] : memref<2048x16xf32, #tpu.memory_space<vmem>>, vector<256x16xf32>
    tpu.vector_store %arg23[%swap3A_344, %swap3A_345], %add3A_343 {strides = array<i32>} : memref<2048x16xf32, #tpu.memory_space<vmem>>, vector<256x16xf32>,
    %get3A_347 = arith.constant 0 : index
    %get3A_348 = arith.constant 0 : index
    %get3A_349 = vector.load %arg9[%get3A_347, %get3A_348] : memref<256x256xbf16, #tpu.memory_space<vmem>>, vector<256x256xbf16>
    %dot_general3A_350 = arith.constant dense<0.000000e+00> : vector<2048x256xf32>
    %dot_general3A_351 = tpu.matmul %convert_element_type3A, %get3A_349, %dot_general3A_350 {dimension_numbers = #tpu.dot_dimension_numbers<[1], [0], [0], [1], [0, 0, 1, 1], [], []>, transpose_lhs_hint = false} : vector<2048x256xbf16>, vector<256x256xbf16>, vector<2048x256xf32> -> vector<2048x256xf32>
    %get3A_352 = arith.constant 0 : index
    %get3A_353 = arith.constant 0 : index
    %get3A_354 = vector.load %arg10[%get3A_352, %get3A_353] : memref<1x256xf32, #tpu.memory_space<vmem>>, vector<1x256xf32>
    %add3A_355 = vector.broadcast %get3A_354 : vector<1x256xf32> to vector<2048x256xf32>
    %add3A_356 = arith.addf %dot_general3A_351, %add3A_355 : vector<2048x256xf32>
    %get3A_357 = arith.constant 0 : index
    %get3A_358 = arith.constant 0 : index
    %get3A_359 = vector.load %arg4[%get3A_357, %get3A_358] : memref<2048x256xf32, #tpu.memory_space<vmem>>, vector<2048x256xf32>
    %add3A_360 = arith.addf %get3A_359, %add3A_356 : vector<2048x256xf32>
    %get3A_361 = arith.constant 0 : index
    %get3A_362 = arith.constant 0 : index
    %get3A_363 = vector.load %arg15[%get3A_361, %get3A_362] : memref<1x256xf32, #tpu.memory_space<vmem>>, vector<1x256xf32>
    %get3A_364 = arith.constant 0 : index
    %get3A_365 = arith.constant 0 : index
    %get3A_366 = vector.load %arg16[%get3A_364, %get3A_365] : memref<1x256xf32, #tpu.memory_space<vmem>>, vector<1x256xf32>
    %reduce_sum3A = arith.constant dense<0.000000e+00> : vector<2048xf32>
    %reduce_sum3A_367 = vector.multi_reduction <add>, %add3A_360, %reduce_sum3A [1] : vector<2048x256xf32> to vector<2048xf32>
    %broadcast_in_dim3A_368 = vector.shape_cast %reduce_sum3A_367 : vector<2048xf32> to vector<2048x1xf32>
    %div3A_369 = arith.constant 2.560000e+02 : f32
    %div3A_370 = vector.broadcast %div3A_369 : f32 to vector<2048x1xf32>
    %div3A_371 = arith.divf %broadcast_in_dim3A_368, %div3A_370 : vector<2048x1xf32>
    %sub3A_372 = vector.broadcast %div3A_371 : vector<2048x1xf32> to vector<2048x256xf32>
    %sub3A_373 = arith.subf %add3A_360, %sub3A_372 : vector<2048x256xf32>
    %integer_pow3A = arith.mulf %sub3A_373, %sub3A_373 : vector<2048x256xf32>
    %reduce_sum3A_374 = arith.constant dense<0.000000e+00> : vector<2048xf32>
    %reduce_sum3A_375 = vector.multi_reduction <add>, %integer_pow3A, %reduce_sum3A_374 [1] : vector<2048x256xf32> to vector<2048xf32>
    %broadcast_in_dim3A_376 = vector.shape_cast %reduce_sum3A_375 : vector<2048xf32> to vector<2048x1xf32>
    %div3A_377 = arith.constant 2.560000e+02 : f32
    %div3A_378 = vector.broadcast %div3A_377 : f32 to vector<2048x1xf32>
    %div3A_379 = arith.divf %broadcast_in_dim3A_376, %div3A_378 : vector<2048x1xf32>
    %sub3A_380 = vector.broadcast %div3A_371 : vector<2048x1xf32> to vector<2048x256xf32>
    %sub3A_381 = arith.subf %add3A_360, %sub3A_380 : vector<2048x256xf32>
    %add3A_382 = arith.constant 9.99999974E-6 : f32
    %add3A_383 = vector.broadcast %add3A_382 : f32 to vector<2048x1xf32>
    %add3A_384 = arith.addf %div3A_379, %add3A_383 : vector<2048x1xf32>
    %rsqrt3A = math.rsqrt %add3A_384 : vector<2048x1xf32>
    %mul3A_385 = vector.broadcast %rsqrt3A : vector<2048x1xf32> to vector<2048x256xf32>
    %mul3A_386 = arith.mulf %sub3A_381, %mul3A_385 : vector<2048x256xf32>
    %mul3A_387 = vector.broadcast %get3A_363 : vector<1x256xf32> to vector<2048x256xf32>
    %mul3A_388 = arith.mulf %mul3A_386, %mul3A_387 : vector<2048x256xf32>
    %add3A_389 = vector.broadcast %get3A_366 : vector<1x256xf32> to vector<2048x256xf32>
    %add3A_390 = arith.addf %mul3A_388, %add3A_389 : vector<2048x256xf32>
    %convert_element_type3A_391 = arith.truncf %add3A_390 : vector<2048x256xf32> to vector<2048x256xbf16>
    %get3A_392 = arith.constant 0 : index
    %get3A_393 = arith.constant 0 : index
    %get3A_394 = vector.load %arg11[%get3A_392, %get3A_393] : memref<256x1024xbf16, #tpu.memory_space<vmem>>, vector<256x1024xbf16>
    %dot_general3A_395 = arith.constant dense<0.000000e+00> : vector<2048x1024xf32>
    %dot_general3A_396 = tpu.matmul %convert_element_type3A_391, %get3A_394, %dot_general3A_395 {dimension_numbers = #tpu.dot_dimension_numbers<[1], [0], [0], [1], [0, 0, 1, 1], [], []>, transpose_lhs_hint = false} : vector<2048x256xbf16>, vector<256x1024xbf16>, vector<2048x1024xf32> -> vector<2048x1024xf32>
    %get3A_397 = arith.constant 0 : index
    %get3A_398 = arith.constant 0 : index
    %get3A_399 = vector.load %arg12[%get3A_397, %get3A_398] : memref<1x1024xf32, #tpu.memory_space<vmem>>, vector<1x1024xf32>
    %add3A_400 = vector.broadcast %get3A_399 : vector<1x1024xf32> to vector<2048x1024xf32>
    %add3A_401 = arith.addf %dot_general3A_396, %add3A_400 : vector<2048x1024xf32>
    %max3A = arith.constant 0.000000e+00 : f32
    %max3A_402 = vector.broadcast %max3A : f32 to vector<2048x1024xf32>
    %max3A_403 = arith.maximumf %add3A_401, %max3A_402 : vector<2048x1024xf32>
    %convert_element_type3A_404 = arith.truncf %max3A_403 : vector<2048x1024xf32> to vector<2048x1024xbf16>
    %get3A_405 = arith.constant 0 : index
    %get3A_406 = arith.constant 0 : index
    %get3A_407 = vector.load %arg13[%get3A_405, %get3A_406] : memref<1024x256xbf16, #tpu.memory_space<vmem>>, vector<1024x256xbf16>
    %dot_general3A_408 = arith.constant dense<0.000000e+00> : vector<2048x256xf32>
    %dot_general3A_409 = tpu.matmul %convert_element_type3A_404, %get3A_407, %dot_general3A_408 {dimension_numbers = #tpu.dot_dimension_numbers<[1], [0], [0], [1], [0, 0, 1, 1], [], []>, transpose_lhs_hint = false} : vector<2048x1024xbf16>, vector<1024x256xbf16>, vector<2048x256xf32> -> vector<2048x256xf32>
    %add3A_410 = arith.addf %add3A_390, %dot_general3A_409 : vector<2048x256xf32>
    %get3A_411 = arith.constant 0 : index
    %get3A_412 = arith.constant 0 : index
    %get3A_413 = vector.load %arg14[%get3A_411, %get3A_412] : memref<1x256xf32, #tpu.memory_space<vmem>>, vector<1x256xf32>
    %add3A_414 = vector.broadcast %get3A_413 : vector<1x256xf32> to vector<2048x256xf32>
    %add3A_415 = arith.addf %add3A_410, %add3A_414 : vector<2048x256xf32>
    %get3A_416 = arith.constant 0 : index
    %get3A_417 = arith.constant 0 : index
    %get3A_418 = vector.load %arg17[%get3A_416, %get3A_417] : memref<1x256xf32, #tpu.memory_space<vmem>>, vector<1x256xf32>
    %get3A_419 = arith.constant 0 : index
    %get3A_420 = arith.constant 0 : index
    %get3A_421 = vector.load %arg18[%get3A_419, %get3A_420] : memref<1x256xf32, #tpu.memory_space<vmem>>, vector<1x256xf32>
    %reduce_sum3A_422 = arith.constant dense<0.000000e+00> : vector<2048xf32>
    %reduce_sum3A_423 = vector.multi_reduction <add>, %add3A_415, %reduce_sum3A_422 [1] : vector<2048x256xf32> to vector<2048xf32>
    %broadcast_in_dim3A_424 = vector.shape_cast %reduce_sum3A_423 : vector<2048xf32> to vector<2048x1xf32>
    %div3A_425 = arith.constant 2.560000e+02 : f32
    %div3A_426 = vector.broadcast %div3A_425 : f32 to vector<2048x1xf32>
    %div3A_427 = arith.divf %broadcast_in_dim3A_424, %div3A_426 : vector<2048x1xf32>
    %sub3A_428 = vector.broadcast %div3A_427 : vector<2048x1xf32> to vector<2048x256xf32>
    %sub3A_429 = arith.subf %add3A_415, %sub3A_428 : vector<2048x256xf32>
    %integer_pow3A_430 = arith.mulf %sub3A_429, %sub3A_429 : vector<2048x256xf32>
    %reduce_sum3A_431 = arith.constant dense<0.000000e+00> : vector<2048xf32>
    %reduce_sum3A_432 = vector.multi_reduction <add>, %integer_pow3A_430, %reduce_sum3A_431 [1] : vector<2048x256xf32> to vector<2048xf32>
    %broadcast_in_dim3A_433 = vector.shape_cast %reduce_sum3A_432 : vector<2048xf32> to vector<2048x1xf32>
    %div3A_434 = arith.constant 2.560000e+02 : f32
    %div3A_435 = vector.broadcast %div3A_434 : f32 to vector<2048x1xf32>
    %div3A_436 = arith.divf %broadcast_in_dim3A_433, %div3A_435 : vector<2048x1xf32>
    %sub3A_437 = vector.broadcast %div3A_427 : vector<2048x1xf32> to vector<2048x256xf32>
    %sub3A_438 = arith.subf %add3A_415, %sub3A_437 : vector<2048x256xf32>
    %add3A_439 = arith.constant 9.99999974E-6 : f32
    %add3A_440 = vector.broadcast %add3A_439 : f32 to vector<2048x1xf32>
    %add3A_441 = arith.addf %div3A_436, %add3A_440 : vector<2048x1xf32>
    %rsqrt3A_442 = math.rsqrt %add3A_441 : vector<2048x1xf32>
    %mul3A_443 = vector.broadcast %rsqrt3A_442 : vector<2048x1xf32> to vector<2048x256xf32>
    %mul3A_444 = arith.mulf %sub3A_438, %mul3A_443 : vector<2048x256xf32>
    %mul3A_445 = vector.broadcast %get3A_418 : vector<1x256xf32> to vector<2048x256xf32>
    %mul3A_446 = arith.mulf %mul3A_444, %mul3A_445 : vector<2048x256xf32>
    %add3A_447 = vector.broadcast %get3A_421 : vector<1x256xf32> to vector<2048x256xf32>
    %add3A_448 = arith.addf %mul3A_446, %add3A_447 : vector<2048x256xf32>
    %swap3A_449 = arith.constant 0 : index
    %swap3A_450 = arith.constant 0 : index
    %swap3A_451 = vector.load %arg21[%swap3A_449, %swap3A_450] : memref<2048x256xf32, #tpu.memory_space<vmem>>, vector<2048x256xf32>
    tpu.vector_store %arg21[%swap3A_449, %swap3A_450], %add3A_448 {strides = array<i32>} : memref<2048x256xf32, #tpu.memory_space<vmem>>, vector<2048x256xf32>,
    return
  }
  func.func @transform_0(%arg0: i32) -> (i32, i32, i32) {
    %add3A = arith.constant 0 : i32
    %add3A_0 = arith.addi %arg0, %add3A : i32
    %c0_i32 = arith.constant 0 : i32
    %c0_i32_1 = arith.constant 0 : i32
    %c0_i32_2 = arith.constant 0 : i32
    return %add3A_0, %c0_i32, %c0_i32_1 : i32, i32, i32
  }
  func.func @transform_1(%arg0: i32) -> (i32, i32) {
    %c0_i32 = arith.constant 0 : i32
    %c0_i32_0 = arith.constant 0 : i32
    return %arg0, %c0_i32 : i32, i32
  }
  func.func @transform_2(%arg0: i32) -> (i32, i32) {
    %c0_i32 = arith.constant 0 : i32
    %c0_i32_0 = arith.constant 0 : i32
    return %arg0, %c0_i32 : i32, i32
  }
  func.func @transform_3(%arg0: i32) -> (i32, i32) {
    %add3A = arith.constant 0 : i32
    %add3A_0 = arith.addi %arg0, %add3A : i32
    %c0_i32 = arith.constant 0 : i32
    %c0_i32_1 = arith.constant 0 : i32
    return %add3A_0, %c0_i32 : i32, i32
  }
  func.func @transform_4(%arg0: i32) -> (i32, i32) {
    %c0_i32 = arith.constant 0 : i32
    %c0_i32_0 = arith.constant 0 : i32
    %c0_i32_1 = arith.constant 0 : i32
    return %c0_i32, %c0_i32_0 : i32, i32
  }
  func.func @transform_5(%arg0: i32) -> (i32, i32) {
    %c0_i32 = arith.constant 0 : i32
    %c0_i32_0 = arith.constant 0 : i32
    %c0_i32_1 = arith.constant 0 : i32
    return %c0_i32, %c0_i32_0 : i32, i32
  }
  func.func @transform_6(%arg0: i32) -> (i32, i32) {
    %c0_i32 = arith.constant 0 : i32
    %c0_i32_0 = arith.constant 0 : i32
    %c0_i32_1 = arith.constant 0 : i32
    return %c0_i32, %c0_i32_0 : i32, i32
  }
  func.func @transform_7(%arg0: i32) -> (i32, i32) {
    %c0_i32 = arith.constant 0 : i32
    %c0_i32_0 = arith.constant 0 : i32
    %c0_i32_1 = arith.constant 0 : i32
    return %c0_i32, %c0_i32_0 : i32, i32
  }
  func.func @transform_8(%arg0: i32) -> (i32, i32) {
    %c0_i32 = arith.constant 0 : i32
    %c0_i32_0 = arith.constant 0 : i32
    %c0_i32_1 = arith.constant 0 : i32
    return %c0_i32, %c0_i32_0 : i32, i32
  }
  func.func @transform_9(%arg0: i32) -> (i32, i32) {
    %c0_i32 = arith.constant 0 : i32
    %c0_i32_0 = arith.constant 0 : i32
    %c0_i32_1 = arith.constant 0 : i32
    return %c0_i32, %c0_i32_0 : i32, i32
  }
  func.func @transform_10(%arg0: i32) -> (i32, i32) {
    %c0_i32 = arith.constant 0 : i32
    %c0_i32_0 = arith.constant 0 : i32
    %c0_i32_1 = arith.constant 0 : i32
    return %c0_i32, %c0_i32_0 : i32, i32
  }
  func.func @transform_11(%arg0: i32) -> (i32, i32) {
    %c0_i32 = arith.constant 0 : i32
    %c0_i32_0 = arith.constant 0 : i32
    %c0_i32_1 = arith.constant 0 : i32
    return %c0_i32, %c0_i32_0 : i32, i32
  }
  func.func @transform_12(%arg0: i32) -> (i32, i32) {
    %c0_i32 = arith.constant 0 : i32
    %c0_i32_0 = arith.constant 0 : i32
    %c0_i32_1 = arith.constant 0 : i32
    return %c0_i32, %c0_i32_0 : i32, i32
  }
  func.func @transform_13(%arg0: i32) -> (i32, i32) {
    %c0_i32 = arith.constant 0 : i32
    %c0_i32_0 = arith.constant 0 : i32
    %c0_i32_1 = arith.constant 0 : i32
    return %c0_i32, %c0_i32_0 : i32, i32
  }
  func.func @transform_14(%arg0: i32) -> (i32, i32) {
    %c0_i32 = arith.constant 0 : i32
    %c0_i32_0 = arith.constant 0 : i32
    %c0_i32_1 = arith.constant 0 : i32
    return %c0_i32, %c0_i32_0 : i32, i32
  }
  func.func @transform_15(%arg0: i32) -> (i32, i32) {
    %c0_i32 = arith.constant 0 : i32
    %c0_i32_0 = arith.constant 0 : i32
    %c0_i32_1 = arith.constant 0 : i32
    return %c0_i32, %c0_i32_0 : i32, i32
  }
  func.func @transform_16(%arg0: i32) -> (i32, i32) {
    %c0_i32 = arith.constant 0 : i32
    %c0_i32_0 = arith.constant 0 : i32
    %c0_i32_1 = arith.constant 0 : i32
    return %c0_i32, %c0_i32_0 : i32, i32
  }
  func.func @transform_17(%arg0: i32) -> (i32, i32) {
    %c0_i32 = arith.constant 0 : i32
    %c0_i32_0 = arith.constant 0 : i32
    %c0_i32_1 = arith.constant 0 : i32
    return %c0_i32, %c0_i32_0 : i32, i32
  }
  func.func @transform_18(%arg0: i32) -> (i32, i32) {
    %c0_i32 = arith.constant 0 : i32
    %c0_i32_0 = arith.constant 0 : i32
    %c0_i32_1 = arith.constant 0 : i32
    return %c0_i32, %c0_i32_0 : i32, i32
  }
  func.func @transform_19(%arg0: i32) -> (i32, i32) {
    %c0_i32 = arith.constant 0 : i32
    %c0_i32_0 = arith.constant 0 : i32
    %c0_i32_1 = arith.constant 0 : i32
    return %c0_i32, %c0_i32_0 : i32, i32
  }
  func.func @transform_20(%arg0: i32) -> (i32, i32) {
    %add3A = arith.constant 0 : i32
    %add3A_0 = arith.addi %arg0, %add3A : i32
    %c0_i32 = arith.constant 0 : i32
    %c0_i32_1 = arith.constant 0 : i32
    return %add3A_0, %c0_i32 : i32, i32
  }
  func.func @transform_21(%arg0: i32) -> (i32, i32) {
    %c0_i32 = arith.constant 0 : i32
    %c0_i32_0 = arith.constant 0 : i32
    %c0_i32_1 = arith.constant 0 : i32
    return %c0_i32, %c0_i32_0 : i32, i32
  }
  func.func @transform_22(%arg0: i32) -> (i32, i32) {
    %c0_i32 = arith.constant 0 : i32
    %c0_i32_0 = arith.constant 0 : i32
    %c0_i32_1 = arith.constant 0 : i32
    return %c0_i32, %c0_i32_0 : i32, i32
  }
}

module attributes {stable_mosaic.version = 14 : i64} {
  func.func @_edge_body(%arg0: i32, %arg1: memref<1x1x2048xi32, #tpu.memory_space<vmem>>, %arg2: memref<2048x128xi32, #tpu.memory_space<vmem>>, %arg3: memref<2048x128xi32, #tpu.memory_space<vmem>>, %arg4: memref<2048x256xf32, #tpu.memory_space<vmem>>, %arg5: memref<256x256xbf16, #tpu.memory_space<vmem>>, %arg6: memref<1x256xf32, #tpu.memory_space<vmem>>, %arg7: memref<256x256xbf16, #tpu.memory_space<vmem>>, %arg8: memref<1x256xf32, #tpu.memory_space<vmem>>, %arg9: memref<256x256xbf16, #tpu.memory_space<vmem>>, %arg10: memref<1x256xf32, #tpu.memory_space<vmem>>, %arg11: memref<256x1024xbf16, #tpu.memory_space<vmem>>, %arg12: memref<1x1024xf32, #tpu.memory_space<vmem>>, %arg13: memref<1024x256xbf16, #tpu.memory_space<vmem>>, %arg14: memref<1x256xf32, #tpu.memory_space<vmem>>, %arg15: memref<1x256xf32, #tpu.memory_space<vmem>>, %arg16: memref<1x256xf32, #tpu.memory_space<vmem>>, %arg17: memref<1x256xf32, #tpu.memory_space<vmem>>, %arg18: memref<1x256xf32, #tpu.memory_space<vmem>>, %arg19: memref<2048x256xf32, #tpu.memory_space<vmem>>, %arg20: memref<2048x16xf32, #tpu.memory_space<vmem>>, %arg21: memref<8x128xf32, #tpu.memory_space<vmem>>, %arg22: memref<2048x256xf32, #tpu.memory_space<vmem>>, %arg23: memref<2048x256xf32, #tpu.memory_space<vmem>>, %arg24: memref<2048x16xf32, #tpu.memory_space<vmem>>) attributes {dimension_semantics = [#tpu.dimension_semantics<arbitrary>], iteration_bounds = array<i64: 24>, scalar_prefetch = 0 : i64, scratch_operands = 0 : i64, tpu.core_type = #tpu.core_type<tc>, window_params = [{transform_indices = @transform_0, window_bounds = array<i64: 1, 1, 2048>}, {transform_indices = @transform_1, window_bounds = array<i64: 2048, 128>}, {transform_indices = @transform_2, window_bounds = array<i64: 2048, 128>}, {transform_indices = @transform_3, window_bounds = array<i64: 2048, 256>}, {pipeline_mode = #tpu.pipeline_mode<synchronous>, transform_indices = @transform_4, window_bounds = array<i64: 256, 256>}, {pipeline_mode = #tpu.pipeline_mode<synchronous>, transform_indices = @transform_5, window_bounds = array<i64: 1, 256>}, {pipeline_mode = #tpu.pipeline_mode<synchronous>, transform_indices = @transform_6, window_bounds = array<i64: 256, 256>}, {pipeline_mode = #tpu.pipeline_mode<synchronous>, transform_indices = @transform_7, window_bounds = array<i64: 1, 256>}, {pipeline_mode = #tpu.pipeline_mode<synchronous>, transform_indices = @transform_8, window_bounds = array<i64: 256, 256>}, {pipeline_mode = #tpu.pipeline_mode<synchronous>, transform_indices = @transform_9, window_bounds = array<i64: 1, 256>}, {pipeline_mode = #tpu.pipeline_mode<synchronous>, transform_indices = @transform_10, window_bounds = array<i64: 256, 1024>}, {pipeline_mode = #tpu.pipeline_mode<synchronous>, transform_indices = @transform_11, window_bounds = array<i64: 1, 1024>}, {pipeline_mode = #tpu.pipeline_mode<synchronous>, transform_indices = @transform_12, window_bounds = array<i64: 1024, 256>}, {pipeline_mode = #tpu.pipeline_mode<synchronous>, transform_indices = @transform_13, window_bounds = array<i64: 1, 256>}, {pipeline_mode = #tpu.pipeline_mode<synchronous>, transform_indices = @transform_14, window_bounds = array<i64: 1, 256>}, {pipeline_mode = #tpu.pipeline_mode<synchronous>, transform_indices = @transform_15, window_bounds = array<i64: 1, 256>}, {pipeline_mode = #tpu.pipeline_mode<synchronous>, transform_indices = @transform_16, window_bounds = array<i64: 1, 256>}, {pipeline_mode = #tpu.pipeline_mode<synchronous>, transform_indices = @transform_17, window_bounds = array<i64: 1, 256>}, {pipeline_mode = #tpu.pipeline_mode<synchronous>, transform_indices = @transform_18, window_bounds = array<i64: 2048, 256>}, {pipeline_mode = #tpu.pipeline_mode<synchronous>, transform_indices = @transform_19, window_bounds = array<i64: 2048, 16>}, {transform_indices = @transform_20, window_bounds = array<i64: 8, 128>}, {transform_indices = @transform_21, window_bounds = array<i64: 2048, 256>}, {pipeline_mode = #tpu.pipeline_mode<synchronous>, transform_indices = @transform_22, window_bounds = array<i64: 2048, 256>}, {pipeline_mode = #tpu.pipeline_mode<synchronous>, transform_indices = @transform_23, window_bounds = array<i64: 2048, 16>}]} {
    %get3A = arith.constant 0 : index
    %get3A_0 = arith.constant 0 : index
    %get3A_1 = vector.load %arg2[%get3A, %get3A_0] : memref<2048x128xi32, #tpu.memory_space<vmem>>, vector<2048x128xi32>
    %shift_left3A = arith.constant 16 : i32
    %shift_left3A_2 = vector.broadcast %shift_left3A : i32 to vector<2048x128xi32>
    %shift_left3A_3 = arith.shli %get3A_1, %shift_left3A_2 : vector<2048x128xi32>
    %bitcast_convert_type3A = tpu.bitcast %shift_left3A_3 : vector<2048x128xi32> -> vector<2048x128xf32>
    %and3A = arith.constant -65536 : i32
    %and3A_4 = vector.broadcast %and3A : i32 to vector<2048x128xi32>
    %and3A_5 = arith.andi %get3A_1, %and3A_4 : vector<2048x128xi32>
    %bitcast_convert_type3A_6 = tpu.bitcast %and3A_5 : vector<2048x128xi32> -> vector<2048x128xf32>
    %concatenate3A = tpu.concatenate %bitcast_convert_type3A, %bitcast_convert_type3A_6 in 1 : vector<2048x128xf32>, vector<2048x128xf32> -> vector<2048x256xf32>
    %get3A_7 = arith.constant 0 : index
    %get3A_8 = arith.constant 0 : index
    %get3A_9 = vector.load %arg4[%get3A_7, %get3A_8] : memref<2048x256xf32, #tpu.memory_space<vmem>>, vector<2048x256xf32>
    %mul3A = arith.mulf %concatenate3A, %get3A_9 : vector<2048x256xf32>
    %convert_element_type3A = arith.truncf %mul3A : vector<2048x256xf32> to vector<2048x256xbf16>
    %get3A_10 = arith.constant 0 : index
    %get3A_11 = arith.constant 0 : index
    %get3A_12 = vector.load %arg5[%get3A_10, %get3A_11] : memref<256x256xbf16, #tpu.memory_space<vmem>>, vector<256x256xbf16>
    %dot_general3A = arith.constant dense<0.000000e+00> : vector<2048x256xf32>
    %dot_general3A_13 = tpu.matmul %convert_element_type3A, %get3A_12, %dot_general3A {dimension_numbers = #tpu.dot_dimension_numbers<[1], [0], [0], [1], [0, 0, 1, 1], [], []>, transpose_lhs_hint = false} : vector<2048x256xbf16>, vector<256x256xbf16>, vector<2048x256xf32> -> vector<2048x256xf32>
    %get3A_14 = arith.constant 0 : index
    %get3A_15 = arith.constant 0 : index
    %get3A_16 = vector.load %arg6[%get3A_14, %get3A_15] : memref<1x256xf32, #tpu.memory_space<vmem>>, vector<1x256xf32>
    %add3A = vector.broadcast %get3A_16 : vector<1x256xf32> to vector<2048x256xf32>
    %add3A_17 = arith.addf %dot_general3A_13, %add3A : vector<2048x256xf32>
    %get3A_18 = arith.constant 0 : index
    %get3A_19 = arith.constant 0 : index
    %get3A_20 = vector.load %arg7[%get3A_18, %get3A_19] : memref<256x256xbf16, #tpu.memory_space<vmem>>, vector<256x256xbf16>
    %dot_general3A_21 = arith.constant dense<0.000000e+00> : vector<2048x256xf32>
    %dot_general3A_22 = tpu.matmul %convert_element_type3A, %get3A_20, %dot_general3A_21 {dimension_numbers = #tpu.dot_dimension_numbers<[1], [0], [0], [1], [0, 0, 1, 1], [], []>, transpose_lhs_hint = false} : vector<2048x256xbf16>, vector<256x256xbf16>, vector<2048x256xf32> -> vector<2048x256xf32>
    %get3A_23 = arith.constant 0 : index
    %get3A_24 = arith.constant 0 : index
    %get3A_25 = vector.load %arg8[%get3A_23, %get3A_24] : memref<1x256xf32, #tpu.memory_space<vmem>>, vector<1x256xf32>
    %add3A_26 = vector.broadcast %get3A_25 : vector<1x256xf32> to vector<2048x256xf32>
    %add3A_27 = arith.addf %dot_general3A_22, %add3A_26 : vector<2048x256xf32>
    %get3A_28 = arith.constant 0 : index
    %get3A_29 = arith.constant 0 : index
    %get3A_30 = vector.load %arg3[%get3A_28, %get3A_29] : memref<2048x128xi32, #tpu.memory_space<vmem>>, vector<2048x128xi32>
    %shift_left3A_31 = arith.constant 16 : i32
    %shift_left3A_32 = vector.broadcast %shift_left3A_31 : i32 to vector<2048x128xi32>
    %shift_left3A_33 = arith.shli %get3A_30, %shift_left3A_32 : vector<2048x128xi32>
    %bitcast_convert_type3A_34 = tpu.bitcast %shift_left3A_33 : vector<2048x128xi32> -> vector<2048x128xf32>
    %and3A_35 = arith.constant -65536 : i32
    %and3A_36 = vector.broadcast %and3A_35 : i32 to vector<2048x128xi32>
    %and3A_37 = arith.andi %get3A_30, %and3A_36 : vector<2048x128xi32>
    %bitcast_convert_type3A_38 = tpu.bitcast %and3A_37 : vector<2048x128xi32> -> vector<2048x128xf32>
    %concatenate3A_39 = tpu.concatenate %bitcast_convert_type3A_34, %bitcast_convert_type3A_38 in 1 : vector<2048x128xf32>, vector<2048x128xf32> -> vector<2048x256xf32>
    %mul3A_40 = arith.mulf %concatenate3A_39, %add3A_17 : vector<2048x256xf32>
    %iota3A = tpu.iota {dimensions = array<i32: 0>} : vector<256x16xi32>
    %jit3A = arith.constant 64 : i32
    %div3A = vector.broadcast %jit3A : i32 to vector<256x16xi32>
    %div3A_41 = arith.divsi %iota3A, %div3A : vector<256x16xi32>
    %sign3A = arith.constant 0 : i32
    %sign3A_42 = vector.broadcast %sign3A : i32 to vector<256x16xi32>
    %sign3A_43 = arith.cmpi sgt, %iota3A, %sign3A_42 : vector<256x16xi32>
    %sign3A_44 = arith.extui %sign3A_43 : vector<256x16xi1> to vector<256x16xi32>
    %sign3A_45 = arith.constant 0 : i32
    %sign3A_46 = vector.broadcast %sign3A_45 : i32 to vector<256x16xi32>
    %sign3A_47 = arith.cmpi slt, %iota3A, %sign3A_46 : vector<256x16xi32>
    %sign3A_48 = arith.extui %sign3A_47 : vector<256x16xi1> to vector<256x16xi32>
    %sign3A_49 = arith.subi %sign3A_44, %sign3A_48 : vector<256x16xi32>
    %sign3A_50 = arith.constant 0 : i32
    %sign3A_51 = arith.cmpi sgt, %jit3A, %sign3A_50 : i32
    %sign3A_52 = arith.extui %sign3A_51 : i1 to i32
    %sign3A_53 = arith.constant 0 : i32
    %sign3A_54 = arith.cmpi slt, %jit3A, %sign3A_53 : i32
    %sign3A_55 = arith.extui %sign3A_54 : i1 to i32
    %sign3A_56 = arith.subi %sign3A_52, %sign3A_55 : i32
    %ne3A = vector.broadcast %sign3A_56 : i32 to vector<256x16xi32>
    %ne3A_57 = arith.cmpi ne, %sign3A_49, %ne3A : vector<256x16xi32>
    %rem3A = vector.broadcast %jit3A : i32 to vector<256x16xi32>
    %rem3A_58 = arith.remsi %iota3A, %rem3A : vector<256x16xi32>
    %ne3A_59 = arith.constant 0 : i32
    %ne3A_60 = vector.broadcast %ne3A_59 : i32 to vector<256x16xi32>
    %ne3A_61 = arith.cmpi ne, %rem3A_58, %ne3A_60 : vector<256x16xi32>
    %and3A_62 = arith.andi %ne3A_57, %ne3A_61 : vector<256x16xi1>
    %sub3A = arith.constant 1 : i32
    %sub3A_63 = vector.broadcast %sub3A : i32 to vector<256x16xi32>
    %sub3A_64 = arith.subi %div3A_41, %sub3A_63 : vector<256x16xi32>
    %select_n3A = arith.select %and3A_62, %sub3A_64, %div3A_41 : vector<256x16xi1>, vector<256x16xi32>
    %iota3A_65 = tpu.iota {dimensions = array<i32: 1>} : vector<256x16xi32>
    %eq3A = arith.cmpi eq, %select_n3A, %iota3A_65 : vector<256x16xi32>
    %jit3A_66 = arith.constant 1.250000e-01 : f32
    %jit3A_67 = arith.constant 0.000000e+00 : f32
    %broadcast_in_dim3A = vector.broadcast %jit3A_66 : f32 to vector<256x16xf32>
    %broadcast_in_dim3A_68 = vector.broadcast %jit3A_67 : f32 to vector<256x16xf32>
    %select_n3A_69 = arith.select %eq3A, %broadcast_in_dim3A, %broadcast_in_dim3A_68 : vector<256x16xi1>, vector<256x16xf32>
    %convert_element_type3A_70 = arith.truncf %select_n3A_69 : vector<256x16xf32> to vector<256x16xbf16>
    %convert_element_type3A_71 = arith.truncf %mul3A_40 : vector<2048x256xf32> to vector<2048x256xbf16>
    %dot_general3A_72 = arith.constant dense<0.000000e+00> : vector<2048x16xf32>
    %dot_general3A_73 = tpu.matmul %convert_element_type3A_71, %convert_element_type3A_70, %dot_general3A_72 {dimension_numbers = #tpu.dot_dimension_numbers<[1], [0], [0], [1], [0, 0, 1, 1], [], []>, transpose_lhs_hint = false} : vector<2048x256xbf16>, vector<256x16xbf16>, vector<2048x16xf32> -> vector<2048x16xf32>
    %iota3A_74 = tpu.iota {dimensions = array<i32: 1>} : vector<1x16xi32>
    %lt3A = arith.constant 4 : i32
    %lt3A_75 = vector.broadcast %lt3A : i32 to vector<1x16xi32>
    %lt3A_76 = arith.cmpi slt, %iota3A_74, %lt3A_75 : vector<1x16xi32>
    %convert_element_type3A_77 = arith.extui %lt3A_76 : vector<1x16xi1> to vector<1x16xi32>
    %convert_element_type3A_78 = arith.sitofp %convert_element_type3A_77 : vector<1x16xi32> to vector<1x16xf32>
    %exp3A = math.exp %dot_general3A_73 : vector<2048x16xf32>
    %mul3A_79 = vector.broadcast %convert_element_type3A_78 : vector<1x16xf32> to vector<2048x16xf32>
    %mul3A_80 = arith.mulf %exp3A, %mul3A_79 : vector<2048x16xf32>
    %convert_element_type3A_81 = arith.truncf %mul3A_80 : vector<2048x16xf32> to vector<2048x16xbf16>
    %iota3A_82 = tpu.iota {dimensions = array<i32: 0>} : vector<16x256xi32>
    %iota3A_83 = tpu.iota {dimensions = array<i32: 1>} : vector<16x256xi32>
    %jit3A_84 = arith.constant 64 : i32
    %div3A_85 = vector.broadcast %jit3A_84 : i32 to vector<16x256xi32>
    %div3A_86 = arith.divsi %iota3A_83, %div3A_85 : vector<16x256xi32>
    %sign3A_87 = arith.constant 0 : i32
    %sign3A_88 = vector.broadcast %sign3A_87 : i32 to vector<16x256xi32>
    %sign3A_89 = arith.cmpi sgt, %iota3A_83, %sign3A_88 : vector<16x256xi32>
    %sign3A_90 = arith.extui %sign3A_89 : vector<16x256xi1> to vector<16x256xi32>
    %sign3A_91 = arith.constant 0 : i32
    %sign3A_92 = vector.broadcast %sign3A_91 : i32 to vector<16x256xi32>
    %sign3A_93 = arith.cmpi slt, %iota3A_83, %sign3A_92 : vector<16x256xi32>
    %sign3A_94 = arith.extui %sign3A_93 : vector<16x256xi1> to vector<16x256xi32>
    %sign3A_95 = arith.subi %sign3A_90, %sign3A_94 : vector<16x256xi32>
    %sign3A_96 = arith.constant 0 : i32
    %sign3A_97 = arith.cmpi sgt, %jit3A_84, %sign3A_96 : i32
    %sign3A_98 = arith.extui %sign3A_97 : i1 to i32
    %sign3A_99 = arith.constant 0 : i32
    %sign3A_100 = arith.cmpi slt, %jit3A_84, %sign3A_99 : i32
    %sign3A_101 = arith.extui %sign3A_100 : i1 to i32
    %sign3A_102 = arith.subi %sign3A_98, %sign3A_101 : i32
    %ne3A_103 = vector.broadcast %sign3A_102 : i32 to vector<16x256xi32>
    %ne3A_104 = arith.cmpi ne, %sign3A_95, %ne3A_103 : vector<16x256xi32>
    %rem3A_105 = vector.broadcast %jit3A_84 : i32 to vector<16x256xi32>
    %rem3A_106 = arith.remsi %iota3A_83, %rem3A_105 : vector<16x256xi32>
    %ne3A_107 = arith.constant 0 : i32
    %ne3A_108 = vector.broadcast %ne3A_107 : i32 to vector<16x256xi32>
    %ne3A_109 = arith.cmpi ne, %rem3A_106, %ne3A_108 : vector<16x256xi32>
    %and3A_110 = arith.andi %ne3A_104, %ne3A_109 : vector<16x256xi1>
    %sub3A_111 = arith.constant 1 : i32
    %sub3A_112 = vector.broadcast %sub3A_111 : i32 to vector<16x256xi32>
    %sub3A_113 = arith.subi %div3A_86, %sub3A_112 : vector<16x256xi32>
    %select_n3A_114 = arith.select %and3A_110, %sub3A_113, %div3A_86 : vector<16x256xi1>, vector<16x256xi32>
    %eq3A_115 = arith.cmpi eq, %iota3A_82, %select_n3A_114 : vector<16x256xi32>
    %convert_element_type3A_116 = arith.extui %eq3A_115 : vector<16x256xi1> to vector<16x256xi32>
    %convert_element_type3A_117 = arith.sitofp %convert_element_type3A_116 : vector<16x256xi32> to vector<16x256xf32>
    %convert_element_type3A_118 = arith.truncf %convert_element_type3A_117 : vector<16x256xf32> to vector<16x256xbf16>
    %dot_general3A_119 = arith.constant dense<0.000000e+00> : vector<2048x256xf32>
    %dot_general3A_120 = tpu.matmul %convert_element_type3A_81, %convert_element_type3A_118, %dot_general3A_119 {dimension_numbers = #tpu.dot_dimension_numbers<[1], [0], [0], [1], [0, 0, 1, 1], [], []>, transpose_lhs_hint = false} : vector<2048x16xbf16>, vector<16x256xbf16>, vector<2048x256xf32> -> vector<2048x256xf32>
    %mul3A_121 = arith.mulf %dot_general3A_120, %add3A_27 : vector<2048x256xf32>
    %convert_element_type3A_122 = arith.truncf %mul3A_121 : vector<2048x256xf32> to vector<2048x256xbf16>
    %eq3A_123 = arith.constant 0 : i32
    %eq3A_124 = arith.cmpi eq, %arg0, %eq3A_123 : i32
    %convert_element_type3A_125 = arith.extui %eq3A_124 : i1 to i32
    %cond3A = arith.constant 0 : i32
    %cond3A_126 = arith.cmpi ne, %convert_element_type3A_125, %cond3A : i32
    scf.if %cond3A_126 {
      %get3A_452 = arith.constant 0 : index
      %get3A_453 = arith.constant 0 : index
      %get3A_454 = vector.load %arg19[%get3A_452, %get3A_453] : memref<2048x256xf32, #tpu.memory_space<vmem>>, vector<2048x256xf32>
      %swap3A_455 = arith.constant 0 : index
      %swap3A_456 = arith.constant 0 : index
      %swap3A_457 = vector.load %arg23[%swap3A_455, %swap3A_456] : memref<2048x256xf32, #tpu.memory_space<vmem>>, vector<2048x256xf32>
      tpu.vector_store %arg23[%swap3A_455, %swap3A_456], %get3A_454 {strides = array<i32>} : memref<2048x256xf32, #tpu.memory_space<vmem>>, vector<2048x256xf32>,
      %get3A_458 = arith.constant 0 : index
      %get3A_459 = arith.constant 0 : index
      %get3A_460 = vector.load %arg20[%get3A_458, %get3A_459] : memref<2048x16xf32, #tpu.memory_space<vmem>>, vector<2048x16xf32>
      %swap3A_461 = arith.constant 0 : index
      %swap3A_462 = arith.constant 0 : index
      %swap3A_463 = vector.load %arg24[%swap3A_461, %swap3A_462] : memref<2048x16xf32, #tpu.memory_space<vmem>>, vector<2048x16xf32>
      tpu.vector_store %arg24[%swap3A_461, %swap3A_462], %get3A_460 {strides = array<i32>} : memref<2048x16xf32, #tpu.memory_space<vmem>>, vector<2048x16xf32>,
    } else {
    }
    %get3A_127 = arith.constant 0 : index
    %get3A_128 = arith.constant 0 : index
    %get3A_129 = arith.constant 0 : index
    %get3A_130 = vector.load %arg1[%get3A_127, %get3A_128, %get3A_129] : memref<1x1x2048xi32, #tpu.memory_space<vmem>>, vector<1x1x2048xi32>
    %get3A_131 = vector.shape_cast %get3A_130 : vector<1x1x2048xi32> to vector<1x2048xi32>
    %iota3A_132 = tpu.iota {dimensions = array<i32: 0>} : vector<256x2048xi32>
    %add3A_133 = arith.constant 0 : i32
    %add3A_134 = vector.broadcast %add3A_133 : i32 to vector<256x2048xi32>
    %add3A_135 = arith.addi %iota3A_132, %add3A_134 : vector<256x2048xi32>
    %eq3A_136 = vector.broadcast %get3A_131 : vector<1x2048xi32> to vector<256x2048xi32>
    %eq3A_137 = arith.cmpi eq, %add3A_135, %eq3A_136 : vector<256x2048xi32>
    %convert_element_type3A_138 = arith.extui %eq3A_137 : vector<256x2048xi1> to vector<256x2048xi32>
    %convert_element_type3A_139 = arith.sitofp %convert_element_type3A_138 : vector<256x2048xi32> to vector<256x2048xf32>
    %convert_element_type3A_140 = arith.truncf %convert_element_type3A_139 : vector<256x2048xf32> to vector<256x2048xbf16>
    %get3A_141 = arith.constant 0 : index
    %get3A_142 = arith.constant 0 : index
    %get3A_143 = vector.load %arg23[%get3A_141, %get3A_142] : memref<2048x256xf32, #tpu.memory_space<vmem>>, vector<256x256xf32>
    %dot_general3A_144 = arith.constant dense<0.000000e+00> : vector<256x256xf32>
    %dot_general3A_145 = tpu.matmul %convert_element_type3A_140, %convert_element_type3A_122, %dot_general3A_144 {dimension_numbers = #tpu.dot_dimension_numbers<[1], [0], [0], [1], [0, 0, 1, 1], [], []>, transpose_lhs_hint = false} : vector<256x2048xbf16>, vector<2048x256xbf16>, vector<256x256xf32> -> vector<256x256xf32>
    %add3A_146 = arith.addf %get3A_143, %dot_general3A_145 : vector<256x256xf32>
    %swap3A = arith.constant 0 : index
    %swap3A_147 = arith.constant 0 : index
    %swap3A_148 = vector.load %arg23[%swap3A, %swap3A_147] : memref<2048x256xf32, #tpu.memory_space<vmem>>, vector<256x256xf32>
    tpu.vector_store %arg23[%swap3A, %swap3A_147], %add3A_146 {strides = array<i32>} : memref<2048x256xf32, #tpu.memory_space<vmem>>, vector<256x256xf32>,
    %get3A_149 = arith.constant 0 : index
    %get3A_150 = arith.constant 0 : index
    %get3A_151 = vector.load %arg24[%get3A_149, %get3A_150] : memref<2048x16xf32, #tpu.memory_space<vmem>>, vector<256x16xf32>
    %dot_general3A_152 = arith.constant dense<0.000000e+00> : vector<256x16xf32>
    %dot_general3A_153 = tpu.matmul %convert_element_type3A_140, %convert_element_type3A_81, %dot_general3A_152 {dimension_numbers = #tpu.dot_dimension_numbers<[1], [0], [0], [1], [0, 0, 1, 1], [], []>, transpose_lhs_hint = false} : vector<256x2048xbf16>, vector<2048x16xbf16>, vector<256x16xf32> -> vector<256x16xf32>
    %add3A_154 = arith.addf %get3A_151, %dot_general3A_153 : vector<256x16xf32>
    %swap3A_155 = arith.constant 0 : index
    %swap3A_156 = arith.constant 0 : index
    %swap3A_157 = vector.load %arg24[%swap3A_155, %swap3A_156] : memref<2048x16xf32, #tpu.memory_space<vmem>>, vector<256x16xf32>
    tpu.vector_store %arg24[%swap3A_155, %swap3A_156], %add3A_154 {strides = array<i32>} : memref<2048x16xf32, #tpu.memory_space<vmem>>, vector<256x16xf32>,
    %iota3A_158 = tpu.iota {dimensions = array<i32: 0>} : vector<256x2048xi32>
    %add3A_159 = arith.constant 256 : i32
    %add3A_160 = vector.broadcast %add3A_159 : i32 to vector<256x2048xi32>
    %add3A_161 = arith.addi %iota3A_158, %add3A_160 : vector<256x2048xi32>
    %eq3A_162 = vector.broadcast %get3A_131 : vector<1x2048xi32> to vector<256x2048xi32>
    %eq3A_163 = arith.cmpi eq, %add3A_161, %eq3A_162 : vector<256x2048xi32>
    %convert_element_type3A_164 = arith.extui %eq3A_163 : vector<256x2048xi1> to vector<256x2048xi32>
    %convert_element_type3A_165 = arith.sitofp %convert_element_type3A_164 : vector<256x2048xi32> to vector<256x2048xf32>
    %convert_element_type3A_166 = arith.truncf %convert_element_type3A_165 : vector<256x2048xf32> to vector<256x2048xbf16>
    %get3A_167 = arith.constant 256 : index
    %get3A_168 = arith.constant 0 : index
    %get3A_169 = vector.load %arg23[%get3A_167, %get3A_168] : memref<2048x256xf32, #tpu.memory_space<vmem>>, vector<256x256xf32>
    %dot_general3A_170 = arith.constant dense<0.000000e+00> : vector<256x256xf32>
    %dot_general3A_171 = tpu.matmul %convert_element_type3A_166, %convert_element_type3A_122, %dot_general3A_170 {dimension_numbers = #tpu.dot_dimension_numbers<[1], [0], [0], [1], [0, 0, 1, 1], [], []>, transpose_lhs_hint = false} : vector<256x2048xbf16>, vector<2048x256xbf16>, vector<256x256xf32> -> vector<256x256xf32>
    %add3A_172 = arith.addf %get3A_169, %dot_general3A_171 : vector<256x256xf32>
    %swap3A_173 = arith.constant 256 : index
    %swap3A_174 = arith.constant 0 : index
    %swap3A_175 = vector.load %arg23[%swap3A_173, %swap3A_174] : memref<2048x256xf32, #tpu.memory_space<vmem>>, vector<256x256xf32>
    tpu.vector_store %arg23[%swap3A_173, %swap3A_174], %add3A_172 {strides = array<i32>} : memref<2048x256xf32, #tpu.memory_space<vmem>>, vector<256x256xf32>,
    %get3A_176 = arith.constant 256 : index
    %get3A_177 = arith.constant 0 : index
    %get3A_178 = vector.load %arg24[%get3A_176, %get3A_177] : memref<2048x16xf32, #tpu.memory_space<vmem>>, vector<256x16xf32>
    %dot_general3A_179 = arith.constant dense<0.000000e+00> : vector<256x16xf32>
    %dot_general3A_180 = tpu.matmul %convert_element_type3A_166, %convert_element_type3A_81, %dot_general3A_179 {dimension_numbers = #tpu.dot_dimension_numbers<[1], [0], [0], [1], [0, 0, 1, 1], [], []>, transpose_lhs_hint = false} : vector<256x2048xbf16>, vector<2048x16xbf16>, vector<256x16xf32> -> vector<256x16xf32>
    %add3A_181 = arith.addf %get3A_178, %dot_general3A_180 : vector<256x16xf32>
    %swap3A_182 = arith.constant 256 : index
    %swap3A_183 = arith.constant 0 : index
    %swap3A_184 = vector.load %arg24[%swap3A_182, %swap3A_183] : memref<2048x16xf32, #tpu.memory_space<vmem>>, vector<256x16xf32>
    tpu.vector_store %arg24[%swap3A_182, %swap3A_183], %add3A_181 {strides = array<i32>} : memref<2048x16xf32, #tpu.memory_space<vmem>>, vector<256x16xf32>,
    %iota3A_185 = tpu.iota {dimensions = array<i32: 0>} : vector<256x2048xi32>
    %add3A_186 = arith.constant 512 : i32
    %add3A_187 = vector.broadcast %add3A_186 : i32 to vector<256x2048xi32>
    %add3A_188 = arith.addi %iota3A_185, %add3A_187 : vector<256x2048xi32>
    %eq3A_189 = vector.broadcast %get3A_131 : vector<1x2048xi32> to vector<256x2048xi32>
    %eq3A_190 = arith.cmpi eq, %add3A_188, %eq3A_189 : vector<256x2048xi32>
    %convert_element_type3A_191 = arith.extui %eq3A_190 : vector<256x2048xi1> to vector<256x2048xi32>
    %convert_element_type3A_192 = arith.sitofp %convert_element_type3A_191 : vector<256x2048xi32> to vector<256x2048xf32>
    %convert_element_type3A_193 = arith.truncf %convert_element_type3A_192 : vector<256x2048xf32> to vector<256x2048xbf16>
    %get3A_194 = arith.constant 512 : index
    %get3A_195 = arith.constant 0 : index
    %get3A_196 = vector.load %arg23[%get3A_194, %get3A_195] : memref<2048x256xf32, #tpu.memory_space<vmem>>, vector<256x256xf32>
    %dot_general3A_197 = arith.constant dense<0.000000e+00> : vector<256x256xf32>
    %dot_general3A_198 = tpu.matmul %convert_element_type3A_193, %convert_element_type3A_122, %dot_general3A_197 {dimension_numbers = #tpu.dot_dimension_numbers<[1], [0], [0], [1], [0, 0, 1, 1], [], []>, transpose_lhs_hint = false} : vector<256x2048xbf16>, vector<2048x256xbf16>, vector<256x256xf32> -> vector<256x256xf32>
    %add3A_199 = arith.addf %get3A_196, %dot_general3A_198 : vector<256x256xf32>
    %swap3A_200 = arith.constant 512 : index
    %swap3A_201 = arith.constant 0 : index
    %swap3A_202 = vector.load %arg23[%swap3A_200, %swap3A_201] : memref<2048x256xf32, #tpu.memory_space<vmem>>, vector<256x256xf32>
    tpu.vector_store %arg23[%swap3A_200, %swap3A_201], %add3A_199 {strides = array<i32>} : memref<2048x256xf32, #tpu.memory_space<vmem>>, vector<256x256xf32>,
    %get3A_203 = arith.constant 512 : index
    %get3A_204 = arith.constant 0 : index
    %get3A_205 = vector.load %arg24[%get3A_203, %get3A_204] : memref<2048x16xf32, #tpu.memory_space<vmem>>, vector<256x16xf32>
    %dot_general3A_206 = arith.constant dense<0.000000e+00> : vector<256x16xf32>
    %dot_general3A_207 = tpu.matmul %convert_element_type3A_193, %convert_element_type3A_81, %dot_general3A_206 {dimension_numbers = #tpu.dot_dimension_numbers<[1], [0], [0], [1], [0, 0, 1, 1], [], []>, transpose_lhs_hint = false} : vector<256x2048xbf16>, vector<2048x16xbf16>, vector<256x16xf32> -> vector<256x16xf32>
    %add3A_208 = arith.addf %get3A_205, %dot_general3A_207 : vector<256x16xf32>
    %swap3A_209 = arith.constant 512 : index
    %swap3A_210 = arith.constant 0 : index
    %swap3A_211 = vector.load %arg24[%swap3A_209, %swap3A_210] : memref<2048x16xf32, #tpu.memory_space<vmem>>, vector<256x16xf32>
    tpu.vector_store %arg24[%swap3A_209, %swap3A_210], %add3A_208 {strides = array<i32>} : memref<2048x16xf32, #tpu.memory_space<vmem>>, vector<256x16xf32>,
    %iota3A_212 = tpu.iota {dimensions = array<i32: 0>} : vector<256x2048xi32>
    %add3A_213 = arith.constant 768 : i32
    %add3A_214 = vector.broadcast %add3A_213 : i32 to vector<256x2048xi32>
    %add3A_215 = arith.addi %iota3A_212, %add3A_214 : vector<256x2048xi32>
    %eq3A_216 = vector.broadcast %get3A_131 : vector<1x2048xi32> to vector<256x2048xi32>
    %eq3A_217 = arith.cmpi eq, %add3A_215, %eq3A_216 : vector<256x2048xi32>
    %convert_element_type3A_218 = arith.extui %eq3A_217 : vector<256x2048xi1> to vector<256x2048xi32>
    %convert_element_type3A_219 = arith.sitofp %convert_element_type3A_218 : vector<256x2048xi32> to vector<256x2048xf32>
    %convert_element_type3A_220 = arith.truncf %convert_element_type3A_219 : vector<256x2048xf32> to vector<256x2048xbf16>
    %get3A_221 = arith.constant 768 : index
    %get3A_222 = arith.constant 0 : index
    %get3A_223 = vector.load %arg23[%get3A_221, %get3A_222] : memref<2048x256xf32, #tpu.memory_space<vmem>>, vector<256x256xf32>
    %dot_general3A_224 = arith.constant dense<0.000000e+00> : vector<256x256xf32>
    %dot_general3A_225 = tpu.matmul %convert_element_type3A_220, %convert_element_type3A_122, %dot_general3A_224 {dimension_numbers = #tpu.dot_dimension_numbers<[1], [0], [0], [1], [0, 0, 1, 1], [], []>, transpose_lhs_hint = false} : vector<256x2048xbf16>, vector<2048x256xbf16>, vector<256x256xf32> -> vector<256x256xf32>
    %add3A_226 = arith.addf %get3A_223, %dot_general3A_225 : vector<256x256xf32>
    %swap3A_227 = arith.constant 768 : index
    %swap3A_228 = arith.constant 0 : index
    %swap3A_229 = vector.load %arg23[%swap3A_227, %swap3A_228] : memref<2048x256xf32, #tpu.memory_space<vmem>>, vector<256x256xf32>
    tpu.vector_store %arg23[%swap3A_227, %swap3A_228], %add3A_226 {strides = array<i32>} : memref<2048x256xf32, #tpu.memory_space<vmem>>, vector<256x256xf32>,
    %get3A_230 = arith.constant 768 : index
    %get3A_231 = arith.constant 0 : index
    %get3A_232 = vector.load %arg24[%get3A_230, %get3A_231] : memref<2048x16xf32, #tpu.memory_space<vmem>>, vector<256x16xf32>
    %dot_general3A_233 = arith.constant dense<0.000000e+00> : vector<256x16xf32>
    %dot_general3A_234 = tpu.matmul %convert_element_type3A_220, %convert_element_type3A_81, %dot_general3A_233 {dimension_numbers = #tpu.dot_dimension_numbers<[1], [0], [0], [1], [0, 0, 1, 1], [], []>, transpose_lhs_hint = false} : vector<256x2048xbf16>, vector<2048x16xbf16>, vector<256x16xf32> -> vector<256x16xf32>
    %add3A_235 = arith.addf %get3A_232, %dot_general3A_234 : vector<256x16xf32>
    %swap3A_236 = arith.constant 768 : index
    %swap3A_237 = arith.constant 0 : index
    %swap3A_238 = vector.load %arg24[%swap3A_236, %swap3A_237] : memref<2048x16xf32, #tpu.memory_space<vmem>>, vector<256x16xf32>
    tpu.vector_store %arg24[%swap3A_236, %swap3A_237], %add3A_235 {strides = array<i32>} : memref<2048x16xf32, #tpu.memory_space<vmem>>, vector<256x16xf32>,
    %iota3A_239 = tpu.iota {dimensions = array<i32: 0>} : vector<256x2048xi32>
    %add3A_240 = arith.constant 1024 : i32
    %add3A_241 = vector.broadcast %add3A_240 : i32 to vector<256x2048xi32>
    %add3A_242 = arith.addi %iota3A_239, %add3A_241 : vector<256x2048xi32>
    %eq3A_243 = vector.broadcast %get3A_131 : vector<1x2048xi32> to vector<256x2048xi32>
    %eq3A_244 = arith.cmpi eq, %add3A_242, %eq3A_243 : vector<256x2048xi32>
    %convert_element_type3A_245 = arith.extui %eq3A_244 : vector<256x2048xi1> to vector<256x2048xi32>
    %convert_element_type3A_246 = arith.sitofp %convert_element_type3A_245 : vector<256x2048xi32> to vector<256x2048xf32>
    %convert_element_type3A_247 = arith.truncf %convert_element_type3A_246 : vector<256x2048xf32> to vector<256x2048xbf16>
    %get3A_248 = arith.constant 1024 : index
    %get3A_249 = arith.constant 0 : index
    %get3A_250 = vector.load %arg23[%get3A_248, %get3A_249] : memref<2048x256xf32, #tpu.memory_space<vmem>>, vector<256x256xf32>
    %dot_general3A_251 = arith.constant dense<0.000000e+00> : vector<256x256xf32>
    %dot_general3A_252 = tpu.matmul %convert_element_type3A_247, %convert_element_type3A_122, %dot_general3A_251 {dimension_numbers = #tpu.dot_dimension_numbers<[1], [0], [0], [1], [0, 0, 1, 1], [], []>, transpose_lhs_hint = false} : vector<256x2048xbf16>, vector<2048x256xbf16>, vector<256x256xf32> -> vector<256x256xf32>
    %add3A_253 = arith.addf %get3A_250, %dot_general3A_252 : vector<256x256xf32>
    %swap3A_254 = arith.constant 1024 : index
    %swap3A_255 = arith.constant 0 : index
    %swap3A_256 = vector.load %arg23[%swap3A_254, %swap3A_255] : memref<2048x256xf32, #tpu.memory_space<vmem>>, vector<256x256xf32>
    tpu.vector_store %arg23[%swap3A_254, %swap3A_255], %add3A_253 {strides = array<i32>} : memref<2048x256xf32, #tpu.memory_space<vmem>>, vector<256x256xf32>,
    %get3A_257 = arith.constant 1024 : index
    %get3A_258 = arith.constant 0 : index
    %get3A_259 = vector.load %arg24[%get3A_257, %get3A_258] : memref<2048x16xf32, #tpu.memory_space<vmem>>, vector<256x16xf32>
    %dot_general3A_260 = arith.constant dense<0.000000e+00> : vector<256x16xf32>
    %dot_general3A_261 = tpu.matmul %convert_element_type3A_247, %convert_element_type3A_81, %dot_general3A_260 {dimension_numbers = #tpu.dot_dimension_numbers<[1], [0], [0], [1], [0, 0, 1, 1], [], []>, transpose_lhs_hint = false} : vector<256x2048xbf16>, vector<2048x16xbf16>, vector<256x16xf32> -> vector<256x16xf32>
    %add3A_262 = arith.addf %get3A_259, %dot_general3A_261 : vector<256x16xf32>
    %swap3A_263 = arith.constant 1024 : index
    %swap3A_264 = arith.constant 0 : index
    %swap3A_265 = vector.load %arg24[%swap3A_263, %swap3A_264] : memref<2048x16xf32, #tpu.memory_space<vmem>>, vector<256x16xf32>
    tpu.vector_store %arg24[%swap3A_263, %swap3A_264], %add3A_262 {strides = array<i32>} : memref<2048x16xf32, #tpu.memory_space<vmem>>, vector<256x16xf32>,
    %iota3A_266 = tpu.iota {dimensions = array<i32: 0>} : vector<256x2048xi32>
    %add3A_267 = arith.constant 1280 : i32
    %add3A_268 = vector.broadcast %add3A_267 : i32 to vector<256x2048xi32>
    %add3A_269 = arith.addi %iota3A_266, %add3A_268 : vector<256x2048xi32>
    %eq3A_270 = vector.broadcast %get3A_131 : vector<1x2048xi32> to vector<256x2048xi32>
    %eq3A_271 = arith.cmpi eq, %add3A_269, %eq3A_270 : vector<256x2048xi32>
    %convert_element_type3A_272 = arith.extui %eq3A_271 : vector<256x2048xi1> to vector<256x2048xi32>
    %convert_element_type3A_273 = arith.sitofp %convert_element_type3A_272 : vector<256x2048xi32> to vector<256x2048xf32>
    %convert_element_type3A_274 = arith.truncf %convert_element_type3A_273 : vector<256x2048xf32> to vector<256x2048xbf16>
    %get3A_275 = arith.constant 1280 : index
    %get3A_276 = arith.constant 0 : index
    %get3A_277 = vector.load %arg23[%get3A_275, %get3A_276] : memref<2048x256xf32, #tpu.memory_space<vmem>>, vector<256x256xf32>
    %dot_general3A_278 = arith.constant dense<0.000000e+00> : vector<256x256xf32>
    %dot_general3A_279 = tpu.matmul %convert_element_type3A_274, %convert_element_type3A_122, %dot_general3A_278 {dimension_numbers = #tpu.dot_dimension_numbers<[1], [0], [0], [1], [0, 0, 1, 1], [], []>, transpose_lhs_hint = false} : vector<256x2048xbf16>, vector<2048x256xbf16>, vector<256x256xf32> -> vector<256x256xf32>
    %add3A_280 = arith.addf %get3A_277, %dot_general3A_279 : vector<256x256xf32>
    %swap3A_281 = arith.constant 1280 : index
    %swap3A_282 = arith.constant 0 : index
    %swap3A_283 = vector.load %arg23[%swap3A_281, %swap3A_282] : memref<2048x256xf32, #tpu.memory_space<vmem>>, vector<256x256xf32>
    tpu.vector_store %arg23[%swap3A_281, %swap3A_282], %add3A_280 {strides = array<i32>} : memref<2048x256xf32, #tpu.memory_space<vmem>>, vector<256x256xf32>,
    %get3A_284 = arith.constant 1280 : index
    %get3A_285 = arith.constant 0 : index
    %get3A_286 = vector.load %arg24[%get3A_284, %get3A_285] : memref<2048x16xf32, #tpu.memory_space<vmem>>, vector<256x16xf32>
    %dot_general3A_287 = arith.constant dense<0.000000e+00> : vector<256x16xf32>
    %dot_general3A_288 = tpu.matmul %convert_element_type3A_274, %convert_element_type3A_81, %dot_general3A_287 {dimension_numbers = #tpu.dot_dimension_numbers<[1], [0], [0], [1], [0, 0, 1, 1], [], []>, transpose_lhs_hint = false} : vector<256x2048xbf16>, vector<2048x16xbf16>, vector<256x16xf32> -> vector<256x16xf32>
    %add3A_289 = arith.addf %get3A_286, %dot_general3A_288 : vector<256x16xf32>
    %swap3A_290 = arith.constant 1280 : index
    %swap3A_291 = arith.constant 0 : index
    %swap3A_292 = vector.load %arg24[%swap3A_290, %swap3A_291] : memref<2048x16xf32, #tpu.memory_space<vmem>>, vector<256x16xf32>
    tpu.vector_store %arg24[%swap3A_290, %swap3A_291], %add3A_289 {strides = array<i32>} : memref<2048x16xf32, #tpu.memory_space<vmem>>, vector<256x16xf32>,
    %iota3A_293 = tpu.iota {dimensions = array<i32: 0>} : vector<256x2048xi32>
    %add3A_294 = arith.constant 1536 : i32
    %add3A_295 = vector.broadcast %add3A_294 : i32 to vector<256x2048xi32>
    %add3A_296 = arith.addi %iota3A_293, %add3A_295 : vector<256x2048xi32>
    %eq3A_297 = vector.broadcast %get3A_131 : vector<1x2048xi32> to vector<256x2048xi32>
    %eq3A_298 = arith.cmpi eq, %add3A_296, %eq3A_297 : vector<256x2048xi32>
    %convert_element_type3A_299 = arith.extui %eq3A_298 : vector<256x2048xi1> to vector<256x2048xi32>
    %convert_element_type3A_300 = arith.sitofp %convert_element_type3A_299 : vector<256x2048xi32> to vector<256x2048xf32>
    %convert_element_type3A_301 = arith.truncf %convert_element_type3A_300 : vector<256x2048xf32> to vector<256x2048xbf16>
    %get3A_302 = arith.constant 1536 : index
    %get3A_303 = arith.constant 0 : index
    %get3A_304 = vector.load %arg23[%get3A_302, %get3A_303] : memref<2048x256xf32, #tpu.memory_space<vmem>>, vector<256x256xf32>
    %dot_general3A_305 = arith.constant dense<0.000000e+00> : vector<256x256xf32>
    %dot_general3A_306 = tpu.matmul %convert_element_type3A_301, %convert_element_type3A_122, %dot_general3A_305 {dimension_numbers = #tpu.dot_dimension_numbers<[1], [0], [0], [1], [0, 0, 1, 1], [], []>, transpose_lhs_hint = false} : vector<256x2048xbf16>, vector<2048x256xbf16>, vector<256x256xf32> -> vector<256x256xf32>
    %add3A_307 = arith.addf %get3A_304, %dot_general3A_306 : vector<256x256xf32>
    %swap3A_308 = arith.constant 1536 : index
    %swap3A_309 = arith.constant 0 : index
    %swap3A_310 = vector.load %arg23[%swap3A_308, %swap3A_309] : memref<2048x256xf32, #tpu.memory_space<vmem>>, vector<256x256xf32>
    tpu.vector_store %arg23[%swap3A_308, %swap3A_309], %add3A_307 {strides = array<i32>} : memref<2048x256xf32, #tpu.memory_space<vmem>>, vector<256x256xf32>,
    %get3A_311 = arith.constant 1536 : index
    %get3A_312 = arith.constant 0 : index
    %get3A_313 = vector.load %arg24[%get3A_311, %get3A_312] : memref<2048x16xf32, #tpu.memory_space<vmem>>, vector<256x16xf32>
    %dot_general3A_314 = arith.constant dense<0.000000e+00> : vector<256x16xf32>
    %dot_general3A_315 = tpu.matmul %convert_element_type3A_301, %convert_element_type3A_81, %dot_general3A_314 {dimension_numbers = #tpu.dot_dimension_numbers<[1], [0], [0], [1], [0, 0, 1, 1], [], []>, transpose_lhs_hint = false} : vector<256x2048xbf16>, vector<2048x16xbf16>, vector<256x16xf32> -> vector<256x16xf32>
    %add3A_316 = arith.addf %get3A_313, %dot_general3A_315 : vector<256x16xf32>
    %swap3A_317 = arith.constant 1536 : index
    %swap3A_318 = arith.constant 0 : index
    %swap3A_319 = vector.load %arg24[%swap3A_317, %swap3A_318] : memref<2048x16xf32, #tpu.memory_space<vmem>>, vector<256x16xf32>
    tpu.vector_store %arg24[%swap3A_317, %swap3A_318], %add3A_316 {strides = array<i32>} : memref<2048x16xf32, #tpu.memory_space<vmem>>, vector<256x16xf32>,
    %iota3A_320 = tpu.iota {dimensions = array<i32: 0>} : vector<256x2048xi32>
    %add3A_321 = arith.constant 1792 : i32
    %add3A_322 = vector.broadcast %add3A_321 : i32 to vector<256x2048xi32>
    %add3A_323 = arith.addi %iota3A_320, %add3A_322 : vector<256x2048xi32>
    %eq3A_324 = vector.broadcast %get3A_131 : vector<1x2048xi32> to vector<256x2048xi32>
    %eq3A_325 = arith.cmpi eq, %add3A_323, %eq3A_324 : vector<256x2048xi32>
    %convert_element_type3A_326 = arith.extui %eq3A_325 : vector<256x2048xi1> to vector<256x2048xi32>
    %convert_element_type3A_327 = arith.sitofp %convert_element_type3A_326 : vector<256x2048xi32> to vector<256x2048xf32>
    %convert_element_type3A_328 = arith.truncf %convert_element_type3A_327 : vector<256x2048xf32> to vector<256x2048xbf16>
    %get3A_329 = arith.constant 1792 : index
    %get3A_330 = arith.constant 0 : index
    %get3A_331 = vector.load %arg23[%get3A_329, %get3A_330] : memref<2048x256xf32, #tpu.memory_space<vmem>>, vector<256x256xf32>
    %dot_general3A_332 = arith.constant dense<0.000000e+00> : vector<256x256xf32>
    %dot_general3A_333 = tpu.matmul %convert_element_type3A_328, %convert_element_type3A_122, %dot_general3A_332 {dimension_numbers = #tpu.dot_dimension_numbers<[1], [0], [0], [1], [0, 0, 1, 1], [], []>, transpose_lhs_hint = false} : vector<256x2048xbf16>, vector<2048x256xbf16>, vector<256x256xf32> -> vector<256x256xf32>
    %add3A_334 = arith.addf %get3A_331, %dot_general3A_333 : vector<256x256xf32>
    %swap3A_335 = arith.constant 1792 : index
    %swap3A_336 = arith.constant 0 : index
    %swap3A_337 = vector.load %arg23[%swap3A_335, %swap3A_336] : memref<2048x256xf32, #tpu.memory_space<vmem>>, vector<256x256xf32>
    tpu.vector_store %arg23[%swap3A_335, %swap3A_336], %add3A_334 {strides = array<i32>} : memref<2048x256xf32, #tpu.memory_space<vmem>>, vector<256x256xf32>,
    %get3A_338 = arith.constant 1792 : index
    %get3A_339 = arith.constant 0 : index
    %get3A_340 = vector.load %arg24[%get3A_338, %get3A_339] : memref<2048x16xf32, #tpu.memory_space<vmem>>, vector<256x16xf32>
    %dot_general3A_341 = arith.constant dense<0.000000e+00> : vector<256x16xf32>
    %dot_general3A_342 = tpu.matmul %convert_element_type3A_328, %convert_element_type3A_81, %dot_general3A_341 {dimension_numbers = #tpu.dot_dimension_numbers<[1], [0], [0], [1], [0, 0, 1, 1], [], []>, transpose_lhs_hint = false} : vector<256x2048xbf16>, vector<2048x16xbf16>, vector<256x16xf32> -> vector<256x16xf32>
    %add3A_343 = arith.addf %get3A_340, %dot_general3A_342 : vector<256x16xf32>
    %swap3A_344 = arith.constant 1792 : index
    %swap3A_345 = arith.constant 0 : index
    %swap3A_346 = vector.load %arg24[%swap3A_344, %swap3A_345] : memref<2048x16xf32, #tpu.memory_space<vmem>>, vector<256x16xf32>
    tpu.vector_store %arg24[%swap3A_344, %swap3A_345], %add3A_343 {strides = array<i32>} : memref<2048x16xf32, #tpu.memory_space<vmem>>, vector<256x16xf32>,
    %get3A_347 = arith.constant 0 : index
    %get3A_348 = arith.constant 0 : index
    %get3A_349 = vector.load %arg9[%get3A_347, %get3A_348] : memref<256x256xbf16, #tpu.memory_space<vmem>>, vector<256x256xbf16>
    %dot_general3A_350 = arith.constant dense<0.000000e+00> : vector<2048x256xf32>
    %dot_general3A_351 = tpu.matmul %convert_element_type3A, %get3A_349, %dot_general3A_350 {dimension_numbers = #tpu.dot_dimension_numbers<[1], [0], [0], [1], [0, 0, 1, 1], [], []>, transpose_lhs_hint = false} : vector<2048x256xbf16>, vector<256x256xbf16>, vector<2048x256xf32> -> vector<2048x256xf32>
    %get3A_352 = arith.constant 0 : index
    %get3A_353 = arith.constant 0 : index
    %get3A_354 = vector.load %arg10[%get3A_352, %get3A_353] : memref<1x256xf32, #tpu.memory_space<vmem>>, vector<1x256xf32>
    %add3A_355 = vector.broadcast %get3A_354 : vector<1x256xf32> to vector<2048x256xf32>
    %add3A_356 = arith.addf %dot_general3A_351, %add3A_355 : vector<2048x256xf32>
    %get3A_357 = arith.constant 0 : index
    %get3A_358 = arith.constant 0 : index
    %get3A_359 = vector.load %arg4[%get3A_357, %get3A_358] : memref<2048x256xf32, #tpu.memory_space<vmem>>, vector<2048x256xf32>
    %add3A_360 = arith.addf %get3A_359, %add3A_356 : vector<2048x256xf32>
    %get3A_361 = arith.constant 0 : index
    %get3A_362 = arith.constant 0 : index
    %get3A_363 = vector.load %arg15[%get3A_361, %get3A_362] : memref<1x256xf32, #tpu.memory_space<vmem>>, vector<1x256xf32>
    %get3A_364 = arith.constant 0 : index
    %get3A_365 = arith.constant 0 : index
    %get3A_366 = vector.load %arg16[%get3A_364, %get3A_365] : memref<1x256xf32, #tpu.memory_space<vmem>>, vector<1x256xf32>
    %reduce_sum3A = arith.constant dense<0.000000e+00> : vector<2048xf32>
    %reduce_sum3A_367 = vector.multi_reduction <add>, %add3A_360, %reduce_sum3A [1] : vector<2048x256xf32> to vector<2048xf32>
    %broadcast_in_dim3A_368 = vector.shape_cast %reduce_sum3A_367 : vector<2048xf32> to vector<2048x1xf32>
    %div3A_369 = arith.constant 2.560000e+02 : f32
    %div3A_370 = vector.broadcast %div3A_369 : f32 to vector<2048x1xf32>
    %div3A_371 = arith.divf %broadcast_in_dim3A_368, %div3A_370 : vector<2048x1xf32>
    %sub3A_372 = vector.broadcast %div3A_371 : vector<2048x1xf32> to vector<2048x256xf32>
    %sub3A_373 = arith.subf %add3A_360, %sub3A_372 : vector<2048x256xf32>
    %integer_pow3A = arith.mulf %sub3A_373, %sub3A_373 : vector<2048x256xf32>
    %reduce_sum3A_374 = arith.constant dense<0.000000e+00> : vector<2048xf32>
    %reduce_sum3A_375 = vector.multi_reduction <add>, %integer_pow3A, %reduce_sum3A_374 [1] : vector<2048x256xf32> to vector<2048xf32>
    %broadcast_in_dim3A_376 = vector.shape_cast %reduce_sum3A_375 : vector<2048xf32> to vector<2048x1xf32>
    %div3A_377 = arith.constant 2.560000e+02 : f32
    %div3A_378 = vector.broadcast %div3A_377 : f32 to vector<2048x1xf32>
    %div3A_379 = arith.divf %broadcast_in_dim3A_376, %div3A_378 : vector<2048x1xf32>
    %sub3A_380 = vector.broadcast %div3A_371 : vector<2048x1xf32> to vector<2048x256xf32>
    %sub3A_381 = arith.subf %add3A_360, %sub3A_380 : vector<2048x256xf32>
    %add3A_382 = arith.constant 9.99999974E-6 : f32
    %add3A_383 = vector.broadcast %add3A_382 : f32 to vector<2048x1xf32>
    %add3A_384 = arith.addf %div3A_379, %add3A_383 : vector<2048x1xf32>
    %rsqrt3A = math.rsqrt %add3A_384 : vector<2048x1xf32>
    %mul3A_385 = vector.broadcast %rsqrt3A : vector<2048x1xf32> to vector<2048x256xf32>
    %mul3A_386 = arith.mulf %sub3A_381, %mul3A_385 : vector<2048x256xf32>
    %mul3A_387 = vector.broadcast %get3A_363 : vector<1x256xf32> to vector<2048x256xf32>
    %mul3A_388 = arith.mulf %mul3A_386, %mul3A_387 : vector<2048x256xf32>
    %add3A_389 = vector.broadcast %get3A_366 : vector<1x256xf32> to vector<2048x256xf32>
    %add3A_390 = arith.addf %mul3A_388, %add3A_389 : vector<2048x256xf32>
    %convert_element_type3A_391 = arith.truncf %add3A_390 : vector<2048x256xf32> to vector<2048x256xbf16>
    %get3A_392 = arith.constant 0 : index
    %get3A_393 = arith.constant 0 : index
    %get3A_394 = vector.load %arg11[%get3A_392, %get3A_393] : memref<256x1024xbf16, #tpu.memory_space<vmem>>, vector<256x1024xbf16>
    %dot_general3A_395 = arith.constant dense<0.000000e+00> : vector<2048x1024xf32>
    %dot_general3A_396 = tpu.matmul %convert_element_type3A_391, %get3A_394, %dot_general3A_395 {dimension_numbers = #tpu.dot_dimension_numbers<[1], [0], [0], [1], [0, 0, 1, 1], [], []>, transpose_lhs_hint = false} : vector<2048x256xbf16>, vector<256x1024xbf16>, vector<2048x1024xf32> -> vector<2048x1024xf32>
    %get3A_397 = arith.constant 0 : index
    %get3A_398 = arith.constant 0 : index
    %get3A_399 = vector.load %arg12[%get3A_397, %get3A_398] : memref<1x1024xf32, #tpu.memory_space<vmem>>, vector<1x1024xf32>
    %add3A_400 = vector.broadcast %get3A_399 : vector<1x1024xf32> to vector<2048x1024xf32>
    %add3A_401 = arith.addf %dot_general3A_396, %add3A_400 : vector<2048x1024xf32>
    %max3A = arith.constant 0.000000e+00 : f32
    %max3A_402 = vector.broadcast %max3A : f32 to vector<2048x1024xf32>
    %max3A_403 = arith.maximumf %add3A_401, %max3A_402 : vector<2048x1024xf32>
    %convert_element_type3A_404 = arith.truncf %max3A_403 : vector<2048x1024xf32> to vector<2048x1024xbf16>
    %get3A_405 = arith.constant 0 : index
    %get3A_406 = arith.constant 0 : index
    %get3A_407 = vector.load %arg13[%get3A_405, %get3A_406] : memref<1024x256xbf16, #tpu.memory_space<vmem>>, vector<1024x256xbf16>
    %dot_general3A_408 = arith.constant dense<0.000000e+00> : vector<2048x256xf32>
    %dot_general3A_409 = tpu.matmul %convert_element_type3A_404, %get3A_407, %dot_general3A_408 {dimension_numbers = #tpu.dot_dimension_numbers<[1], [0], [0], [1], [0, 0, 1, 1], [], []>, transpose_lhs_hint = false} : vector<2048x1024xbf16>, vector<1024x256xbf16>, vector<2048x256xf32> -> vector<2048x256xf32>
    %add3A_410 = arith.addf %add3A_390, %dot_general3A_409 : vector<2048x256xf32>
    %get3A_411 = arith.constant 0 : index
    %get3A_412 = arith.constant 0 : index
    %get3A_413 = vector.load %arg14[%get3A_411, %get3A_412] : memref<1x256xf32, #tpu.memory_space<vmem>>, vector<1x256xf32>
    %add3A_414 = vector.broadcast %get3A_413 : vector<1x256xf32> to vector<2048x256xf32>
    %add3A_415 = arith.addf %add3A_410, %add3A_414 : vector<2048x256xf32>
    %get3A_416 = arith.constant 0 : index
    %get3A_417 = arith.constant 0 : index
    %get3A_418 = vector.load %arg17[%get3A_416, %get3A_417] : memref<1x256xf32, #tpu.memory_space<vmem>>, vector<1x256xf32>
    %get3A_419 = arith.constant 0 : index
    %get3A_420 = arith.constant 0 : index
    %get3A_421 = vector.load %arg18[%get3A_419, %get3A_420] : memref<1x256xf32, #tpu.memory_space<vmem>>, vector<1x256xf32>
    %reduce_sum3A_422 = arith.constant dense<0.000000e+00> : vector<2048xf32>
    %reduce_sum3A_423 = vector.multi_reduction <add>, %add3A_415, %reduce_sum3A_422 [1] : vector<2048x256xf32> to vector<2048xf32>
    %broadcast_in_dim3A_424 = vector.shape_cast %reduce_sum3A_423 : vector<2048xf32> to vector<2048x1xf32>
    %div3A_425 = arith.constant 2.560000e+02 : f32
    %div3A_426 = vector.broadcast %div3A_425 : f32 to vector<2048x1xf32>
    %div3A_427 = arith.divf %broadcast_in_dim3A_424, %div3A_426 : vector<2048x1xf32>
    %sub3A_428 = vector.broadcast %div3A_427 : vector<2048x1xf32> to vector<2048x256xf32>
    %sub3A_429 = arith.subf %add3A_415, %sub3A_428 : vector<2048x256xf32>
    %integer_pow3A_430 = arith.mulf %sub3A_429, %sub3A_429 : vector<2048x256xf32>
    %reduce_sum3A_431 = arith.constant dense<0.000000e+00> : vector<2048xf32>
    %reduce_sum3A_432 = vector.multi_reduction <add>, %integer_pow3A_430, %reduce_sum3A_431 [1] : vector<2048x256xf32> to vector<2048xf32>
    %broadcast_in_dim3A_433 = vector.shape_cast %reduce_sum3A_432 : vector<2048xf32> to vector<2048x1xf32>
    %div3A_434 = arith.constant 2.560000e+02 : f32
    %div3A_435 = vector.broadcast %div3A_434 : f32 to vector<2048x1xf32>
    %div3A_436 = arith.divf %broadcast_in_dim3A_433, %div3A_435 : vector<2048x1xf32>
    %sub3A_437 = vector.broadcast %div3A_427 : vector<2048x1xf32> to vector<2048x256xf32>
    %sub3A_438 = arith.subf %add3A_415, %sub3A_437 : vector<2048x256xf32>
    %add3A_439 = arith.constant 9.99999974E-6 : f32
    %add3A_440 = vector.broadcast %add3A_439 : f32 to vector<2048x1xf32>
    %add3A_441 = arith.addf %div3A_436, %add3A_440 : vector<2048x1xf32>
    %rsqrt3A_442 = math.rsqrt %add3A_441 : vector<2048x1xf32>
    %mul3A_443 = vector.broadcast %rsqrt3A_442 : vector<2048x1xf32> to vector<2048x256xf32>
    %mul3A_444 = arith.mulf %sub3A_438, %mul3A_443 : vector<2048x256xf32>
    %mul3A_445 = vector.broadcast %get3A_418 : vector<1x256xf32> to vector<2048x256xf32>
    %mul3A_446 = arith.mulf %mul3A_444, %mul3A_445 : vector<2048x256xf32>
    %add3A_447 = vector.broadcast %get3A_421 : vector<1x256xf32> to vector<2048x256xf32>
    %add3A_448 = arith.addf %mul3A_446, %add3A_447 : vector<2048x256xf32>
    %swap3A_449 = arith.constant 0 : index
    %swap3A_450 = arith.constant 0 : index
    %swap3A_451 = vector.load %arg22[%swap3A_449, %swap3A_450] : memref<2048x256xf32, #tpu.memory_space<vmem>>, vector<2048x256xf32>
    tpu.vector_store %arg22[%swap3A_449, %swap3A_450], %add3A_448 {strides = array<i32>} : memref<2048x256xf32, #tpu.memory_space<vmem>>, vector<2048x256xf32>,
    return
  }
  func.func @transform_0(%arg0: i32) -> (i32, i32, i32) {
    %add3A = arith.constant 8 : i32
    %add3A_0 = arith.addi %arg0, %add3A : i32
    %c0_i32 = arith.constant 0 : i32
    %c0_i32_1 = arith.constant 0 : i32
    %c0_i32_2 = arith.constant 0 : i32
    return %add3A_0, %c0_i32, %c0_i32_1 : i32, i32, i32
  }
  func.func @transform_1(%arg0: i32) -> (i32, i32) {
    %c0_i32 = arith.constant 0 : i32
    %c0_i32_0 = arith.constant 0 : i32
    return %arg0, %c0_i32 : i32, i32
  }
  func.func @transform_2(%arg0: i32) -> (i32, i32) {
    %c0_i32 = arith.constant 0 : i32
    %c0_i32_0 = arith.constant 0 : i32
    return %arg0, %c0_i32 : i32, i32
  }
  func.func @transform_3(%arg0: i32) -> (i32, i32) {
    %add3A = arith.constant 8 : i32
    %add3A_0 = arith.addi %arg0, %add3A : i32
    %c0_i32 = arith.constant 0 : i32
    %c0_i32_1 = arith.constant 0 : i32
    return %add3A_0, %c0_i32 : i32, i32
  }
  func.func @transform_4(%arg0: i32) -> (i32, i32) {
    %c0_i32 = arith.constant 0 : i32
    %c0_i32_0 = arith.constant 0 : i32
    %c0_i32_1 = arith.constant 0 : i32
    return %c0_i32, %c0_i32_0 : i32, i32
  }
  func.func @transform_5(%arg0: i32) -> (i32, i32) {
    %c0_i32 = arith.constant 0 : i32
    %c0_i32_0 = arith.constant 0 : i32
    %c0_i32_1 = arith.constant 0 : i32
    return %c0_i32, %c0_i32_0 : i32, i32
  }
  func.func @transform_6(%arg0: i32) -> (i32, i32) {
    %c0_i32 = arith.constant 0 : i32
    %c0_i32_0 = arith.constant 0 : i32
    %c0_i32_1 = arith.constant 0 : i32
    return %c0_i32, %c0_i32_0 : i32, i32
  }
  func.func @transform_7(%arg0: i32) -> (i32, i32) {
    %c0_i32 = arith.constant 0 : i32
    %c0_i32_0 = arith.constant 0 : i32
    %c0_i32_1 = arith.constant 0 : i32
    return %c0_i32, %c0_i32_0 : i32, i32
  }
  func.func @transform_8(%arg0: i32) -> (i32, i32) {
    %c0_i32 = arith.constant 0 : i32
    %c0_i32_0 = arith.constant 0 : i32
    %c0_i32_1 = arith.constant 0 : i32
    return %c0_i32, %c0_i32_0 : i32, i32
  }
  func.func @transform_9(%arg0: i32) -> (i32, i32) {
    %c0_i32 = arith.constant 0 : i32
    %c0_i32_0 = arith.constant 0 : i32
    %c0_i32_1 = arith.constant 0 : i32
    return %c0_i32, %c0_i32_0 : i32, i32
  }
  func.func @transform_10(%arg0: i32) -> (i32, i32) {
    %c0_i32 = arith.constant 0 : i32
    %c0_i32_0 = arith.constant 0 : i32
    %c0_i32_1 = arith.constant 0 : i32
    return %c0_i32, %c0_i32_0 : i32, i32
  }
  func.func @transform_11(%arg0: i32) -> (i32, i32) {
    %c0_i32 = arith.constant 0 : i32
    %c0_i32_0 = arith.constant 0 : i32
    %c0_i32_1 = arith.constant 0 : i32
    return %c0_i32, %c0_i32_0 : i32, i32
  }
  func.func @transform_12(%arg0: i32) -> (i32, i32) {
    %c0_i32 = arith.constant 0 : i32
    %c0_i32_0 = arith.constant 0 : i32
    %c0_i32_1 = arith.constant 0 : i32
    return %c0_i32, %c0_i32_0 : i32, i32
  }
  func.func @transform_13(%arg0: i32) -> (i32, i32) {
    %c0_i32 = arith.constant 0 : i32
    %c0_i32_0 = arith.constant 0 : i32
    %c0_i32_1 = arith.constant 0 : i32
    return %c0_i32, %c0_i32_0 : i32, i32
  }
  func.func @transform_14(%arg0: i32) -> (i32, i32) {
    %c0_i32 = arith.constant 0 : i32
    %c0_i32_0 = arith.constant 0 : i32
    %c0_i32_1 = arith.constant 0 : i32
    return %c0_i32, %c0_i32_0 : i32, i32
  }
  func.func @transform_15(%arg0: i32) -> (i32, i32) {
    %c0_i32 = arith.constant 0 : i32
    %c0_i32_0 = arith.constant 0 : i32
    %c0_i32_1 = arith.constant 0 : i32
    return %c0_i32, %c0_i32_0 : i32, i32
  }
  func.func @transform_16(%arg0: i32) -> (i32, i32) {
    %c0_i32 = arith.constant 0 : i32
    %c0_i32_0 = arith.constant 0 : i32
    %c0_i32_1 = arith.constant 0 : i32
    return %c0_i32, %c0_i32_0 : i32, i32
  }
  func.func @transform_17(%arg0: i32) -> (i32, i32) {
    %c0_i32 = arith.constant 0 : i32
    %c0_i32_0 = arith.constant 0 : i32
    %c0_i32_1 = arith.constant 0 : i32
    return %c0_i32, %c0_i32_0 : i32, i32
  }
  func.func @transform_18(%arg0: i32) -> (i32, i32) {
    %c0_i32 = arith.constant 0 : i32
    %c0_i32_0 = arith.constant 0 : i32
    %c0_i32_1 = arith.constant 0 : i32
    return %c0_i32, %c0_i32_0 : i32, i32
  }
  func.func @transform_19(%arg0: i32) -> (i32, i32) {
    %c0_i32 = arith.constant 0 : i32
    %c0_i32_0 = arith.constant 0 : i32
    %c0_i32_1 = arith.constant 0 : i32
    return %c0_i32, %c0_i32_0 : i32, i32
  }
  func.func @transform_20(%arg0: i32) -> (i32, i32) {
    %c0_i32 = arith.constant 0 : i32
    %c0_i32_0 = arith.constant 0 : i32
    %c0_i32_1 = arith.constant 0 : i32
    return %c0_i32, %c0_i32_0 : i32, i32
  }
  func.func @transform_21(%arg0: i32) -> (i32, i32) {
    %add3A = arith.constant 8 : i32
    %add3A_0 = arith.addi %arg0, %add3A : i32
    %c0_i32 = arith.constant 0 : i32
    %c0_i32_1 = arith.constant 0 : i32
    return %add3A_0, %c0_i32 : i32, i32
  }
  func.func @transform_22(%arg0: i32) -> (i32, i32) {
    %c0_i32 = arith.constant 0 : i32
    %c0_i32_0 = arith.constant 0 : i32
    %c0_i32_1 = arith.constant 0 : i32
    return %c0_i32, %c0_i32_0 : i32, i32
  }
  func.func @transform_23(%arg0: i32) -> (i32, i32) {
    %c0_i32 = arith.constant 0 : i32
    %c0_i32_0 = arith.constant 0 : i32
    %c0_i32_1 = arith.constant 0 : i32
    return %c0_i32, %c0_i32_0 : i32, i32
  }
}

module attributes {stable_mosaic.version = 14 : i64} {
  func.func @_node_body(%arg0: memref<2048x256xf32, #tpu.memory_space<vmem>>, %arg1: memref<2048x256xf32, #tpu.memory_space<vmem>>, %arg2: memref<2048x16xf32, #tpu.memory_space<vmem>>, %arg3: memref<256x1024xf32, #tpu.memory_space<vmem>>, %arg4: memref<1x1024xf32, #tpu.memory_space<vmem>>, %arg5: memref<1024x256xf32, #tpu.memory_space<vmem>>, %arg6: memref<1x256xf32, #tpu.memory_space<vmem>>, %arg7: memref<1x256xf32, #tpu.memory_space<vmem>>, %arg8: memref<1x256xf32, #tpu.memory_space<vmem>>, %arg9: memref<1x256xf32, #tpu.memory_space<vmem>>, %arg10: memref<1x256xf32, #tpu.memory_space<vmem>>, %arg11: memref<2048x256xf32, #tpu.memory_space<vmem>>) attributes {dimension_semantics = [], scalar_prefetch = 0 : i64, scratch_operands = 0 : i64, tpu.core_type = #tpu.core_type<tc>} {
    %get3A = arith.constant 0 : index
    %get3A_0 = arith.constant 0 : index
    %get3A_1 = vector.load %arg1[%get3A, %get3A_0] : memref<2048x256xf32, #tpu.memory_space<vmem>>, vector<2048x256xf32>
    %get3A_2 = arith.constant 0 : index
    %get3A_3 = arith.constant 0 : index
    %get3A_4 = vector.load %arg2[%get3A_2, %get3A_3] : memref<2048x16xf32, #tpu.memory_space<vmem>>, vector<2048x16xf32>
    %slice3A = vector.extract_strided_slice %get3A_4 {offsets = [0, 0], sizes = [2048, 1], strides = [1, 1]} : vector<2048x16xf32> to vector<2048x1xf32>
    %gt3A = arith.constant 0.000000e+00 : f32
    %gt3A_5 = vector.broadcast %gt3A : f32 to vector<2048x1xf32>
    %gt3A_6 = arith.cmpf ogt, %slice3A, %gt3A_5 : vector<2048x1xf32>
    %jit3A = arith.constant 1.000000e+00 : f32
    %broadcast_in_dim3A = vector.broadcast %jit3A : f32 to vector<2048x1xf32>
    %select_n3A = arith.select %gt3A_6, %slice3A, %broadcast_in_dim3A : vector<2048x1xi1>, vector<2048x1xf32>
    %slice3A_7 = vector.extract_strided_slice %get3A_1 {offsets = [0, 0], sizes = [2048, 64], strides = [1, 1]} : vector<2048x256xf32> to vector<2048x64xf32>
    %div3A = vector.broadcast %select_n3A : vector<2048x1xf32> to vector<2048x64xf32>
    %div3A_8 = arith.divf %slice3A_7, %div3A : vector<2048x64xf32>
    %slice3A_9 = vector.extract_strided_slice %get3A_4 {offsets = [0, 1], sizes = [2048, 1], strides = [1, 1]} : vector<2048x16xf32> to vector<2048x1xf32>
    %gt3A_10 = arith.constant 0.000000e+00 : f32
    %gt3A_11 = vector.broadcast %gt3A_10 : f32 to vector<2048x1xf32>
    %gt3A_12 = arith.cmpf ogt, %slice3A_9, %gt3A_11 : vector<2048x1xf32>
    %jit3A_13 = arith.constant 1.000000e+00 : f32
    %broadcast_in_dim3A_14 = vector.broadcast %jit3A_13 : f32 to vector<2048x1xf32>
    %select_n3A_15 = arith.select %gt3A_12, %slice3A_9, %broadcast_in_dim3A_14 : vector<2048x1xi1>, vector<2048x1xf32>
    %slice3A_16 = vector.extract_strided_slice %get3A_1 {offsets = [0, 64], sizes = [2048, 64], strides = [1, 1]} : vector<2048x256xf32> to vector<2048x64xf32>
    %div3A_17 = vector.broadcast %select_n3A_15 : vector<2048x1xf32> to vector<2048x64xf32>
    %div3A_18 = arith.divf %slice3A_16, %div3A_17 : vector<2048x64xf32>
    %slice3A_19 = vector.extract_strided_slice %get3A_4 {offsets = [0, 2], sizes = [2048, 1], strides = [1, 1]} : vector<2048x16xf32> to vector<2048x1xf32>
    %gt3A_20 = arith.constant 0.000000e+00 : f32
    %gt3A_21 = vector.broadcast %gt3A_20 : f32 to vector<2048x1xf32>
    %gt3A_22 = arith.cmpf ogt, %slice3A_19, %gt3A_21 : vector<2048x1xf32>
    %jit3A_23 = arith.constant 1.000000e+00 : f32
    %broadcast_in_dim3A_24 = vector.broadcast %jit3A_23 : f32 to vector<2048x1xf32>
    %select_n3A_25 = arith.select %gt3A_22, %slice3A_19, %broadcast_in_dim3A_24 : vector<2048x1xi1>, vector<2048x1xf32>
    %slice3A_26 = vector.extract_strided_slice %get3A_1 {offsets = [0, 128], sizes = [2048, 64], strides = [1, 1]} : vector<2048x256xf32> to vector<2048x64xf32>
    %div3A_27 = vector.broadcast %select_n3A_25 : vector<2048x1xf32> to vector<2048x64xf32>
    %div3A_28 = arith.divf %slice3A_26, %div3A_27 : vector<2048x64xf32>
    %slice3A_29 = vector.extract_strided_slice %get3A_4 {offsets = [0, 3], sizes = [2048, 1], strides = [1, 1]} : vector<2048x16xf32> to vector<2048x1xf32>
    %gt3A_30 = arith.constant 0.000000e+00 : f32
    %gt3A_31 = vector.broadcast %gt3A_30 : f32 to vector<2048x1xf32>
    %gt3A_32 = arith.cmpf ogt, %slice3A_29, %gt3A_31 : vector<2048x1xf32>
    %jit3A_33 = arith.constant 1.000000e+00 : f32
    %broadcast_in_dim3A_34 = vector.broadcast %jit3A_33 : f32 to vector<2048x1xf32>
    %select_n3A_35 = arith.select %gt3A_32, %slice3A_29, %broadcast_in_dim3A_34 : vector<2048x1xi1>, vector<2048x1xf32>
    %slice3A_36 = vector.extract_strided_slice %get3A_1 {offsets = [0, 192], sizes = [2048, 64], strides = [1, 1]} : vector<2048x256xf32> to vector<2048x64xf32>
    %div3A_37 = vector.broadcast %select_n3A_35 : vector<2048x1xf32> to vector<2048x64xf32>
    %div3A_38 = arith.divf %slice3A_36, %div3A_37 : vector<2048x64xf32>
    %concatenate3A = tpu.concatenate %div3A_8, %div3A_18, %div3A_28, %div3A_38 in 1 : vector<2048x64xf32>, vector<2048x64xf32>, vector<2048x64xf32>, vector<2048x64xf32> -> vector<2048x256xf32>
    %get3A_39 = arith.constant 0 : index
    %get3A_40 = arith.constant 0 : index
    %get3A_41 = vector.load %arg0[%get3A_39, %get3A_40] : memref<2048x256xf32, #tpu.memory_space<vmem>>, vector<2048x256xf32>
    %add3A = arith.addf %get3A_41, %concatenate3A : vector<2048x256xf32>
    %get3A_42 = arith.constant 0 : index
    %get3A_43 = arith.constant 0 : index
    %get3A_44 = vector.load %arg7[%get3A_42, %get3A_43] : memref<1x256xf32, #tpu.memory_space<vmem>>, vector<1x256xf32>
    %get3A_45 = arith.constant 0 : index
    %get3A_46 = arith.constant 0 : index
    %get3A_47 = vector.load %arg8[%get3A_45, %get3A_46] : memref<1x256xf32, #tpu.memory_space<vmem>>, vector<1x256xf32>
    %reduce_sum3A = arith.constant dense<0.000000e+00> : vector<2048xf32>
    %reduce_sum3A_48 = vector.multi_reduction <add>, %add3A, %reduce_sum3A [1] : vector<2048x256xf32> to vector<2048xf32>
    %broadcast_in_dim3A_49 = vector.shape_cast %reduce_sum3A_48 : vector<2048xf32> to vector<2048x1xf32>
    %div3A_50 = arith.constant 2.560000e+02 : f32
    %div3A_51 = vector.broadcast %div3A_50 : f32 to vector<2048x1xf32>
    %div3A_52 = arith.divf %broadcast_in_dim3A_49, %div3A_51 : vector<2048x1xf32>
    %sub3A = vector.broadcast %div3A_52 : vector<2048x1xf32> to vector<2048x256xf32>
    %sub3A_53 = arith.subf %add3A, %sub3A : vector<2048x256xf32>
    %integer_pow3A = arith.mulf %sub3A_53, %sub3A_53 : vector<2048x256xf32>
    %reduce_sum3A_54 = arith.constant dense<0.000000e+00> : vector<2048xf32>
    %reduce_sum3A_55 = vector.multi_reduction <add>, %integer_pow3A, %reduce_sum3A_54 [1] : vector<2048x256xf32> to vector<2048xf32>
    %broadcast_in_dim3A_56 = vector.shape_cast %reduce_sum3A_55 : vector<2048xf32> to vector<2048x1xf32>
    %div3A_57 = arith.constant 2.560000e+02 : f32
    %div3A_58 = vector.broadcast %div3A_57 : f32 to vector<2048x1xf32>
    %div3A_59 = arith.divf %broadcast_in_dim3A_56, %div3A_58 : vector<2048x1xf32>
    %sub3A_60 = vector.broadcast %div3A_52 : vector<2048x1xf32> to vector<2048x256xf32>
    %sub3A_61 = arith.subf %add3A, %sub3A_60 : vector<2048x256xf32>
    %add3A_62 = arith.constant 9.99999974E-6 : f32
    %add3A_63 = vector.broadcast %add3A_62 : f32 to vector<2048x1xf32>
    %add3A_64 = arith.addf %div3A_59, %add3A_63 : vector<2048x1xf32>
    %rsqrt3A = math.rsqrt %add3A_64 : vector<2048x1xf32>
    %mul3A = vector.broadcast %rsqrt3A : vector<2048x1xf32> to vector<2048x256xf32>
    %mul3A_65 = arith.mulf %sub3A_61, %mul3A : vector<2048x256xf32>
    %mul3A_66 = vector.broadcast %get3A_44 : vector<1x256xf32> to vector<2048x256xf32>
    %mul3A_67 = arith.mulf %mul3A_65, %mul3A_66 : vector<2048x256xf32>
    %add3A_68 = vector.broadcast %get3A_47 : vector<1x256xf32> to vector<2048x256xf32>
    %add3A_69 = arith.addf %mul3A_67, %add3A_68 : vector<2048x256xf32>
    %get3A_70 = arith.constant 0 : index
    %get3A_71 = arith.constant 0 : index
    %get3A_72 = vector.load %arg3[%get3A_70, %get3A_71] : memref<256x1024xf32, #tpu.memory_space<vmem>>, vector<256x1024xf32>
    %dot_general3A = arith.constant dense<0.000000e+00> : vector<2048x1024xf32>
    %dot_general3A_73 = tpu.matmul %add3A_69, %get3A_72, %dot_general3A {dimension_numbers = #tpu.dot_dimension_numbers<[1], [0], [0], [1], [0, 0, 1, 1], [], []>, transpose_lhs_hint = false} : vector<2048x256xf32>, vector<256x1024xf32>, vector<2048x1024xf32> -> vector<2048x1024xf32>
    %get3A_74 = arith.constant 0 : index
    %get3A_75 = arith.constant 0 : index
    %get3A_76 = vector.load %arg4[%get3A_74, %get3A_75] : memref<1x1024xf32, #tpu.memory_space<vmem>>, vector<1x1024xf32>
    %add3A_77 = vector.broadcast %get3A_76 : vector<1x1024xf32> to vector<2048x1024xf32>
    %add3A_78 = arith.addf %dot_general3A_73, %add3A_77 : vector<2048x1024xf32>
    %max3A = arith.constant 0.000000e+00 : f32
    %max3A_79 = vector.broadcast %max3A : f32 to vector<2048x1024xf32>
    %max3A_80 = arith.maximumf %add3A_78, %max3A_79 : vector<2048x1024xf32>
    %get3A_81 = arith.constant 0 : index
    %get3A_82 = arith.constant 0 : index
    %get3A_83 = vector.load %arg5[%get3A_81, %get3A_82] : memref<1024x256xf32, #tpu.memory_space<vmem>>, vector<1024x256xf32>
    %dot_general3A_84 = arith.constant dense<0.000000e+00> : vector<2048x256xf32>
    %dot_general3A_85 = tpu.matmul %max3A_80, %get3A_83, %dot_general3A_84 {dimension_numbers = #tpu.dot_dimension_numbers<[1], [0], [0], [1], [0, 0, 1, 1], [], []>, transpose_lhs_hint = false} : vector<2048x1024xf32>, vector<1024x256xf32>, vector<2048x256xf32> -> vector<2048x256xf32>
    %add3A_86 = arith.addf %add3A_69, %dot_general3A_85 : vector<2048x256xf32>
    %get3A_87 = arith.constant 0 : index
    %get3A_88 = arith.constant 0 : index
    %get3A_89 = vector.load %arg6[%get3A_87, %get3A_88] : memref<1x256xf32, #tpu.memory_space<vmem>>, vector<1x256xf32>
    %add3A_90 = vector.broadcast %get3A_89 : vector<1x256xf32> to vector<2048x256xf32>
    %add3A_91 = arith.addf %add3A_86, %add3A_90 : vector<2048x256xf32>
    %get3A_92 = arith.constant 0 : index
    %get3A_93 = arith.constant 0 : index
    %get3A_94 = vector.load %arg9[%get3A_92, %get3A_93] : memref<1x256xf32, #tpu.memory_space<vmem>>, vector<1x256xf32>
    %get3A_95 = arith.constant 0 : index
    %get3A_96 = arith.constant 0 : index
    %get3A_97 = vector.load %arg10[%get3A_95, %get3A_96] : memref<1x256xf32, #tpu.memory_space<vmem>>, vector<1x256xf32>
    %reduce_sum3A_98 = arith.constant dense<0.000000e+00> : vector<2048xf32>
    %reduce_sum3A_99 = vector.multi_reduction <add>, %add3A_91, %reduce_sum3A_98 [1] : vector<2048x256xf32> to vector<2048xf32>
    %broadcast_in_dim3A_100 = vector.shape_cast %reduce_sum3A_99 : vector<2048xf32> to vector<2048x1xf32>
    %div3A_101 = arith.constant 2.560000e+02 : f32
    %div3A_102 = vector.broadcast %div3A_101 : f32 to vector<2048x1xf32>
    %div3A_103 = arith.divf %broadcast_in_dim3A_100, %div3A_102 : vector<2048x1xf32>
    %sub3A_104 = vector.broadcast %div3A_103 : vector<2048x1xf32> to vector<2048x256xf32>
    %sub3A_105 = arith.subf %add3A_91, %sub3A_104 : vector<2048x256xf32>
    %integer_pow3A_106 = arith.mulf %sub3A_105, %sub3A_105 : vector<2048x256xf32>
    %reduce_sum3A_107 = arith.constant dense<0.000000e+00> : vector<2048xf32>
    %reduce_sum3A_108 = vector.multi_reduction <add>, %integer_pow3A_106, %reduce_sum3A_107 [1] : vector<2048x256xf32> to vector<2048xf32>
    %broadcast_in_dim3A_109 = vector.shape_cast %reduce_sum3A_108 : vector<2048xf32> to vector<2048x1xf32>
    %div3A_110 = arith.constant 2.560000e+02 : f32
    %div3A_111 = vector.broadcast %div3A_110 : f32 to vector<2048x1xf32>
    %div3A_112 = arith.divf %broadcast_in_dim3A_109, %div3A_111 : vector<2048x1xf32>
    %sub3A_113 = vector.broadcast %div3A_103 : vector<2048x1xf32> to vector<2048x256xf32>
    %sub3A_114 = arith.subf %add3A_91, %sub3A_113 : vector<2048x256xf32>
    %add3A_115 = arith.constant 9.99999974E-6 : f32
    %add3A_116 = vector.broadcast %add3A_115 : f32 to vector<2048x1xf32>
    %add3A_117 = arith.addf %div3A_112, %add3A_116 : vector<2048x1xf32>
    %rsqrt3A_118 = math.rsqrt %add3A_117 : vector<2048x1xf32>
    %mul3A_119 = vector.broadcast %rsqrt3A_118 : vector<2048x1xf32> to vector<2048x256xf32>
    %mul3A_120 = arith.mulf %sub3A_114, %mul3A_119 : vector<2048x256xf32>
    %mul3A_121 = vector.broadcast %get3A_94 : vector<1x256xf32> to vector<2048x256xf32>
    %mul3A_122 = arith.mulf %mul3A_120, %mul3A_121 : vector<2048x256xf32>
    %add3A_123 = vector.broadcast %get3A_97 : vector<1x256xf32> to vector<2048x256xf32>
    %add3A_124 = arith.addf %mul3A_122, %add3A_123 : vector<2048x256xf32>
    %swap3A = arith.constant 0 : index
    %swap3A_125 = arith.constant 0 : index
    %swap3A_126 = vector.load %arg11[%swap3A, %swap3A_125] : memref<2048x256xf32, #tpu.memory_space<vmem>>, vector<2048x256xf32>
    tpu.vector_store %arg11[%swap3A, %swap3A_125], %add3A_124 {strides = array<i32>} : memref<2048x256xf32, #tpu.memory_space<vmem>>, vector<2048x256xf32>,
    return
  }
}

</mosaic_0001>

<sc_bundles>
// kernel: kernel.11.cloned.1.call-start
scs
__scs_entry_jumppad:
0x0: {  	(pc) =	sbr.rel $0x88, $3  }
0x1: {  	(tag) =	ssettag $0x0;
	lr =	simm.s32 $0x1  }
0x2: {  	[smem:$0x3F8A] =	sst lr;
	_ =	strace $0xD0000000  }
0x3: {  	_ = 	snop  }
0x4: {  	_ = 	snop  }
0x5: {  	_ = 	snop  }
0x6: {  	_ = 	snop  }
0x7: {  	_ = 	snop  }
__scs_overlays_trampoline_lowered:
0x8: {  	[smem:$0x3F99] =	sst s0  }
0x9: {  	[smem:$0x3F9A] =	sst s1  }
0xa: {  	[smem:$0x3F9B] =	sst s2  }
0xb: {  	[smem:$0x3F9C] =	sst s3  }
0xc: {  	[smem:$0x3F9D] =	sst s4  }
0xd: {  	[smem:$0x3F9E] =	sst s5  }
0xe: {  	[smem:$0x3F9F] =	sst s6  }
0xf: {  	[smem:$0x3FA0] =	sst s7  }
0x10: {  	[smem:$0x3FA1] =	sst s8  }
0x11: {  	[smem:$0x3FA2] =	sst s9;
	s0 =	simm.s32 @!p0 $0x0  }
0x12: {  	s1 =	sld [smem:$0x3F88];
	s0 =	simm.s32 @p0 $0x1  }
0x13: {  	[smem:$0x3FA3] =	sst s0;
	s0 =	simm.s32 @!p1 $0x0  }
0x14: {  	s2 =	sld [smem:$0x3F87];
	s0 =	simm.s32 @p1 $0x1  }
0x15: {  	[smem:$0x3FA4] =	sst s0;
	s0 =	simm.s32 @!p2 $0x0  }
0x16: {  	s3 =	sld [smem:$0x3FDB];
	s0 =	simm.s32 @p2 $0x1  }
0x17: {  	s4 =	simm.s32 $0x1BF5;
	[smem:$0x3FA6] =	sst s0  }
0x18: {  	s0 =	sld [smem:$0x3F89];
	_ =	swait.ge [sflag:s4], $0x0  }
0x19: {  	s7 =	sld [smem:$0x3F8A]  }
0x1a: {  	s8 =	sadd.s32 $0xFFFFE003, lr  }
0x1b: {  	s9 =	sadd.s32 $0xFFFFFEF7, lr;
	s5 =	simm.s32 $0xFFFFFFFF;
	p2 =	slt.u32 s8, $0xFFFFF086  }
0x1c: {  	p1 =	slt.u32 s9, $0xF7A;
	s5 =	simm.s32 @!p2 $0x0  }
0x1d: {  	s5 =	simm.s32 @p1 $0x1;
	p0 =	seq.s32 s7, s2  }
0x1e: {  	s7 =	smul.u32 @!p0 $0xF7A, s2;
	p2 =	seq.s32 @!p0 s5, $0x0  }
0x1f: {  	s9 =	smul.u32 $0xF7A, s1;
	s8 =	simm.s32 @!p0 $0x1BF5;
	p2 =	por !p2, p0  }
0x20: {  	[sflag:s8] =	ssyncset.s32 @!p0 $0xFFFFF086;
	s6 =	sadd.s32 @!p0 s3, s7;
	s7 =	simm.s32 @!p0 $0x108  }
0x21: {  	s3 =	sadd.s32 s3, s9;
	s6 =	sadd.s32 @!p0 $0x88, s6;
	s7 =	simm.s32 @p2 $0x1082  }
0x22: {  	[simem:s7], [sflag:s8] =	dma.local @!p0 [hbm:s6], $0xF7A  }
0x23: {  	s9 =	sor.u32 $0xD0000000, s2;
	s6 =	simm.s32 $0x108;
	_ =	swait.ge @!p0 [sflag:s8], $0x0  }
0x24: {  	s3 =	sadd.s32 $0x88, s3;
	s6 =	simm.s32 @!p1 $0x1082;
	[sflag:s4] =	ssyncset.s32 $0xFFFFF086  }
0x25: {  	[simem:s6], [sflag:s4] =	dma.local [hbm:s3], $0xF7A  }
0x26: {  	[smem:$0x3F8A] =	sst s1;
	(tag) =	ssettag s2;
	_ =	strace s9  }
0x27: {  	s1 =	sld [smem:$0x3F9A]  }
0x28: {  	s2 =	sld [smem:$0x3F9B]  }
0x29: {  	s4 =	sld [smem:$0x3F9D]  }
0x2a: {  	p0 =	seq.s32 s5, $0x0;
	s5 =	sld [smem:$0x3F9E]  }
0x2b: {  	s6 =	sld [smem:$0x3F9F]  }
0x2c: {  	s7 =	sld [smem:$0x3FA0]  }
0x2d: {  	s3 =	simm.s32 $0x108;
	s8 =	sld [smem:$0x3FA1]  }
0x2e: {  	s3 =	simm.s32 @!p0 $0x1082;
	s9 =	sld [smem:$0x3FA2]  }
0x2f: {  	lr =	sadd.s32 s0, s3;
	s0 =	sld [smem:$0x3F99]  }
0x30: {  	s3 =	sld [smem:$0x3F9C]  }
0x31: {  	[smem:$0x3FA5] =	sst s10  }
0x32: {  	s10 =	sld [smem:$0x3FA3];
	_ =	sdelay $0x3  }
0x33: {  	p0 =	seq.s32 s10, $0x1;
	s10 =	sld [smem:$0x3FA5];
	_ =	sdelay $0x3  }
0x34: {  	[smem:$0x3FA5] =	sst s10  }
0x35: {  	s10 =	sld [smem:$0x3FA4];
	_ =	sdelay $0x3  }
0x36: {  	p1 =	seq.s32 s10, $0x1;
	s10 =	sld [smem:$0x3FA5];
	_ =	sdelay $0x3  }
0x37: {  	[smem:$0x3FA5] =	sst s10  }
0x38: {  	s10 =	sld [smem:$0x3FA6]  }
0x39: {  	_ = 	snop;
	(pc) =	sbr.ind lr, $3  }
0x3a: {  	_ = 	snop  }
0x3b: {  	_ = 	snop  }
0x3c: {  	p2 =	seq.s32 s10, $0x1;
	s10 =	sld [smem:$0x3FA5]  }
0x3d: {  	_ =	shalt  }
0x3e: {  	_ =	shalt  }
0x3f: {  	_ =	shalt  }
0x40: {  	_ =	shalt  }
0x41: {  	_ =	shalt  }
0x42: {  	_ =	shalt  }
0x43: {  	_ =	shalt  }
0x44: {  	_ =	shalt  }
0x45: {  	_ =	shalt  }
0x46: {  	_ =	shalt  }
0x47: {  	_ =	shalt  }
0x48: {  	_ =	shalt  }
0x49: {  	_ =	shalt  }
0x4a: {  	_ =	shalt  }
0x4b: {  	_ =	shalt  }
0x4c: {  	_ =	shalt  }
0x4d: {  	_ =	shalt  }
0x4e: {  	_ =	shalt  }
0x4f: {  	_ =	shalt  }
0x50: {  	_ =	shalt  }
0x51: {  	_ =	shalt  }
0x52: {  	_ =	shalt  }
0x53: {  	_ =	shalt  }
0x54: {  	_ =	shalt  }
0x55: {  	_ =	shalt  }
0x56: {  	_ =	shalt  }
0x57: {  	_ =	shalt  }
0x58: {  	_ =	shalt  }
0x59: {  	_ =	shalt  }
0x5a: {  	_ =	shalt  }
0x5b: {  	_ =	shalt  }
0x5c: {  	_ =	shalt  }
0x5d: {  	_ =	shalt  }
0x5e: {  	_ =	shalt  }
0x5f: {  	_ =	shalt  }
0x60: {  	_ =	shalt  }
0x61: {  	_ =	shalt  }
0x62: {  	_ =	shalt  }
0x63: {  	_ =	shalt  }
0x64: {  	_ =	shalt  }
0x65: {  	_ =	shalt  }
0x66: {  	_ =	shalt  }
0x67: {  	_ =	shalt  }
0x68: {  	_ =	shalt  }
0x69: {  	_ =	shalt  }
0x6a: {  	_ =	shalt  }
0x6b: {  	_ =	shalt  }
0x6c: {  	_ =	shalt  }
0x6d: {  	_ =	shalt  }
0x6e: {  	_ =	shalt  }
0x6f: {  	_ =	shalt  }
0x70: {  	_ =	shalt  }
0x71: {  	_ =	shalt  }
0x72: {  	_ =	shalt  }
0x73: {  	_ =	shalt  }
0x74: {  	_ =	shalt  }
0x75: {  	_ =	shalt  }
0x76: {  	_ =	shalt  }
0x77: {  	_ =	shalt  }
0x78: {  	_ =	shalt  }
0x79: {  	_ =	shalt  }
0x7a: {  	_ =	shalt  }
0x7b: {  	_ =	shalt  }
0x7c: {  	_ =	shalt  }
0x7d: {  	_ =	shalt  }
0x7e: {  	_ =	shalt  }
0x7f: {  	_ =	shalt  }
0x80: {  	_ =	shalt  }
0x81: {  	_ =	shalt  }
0x82: {  	_ =	shalt  }
0x83: {  	_ =	shalt  }
0x84: {  	_ =	shalt  }
0x85: {  	_ =	shalt  }
0x86: {  	_ =	shalt  }
0x87: {  	_ =	shalt  }
.Lfunc_end0:
.L_simem_size_0:
called_computation.1_lowered:
.L_overlay_start_0:
0x88: {  	s2 =	sld [smem:$0x3FD9]  }
0x89: {  	s3 =	sld [smem:$0x3FFE];
	_ =	sdelay $0x1  }
0x8a: {  	s1 =	srdreg.scid  }
0x8b: {  	s0 =	sand.u32 $0x1, s1  }
0x8c: {  	s15 =	sshll.u32 s0, $0xA;
	s2 =	sadd.s32 s3, s2  }
0x8d: {  	s2 =	sadd.s32 s2, s15  }
0x8e: {  	[smem:$0x3FB1] =	sst s2  }
0x8f: {  	_ = 	snop  }
0x90: {  	s2 =	sld [smem:$0x3FD0];
	_ =	sdelay $0x2  }
0x91: {  	s16 =	simm.s32 $0xB;
	s4 =	simm.s32 $0x10  }
0x92: {  	[smem:s4], [sflag:s16] =	dma.local [hbm:s2], $0x1  }
0x93: {  	_ =	swait.eq [sflag:s16], $0x1  }
0x94: {  	[sflag:s16] =	ssyncset.done $0x0  }
0x95: {  	[sflag:s16] =	ssyncadd.s32 $0xFFFFFFFF  }
0x96: {  	s17 =	sld [smem:$0x10];
	(tm) =	ssettm $0x1  }
0x97: {  	s18 =	sld [smem:$0x3FFB];
	_ =	sdelay $0x3  }
0x98: {  	_ =	strace s18  }
0x99: {  	s2 =	sld [smem:$0x3FFC];
	_ =	sdelay $0x3  }
0x9a: {  	_ =	strace s2  }
0x9b: {  	s2 =	sld [smem:$0x3FFD];
	_ =	sdelay $0x3  }
0x9c: {  	_ =	strace s2  }
0x9d: {  	_ =	strace $0x8FFFFFFF  }
0x9e: {  	s19 =	sld [smem:$0x3FDB];
	_ =	sdelay $0x1  }
0x9f: {  	s20 =	simm.s32 $_scs_section_size  }
0xa0: {  	s5 =	simm.s32 $_size__tile_overlayer_lowered;
	s6 =	simm.s32 $_tile_overlayer_lowered  }
0xa1: {  	s7 =	simm.s32 $0x1BFF;
	s21 =	sshll.u32 s6, $0x1;
	s4 =	sadd.s32 s20, s19  }
0xa2: {  	s22 =	simm.s32 $0x0;
	s5 =	sshll.u32 s5, $0x1;
	s6 =	sadd.s32 s21, s4  }
0xa3: {  	[timem:s22], [sflag:s7] =	dma.local [hbm:s6], s5  }
0xa4: {  	_ =	swait.ge [sflag:s7], s5  }
0xa5: {  	s5 =	ssub.s32 $0x0, s5;
	[sflag:s7] =	ssyncset.done $0x0  }
0xa6: {  	[sflag:s7] =	ssyncadd.s32 s5;
	_ =	sdelay $0x1  }
0xa7: {  	s23 =	simm.s32 $0x1B8B  }
0xa8: {  	_ =	swait.ge [sflag:s23], $0x1  }
0xa9: {  	[sflag:s23] =	ssyncset.done $0x0  }
0xaa: {  	[sflag:s23] =	ssyncadd.s32 $0xFFFFFFFF  }
0xab: {  	s5 =	sld [smem:$0x0]  }
0xac: {  	s6 =	sand.u32 $0xFFFFFFFE, s1  }
0xad: {  	p0 =	sne.s32 s1, s6  }
0xae: {  	s6 =	sshll.u32 @p0 s6, $0xE  }
0xaf: {  	s6 =	sadd.s32 @p0 $0x11B8D, s6;
	s7 =	sshll.u32 @p0 s5, $0x11  }
0xb0: {  	s6 =	sor.u32 @p0 s7, s6  }
0xb1: {  	[sflag:s6] =	ssyncadd.remote.s32 @p0 $0x1;
	_ =	sdelay $0x1  }
0xb2: {  	s6 =	simm.s32 @p0 $0x1B8D  }
0xb3: {  	_ =	swait.eq @p0 [sflag:s6], $0x1  }
0xb4: {  	[sflag:s6] =	ssyncadd.s32 @p0 $0xFFFFFFFF  }
0xb5: {  	s7 =	sshll.u32 @!p0 s1, $0xE  }
0xb6: {  	s7 =	sor.u32 @!p0 $0x4000, s7;
	s6 =	simm.s32 @!p0 $0x1B8D  }
0xb7: {  	s5 =	sshll.u32 @!p0 s5, $0x11;
	s7 =	sadd.s32 @!p0 $0x11B8D, s7;
	_ =	swait.eq @!p0 [sflag:s6], $0x1  }
0xb8: {  	s5 =	sor.u32 @!p0 s5, s7;
	[sflag:s6] =	ssyncadd.s32 @!p0 $0xFFFFFFFF  }
0xb9: {  	s25 =	simm.s32 $0x1B8E;
	s24 =	sld [smem:$0x3FFE];
	[sflag:s5] =	ssyncadd.remote.s32 @!p0 $0x1  }
0xba: {  	s26 =	simm.s32 $execute0_lowered;
	[smem:$0x3FD2] =	sst s25  }
0xbb: {  	s6 =	sshll.u32 s26, $0x1;
	_ =	strace $0x80000049;
	[dreg:$0x1] =	wrdreg $0xFFFFFFFF  }
0xbc: {  	s28 =	simm.s32 $_size_execute0_lowered;
	s4 =	sadd.s32 s4, s6;
	[dreg:$0x0] =	wrdreg $0x0  }
0xbd: {  	s6 =	sshll.u32 s28, $0x1;
	[dreg:$0x2] =	wrdreg s4  }
0xbe: {  	[dreg:$0x3] =	wrdreg s6  }
0xbf: {  	[dreg:$0x4] =	wrdreg $0xC0  }
0xc0: {  	_ =	task [dreg:s22], $0x5FFFF  }
0xc1: {  	[dreg:$0x1] =	wrdreg $0xFFFFFFFF  }
0xc2: {  	[dreg:$0x0] =	wrdreg $0x60  }
0xc3: {  	[dreg:$0x2] =	wrdreg s24  }
0xc4: {  	[dreg:$0x3] =	wrdreg s17  }
0xc5: {  	[dreg:$0x4] =	wrdreg $0xA  }
0xc6: {  	_ =	task.clear_ibuf [dreg:s22], $0x5FFFF;
	_ =	strace $0x90000049  }
0xc7: {  	s29 =	simm.s32 $0xA;
	_ =	strace $0x8000004B  }
0xc8: {  	_ =	swait.ge [sflag:s29], $0x1  }
0xc9: {  	[sflag:s29] =	ssyncadd.s32 $0xFFFFFFFF  }
0xca: {  	_ =	strace $0x9000004B  }
0xcb: {  	_ =	sfence  }
0xcc: {  	s30 =	sld [smem:$0x0];
	_ =	sdelay $0x2  }
0xcd: {  	s31 =	sshll.u32 s1, $0xD;
	s1 =	sshrl.u32 s1, $0x2  }
0xce: {  	s4 =	sand.u32 $0x4000, s31;
	s1 =	sadd.s32 s1, s30  }
0xcf: {  	s0 =	sor.u32 s4, s0;
	s1 =	sshll.u32 s1, $0x11  }
0xd0: {  	s0 =	sor.u32 s1, s0  }
0xd1: {  	s0 =	sadd.s32 $0x8F2B, s0  }
0xd2: {  	[sflag:s0] =	ssyncadd.remote.s32 $0x1  }
0xd3: {  	_ =	sfence.sel $0xFFFF  }
0xd4: {  	[dreg:$0x0] =	wrdreg $0xFFFFFFFF;
	(pc) =	sbr.abs _section_cstart, $3  }
0xd5: {  	[dreg:$0x1] =	wrdreg $0xFFFFFFFF  }
0xd6: {  	_ =	task.clear_ibuf [dreg:s22], $0x2FFFF;
	_ =	strace $0x9FFFFFFF  }
0xd7: {  	(tm) =	ssettm $0x7FFFFFFF  }
tec
execute0_lowered:
.L_overlay_start_1:
0x0: {  	(tag) =	ssettag $0x1  }
0x1: {  	s0 =	srdreg.scid  }
0x2: {  	s2 =	stileid.u32;
	s4 =	rddreg [dreg:$0x0];
	s1 =	sand.u32 $0x1, s0  }
0x3: {  	s3 =	rddreg [dreg:$0x1];
	s31 =	simm.s32 $0x200;
	s0 =	sshll.u32 s1, $0x4  }
0x4: {  	s30 =	simm.s32 $0x280;
	s29 =	simm.s32 $0x300;
	s0 =	sor.u32 s2, s0  }
0x5: {  	s28 =	simm.s32 $0x380;
	p0 =	por $0x0, $0x0;
	s5 =	smul.u32 $0x600, s0  }
0x6: {  	s7 =	sadd.s32 $0x50800, s4;
	s2 =	simm.s32 $0x0;
	s6 =	smul.u32 $0x30000, s0  }
0x7: {  	s10 =	sadd.s32 $0x110800, s4;
	[smem:$0x7FF] =	sst s2;
	s0 =	smul.u32 $0x6000, s0  }
0x8: {  	s1 =	ssub.s32 $0x2, s1;
	_ =	strace $0x8000004A;
	s5 =	sshrl.u32 s5, $0x3  }
0x9: {  	s6 =	sshrl.u32 s6, $0x3;
	s11 =	sor.u32 $0x1800, s0;
	s13 =	sadd.s32 $0x2800, s0  }
0xa: {  	s15 =	sadd.s32 $0x3800, s0;
	s5 =	sadd.s32 s4, s5;
	s20 =	sadd.s32 s7, s11  }
0xb: {  	s22 =	sadd.s32 $0x5000, s6;
	s8 =	sadd.s32 $0x5000, s5;
	[dreg:$0xc] =	wrdreg s20  }
0xc: {  	s9 =	sadd.s32 $0x5800, s6;
	s5 =	sadd.s32 $0x7000, s5;
	[dreg:$0x3] =	wrdreg s8  }
0xd: {  	s18 =	sor.u32 $0x1000, s6;
	s23 =	sadd.s32 s7, s22;
	[dreg:$0x4] =	wrdreg s5  }
0xe: {  	s12 =	sadd.s32 $0x2000, s6;
	s24 =	sadd.s32 s7, s9;
	[dreg:$0x5] =	wrdreg s23  }
0xf: {  	s14 =	sadd.s32 $0x3000, s6;
	s25 =	sadd.s32 s10, s22;
	[dreg:$0x6] =	wrdreg s24  }
0x10: {  	s16 =	sadd.s32 $0x4000, s6;
	s26 =	sadd.s32 s10, s9;
	[dreg:$0x7] =	wrdreg s25  }
0x11: {  	s9 =	sor.u32 $0x800, s0;
	s19 =	sadd.s32 s7, s18;
	[dreg:$0x8] =	wrdreg s26  }
0x12: {  	s21 =	sadd.s32 s7, s12;
	s22 =	sadd.s32 s7, s13;
	[dreg:$0xb] =	wrdreg s19  }
0x13: {  	s0 =	sadd.s32 $0x4800, s0;
	s20 =	sadd.s32 s10, s13;
	[dreg:$0xd] =	wrdreg s21  }
0x14: {  	s13 =	simm.s32 $0xA00;
	s8 =	sadd.s32 s7, s6;
	[dreg:$0xe] =	wrdreg s22  }
0x15: {  	s17 =	sadd.s32 s7, s9;
	s23 =	sadd.s32 s7, s14;
	[dreg:$0x18] =	wrdreg s20  }
0x16: {  	s24 =	sadd.s32 s7, s15;
	s25 =	sadd.s32 s7, s16;
	[dreg:$0x9] =	wrdreg s8  }
0x17: {  	s26 =	sadd.s32 s7, s0;
	s7 =	sadd.s32 s10, s6;
	[dreg:$0xa] =	wrdreg s17  }
0x18: {  	s19 =	sadd.s32 s10, s12;
	s21 =	sadd.s32 s10, s14;
	[dreg:$0xf] =	wrdreg s23  }
0x19: {  	s22 =	sadd.s32 s10, s15;
	s0 =	sadd.s32 s10, s0;
	[dreg:$0x10] =	wrdreg s24  }
0x1a: {  	s20 =	simm.s32 $0x600;
	s5 =	simm.s32 $0x4C00;
	[dreg:$0x11] =	wrdreg s25  }
0x1b: {  	s6 =	simm.s32 $0x2;
	s15 =	simm.s32 $0x900;
	[dreg:$0x12] =	wrdreg s26  }
0x1c: {  	s14 =	simm.s32 $0x980;
	s12 =	simm.s32 $0xA80;
	[dreg:$0x13] =	wrdreg s7  }
0x1d: {  	s8 =	sadd.s32 s10, s9;
	s17 =	sadd.s32 s10, s18;
	[dreg:$0x17] =	wrdreg s19  }
0x1e: {  	s18 =	sadd.s32 s10, s11;
	s19 =	sadd.s32 $0x8800, s4;
	[dreg:$0x19] =	wrdreg s21  }
0x1f: {  	s23 =	sshrl.u32 s1, $0x1;
	[dreg:$0x1a] =	wrdreg s22;
	s24 =	sadd.s32 s10, s16  }
0x20: {  	[dreg:$0x1c] =	wrdreg s0;
	s4 =	simm.s32 $0x3;
	s9 =	simm.s32 $0xC00  }
0x21: {  	s7 =	simm.s32 $0x1;
	s25 =	simm.s32 $0x100;
	s0 =	rddreg [dreg:$0x3]  }
0x22: {  	s26 =	simm.s32 $0x180;
	[dreg:$0x14] =	wrdreg s8;
	s1 =	ssub.s32 s1, s23  }
0x23: {  	s22 =	simm.s32 $0x680;
	[dreg:$0x15] =	wrdreg s17;
	s1 =	smax.u32 s1, $0x1  }
0x24: {  	s21 =	simm.s32 $0x700;
	[dreg:$0x16] =	wrdreg s18;
	p1 =	sne.s32 s1, $0x1  }
.Ltmp0:
0x25: {  	s16 =	simm.s32 $0x880;
	[dreg:$0x1b] =	wrdreg s24;
	(pc) =	sbr.rel @!p1 .LBB2_3-.Ltmp0, $4  }
0x26: {  	s11 =	simm.s32 $0xB00;
	s10 =	simm.s32 $0xB80;
	[dreg:$0x1d] =	wrdreg s25  }
0x27: {  	s8 =	simm.s32 $0x80;
	[dreg:$0x1e] =	wrdreg s26;
	s26 =	simm.s32 $0x400  }
0x28: {  	s25 =	simm.s32 $0x480;
	s24 =	simm.s32 $0x500;
	s23 =	simm.s32 $0x580  }
0x29: {  	s18 =	simm.s32 $0x780;
	s17 =	simm.s32 $0x800;
	s1 =	sadd.s32 $0xFFFFFFFF, s1  }
0x2a: {  	[tilespmem:s2], [sflag:$0x3] =	stream.linear.gather [hbm4b:s0+s2], $0x600, $0x38;
	[tilespmem:$0x8C00] =	vst v63  }
0x2b: {  	_ =	swait.ge [sflag:s4], $0x600  }
0x2c: {  	[sflag:s4] =	ssyncset.done $0x0  }
0x2d: {  	s0 =	rddreg [dreg:$0x4];
	[sflag:s4] =	ssyncadd.s32 $0xFFFFFA00  }
0x2e: {  	[tilespmem:s20], [sflag:$0x3] =	stream.linear.gather [hbm4b:s0+s2], $0x600, $0x38;
	[tilespmem:$0x8C00] =	vst v63  }
0x2f: {  	_ =	swait.ge [sflag:s4], $0x600  }
0x30: {  	[sflag:s4] =	ssyncset.done $0x0  }
0x31: {  	[sflag:s4] =	ssyncadd.s32 $0xFFFFFA00  }
0x32: {  	[tilespmem:s9], [sflag:$0x1] =	stream.indirect.gather [hbm4b:s19+s8], $0x80, s2, s8, $0xb8;
	[tilespmem:$0x8C00] =	vst v63  }
0x33: {  	_ =	swait.ge [sflag:s7], $0x4000  }
0x34: {  	[sflag:s7] =	ssyncset.done $0x0  }
0x35: {  	[sflag:s7] =	ssyncadd.s32 $0xFFFFC000  }
0x36: {  	[tilespmem:s5], [sflag:$0x1] =	stream.indirect.gather [hbm4b:s19+s8], $0x80, s8, s8, $0xb8;
	[tilespmem:$0x8C00] =	vst v63  }
0x37: {  	s0 =	rddreg [dreg:$0x9]  }
0x38: {  	[hbm4b:s0+s2] =	stream.linear.scatter [tilespmem:s9], [sflag:$0x2], $0x4000, $0x38;
	[tilespmem:$0x8C00] =	vst v63  }
0x39: {  	_ =	swait.ge [sflag:s7], $0x4000  }
0x3a: {  	[sflag:s7] =	ssyncset.done $0x0  }
0x3b: {  	[sflag:s7] =	ssyncadd.s32 $0xFFFFC000  }
0x3c: {  	_ =	swait.ge [sflag:s6], $0x4000  }
0x3d: {  	[dreg:$0x1f] =	wrdreg s1;
	[sflag:s6] =	ssyncset.done $0x0  }
0x3e: {  	s0 =	rddreg [dreg:$0x1d];
	[sflag:s6] =	ssyncadd.s32 $0xFFFFC000  }
0x3f: {  	[tilespmem:s9], [sflag:$0x1] =	stream.indirect.gather [hbm4b:s19+s8], $0x80, s0, s8, $0xb8;
	[tilespmem:$0x8C00] =	vst v63  }
0x40: {  	s1 =	rddreg [dreg:$0xa]  }
0x41: {  	[hbm4b:s1+s2] =	stream.linear.scatter [tilespmem:s5], [sflag:$0x2], $0x4000, $0x38;
	[tilespmem:$0x8C00] =	vst v63  }
0x42: {  	_ =	swait.ge [sflag:s7], $0x4000  }
0x43: {  	[sflag:s7] =	ssyncset.done $0x0  }
0x44: {  	[sflag:s7] =	ssyncadd.s32 $0xFFFFC000  }
0x45: {  	_ =	swait.ge [sflag:s6], $0x4000  }
0x46: {  	[sflag:s6] =	ssyncset.done $0x0  }
0x47: {  	s0 =	rddreg [dreg:$0x1e];
	[sflag:s6] =	ssyncadd.s32 $0xFFFFC000  }
0x48: {  	[tilespmem:s5], [sflag:$0x1] =	stream.indirect.gather [hbm4b:s19+s8], $0x80, s0, s8, $0xb8;
	[tilespmem:$0x8C00] =	vst v63  }
0x49: {  	s1 =	rddreg [dreg:$0xb]  }
0x4a: {  	[hbm4b:s1+s2] =	stream.linear.scatter [tilespmem:s9], [sflag:$0x2], $0x4000, $0x38;
	[tilespmem:$0x8C00] =	vst v63  }
0x4b: {  	_ =	swait.ge [sflag:s7], $0x4000  }
0x4c: {  	[sflag:s7] =	ssyncset.done $0x0  }
0x4d: {  	[sflag:s7] =	ssyncadd.s32 $0xFFFFC000  }
0x4e: {  	_ =	swait.ge [sflag:s6], $0x4000  }
0x4f: {  	[sflag:s6] =	ssyncset.done $0x0  }
0x50: {  	[sflag:s6] =	ssyncadd.s32 $0xFFFFC000  }
0x51: {  	[tilespmem:s9], [sflag:$0x1] =	stream.indirect.gather [hbm4b:s19+s8], $0x80, s31, s8, $0xb8;
	[tilespmem:$0x8C00] =	vst v63  }
0x52: {  	s1 =	rddreg [dreg:$0xc]  }
0x53: {  	[hbm4b:s1+s2] =	stream.linear.scatter [tilespmem:s5], [sflag:$0x2], $0x4000, $0x38;
	[tilespmem:$0x8C00] =	vst v63  }
0x54: {  	_ =	swait.ge [sflag:s7], $0x4000  }
0x55: {  	[sflag:s7] =	ssyncset.done $0x0  }
0x56: {  	[sflag:s7] =	ssyncadd.s32 $0xFFFFC000  }
0x57: {  	_ =	swait.ge [sflag:s6], $0x4000  }
0x58: {  	[sflag:s6] =	ssyncset.done $0x0  }
0x59: {  	[sflag:s6] =	ssyncadd.s32 $0xFFFFC000  }
0x5a: {  	[tilespmem:s5], [sflag:$0x1] =	stream.indirect.gather [hbm4b:s19+s8], $0x80, s30, s8, $0xb8;
	[tilespmem:$0x8C00] =	vst v63  }
0x5b: {  	s1 =	rddreg [dreg:$0xd]  }
0x5c: {  	[hbm4b:s1+s2] =	stream.linear.scatter [tilespmem:s9], [sflag:$0x2], $0x4000, $0x38;
	[tilespmem:$0x8C00] =	vst v63  }
0x5d: {  	_ =	swait.ge [sflag:s7], $0x4000  }
0x5e: {  	[sflag:s7] =	ssyncset.done $0x0  }
0x5f: {  	[sflag:s7] =	ssyncadd.s32 $0xFFFFC000  }
0x60: {  	_ =	swait.ge [sflag:s6], $0x4000  }
0x61: {  	[sflag:s6] =	ssyncset.done $0x0  }
0x62: {  	[sflag:s6] =	ssyncadd.s32 $0xFFFFC000  }
0x63: {  	[tilespmem:s9], [sflag:$0x1] =	stream.indirect.gather [hbm4b:s19+s8], $0x80, s29, s8, $0xb8;
	[tilespmem:$0x8C00] =	vst v63  }
0x64: {  	s1 =	rddreg [dreg:$0xe]  }
0x65: {  	[hbm4b:s1+s2] =	stream.linear.scatter [tilespmem:s5], [sflag:$0x2], $0x4000, $0x38;
	[tilespmem:$0x8C00] =	vst v63  }
0x66: {  	_ =	swait.ge [sflag:s7], $0x4000  }
0x67: {  	[sflag:s7] =	ssyncset.done $0x0  }
0x68: {  	[sflag:s7] =	ssyncadd.s32 $0xFFFFC000  }
0x69: {  	_ =	swait.ge [sflag:s6], $0x4000  }
0x6a: {  	[sflag:s6] =	ssyncset.done $0x0  }
0x6b: {  	[sflag:s6] =	ssyncadd.s32 $0xFFFFC000  }
0x6c: {  	[tilespmem:s5], [sflag:$0x1] =	stream.indirect.gather [hbm4b:s19+s8], $0x80, s28, s8, $0xb8;
	[tilespmem:$0x8C00] =	vst v63  }
0x6d: {  	s1 =	rddreg [dreg:$0xf]  }
0x6e: {  	[hbm4b:s1+s2] =	stream.linear.scatter [tilespmem:s9], [sflag:$0x2], $0x4000, $0x38;
	[tilespmem:$0x8C00] =	vst v63  }
0x6f: {  	_ =	swait.ge [sflag:s7], $0x4000  }
0x70: {  	[sflag:s7] =	ssyncset.done $0x0  }
0x71: {  	[sflag:s7] =	ssyncadd.s32 $0xFFFFC000  }
0x72: {  	_ =	swait.ge [sflag:s6], $0x4000  }
0x73: {  	[sflag:s6] =	ssyncset.done $0x0  }
0x74: {  	[sflag:s6] =	ssyncadd.s32 $0xFFFFC000  }
0x75: {  	[tilespmem:s9], [sflag:$0x1] =	stream.indirect.gather [hbm4b:s19+s8], $0x80, s26, s8, $0xb8;
	[tilespmem:$0x8C00] =	vst v63  }
0x76: {  	s1 =	rddreg [dreg:$0x10]  }
0x77: {  	[hbm4b:s1+s2] =	stream.linear.scatter [tilespmem:s5], [sflag:$0x2], $0x4000, $0x38;
	[tilespmem:$0x8C00] =	vst v63  }
0x78: {  	_ =	swait.ge [sflag:s7], $0x4000  }
0x79: {  	[sflag:s7] =	ssyncset.done $0x0  }
0x7a: {  	[sflag:s7] =	ssyncadd.s32 $0xFFFFC000  }
0x7b: {  	_ =	swait.ge [sflag:s6], $0x4000  }
0x7c: {  	[sflag:s6] =	ssyncset.done $0x0  }
0x7d: {  	[sflag:s6] =	ssyncadd.s32 $0xFFFFC000  }
0x7e: {  	[tilespmem:s5], [sflag:$0x1] =	stream.indirect.gather [hbm4b:s19+s8], $0x80, s25, s8, $0xb8;
	[tilespmem:$0x8C00] =	vst v63  }
0x7f: {  	s1 =	rddreg [dreg:$0x11]  }
0x80: {  	[hbm4b:s1+s2] =	stream.linear.scatter [tilespmem:s9], [sflag:$0x2], $0x4000, $0x38;
	[tilespmem:$0x8C00] =	vst v63  }
0x81: {  	_ =	swait.ge [sflag:s7], $0x4000  }
0x82: {  	[sflag:s7] =	ssyncset.done $0x0  }
0x83: {  	[sflag:s7] =	ssyncadd.s32 $0xFFFFC000  }
0x84: {  	_ =	swait.ge [sflag:s6], $0x4000  }
0x85: {  	[sflag:s6] =	ssyncset.done $0x0  }
0x86: {  	[sflag:s6] =	ssyncadd.s32 $0xFFFFC000  }
0x87: {  	[tilespmem:s9], [sflag:$0x1] =	stream.indirect.gather [hbm4b:s19+s8], $0x80, s24, s8, $0xb8;
	[tilespmem:$0x8C00] =	vst v63  }
0x88: {  	s1 =	rddreg [dreg:$0x12]  }
0x89: {  	[hbm4b:s1+s2] =	stream.linear.scatter [tilespmem:s5], [sflag:$0x2], $0x4000, $0x38;
	[tilespmem:$0x8C00] =	vst v63  }
0x8a: {  	_ =	swait.ge [sflag:s7], $0x4000  }
0x8b: {  	[sflag:s7] =	ssyncset.done $0x0  }
0x8c: {  	[sflag:s7] =	ssyncadd.s32 $0xFFFFC000  }
0x8d: {  	_ =	swait.ge [sflag:s6], $0x4000  }
0x8e: {  	[sflag:s6] =	ssyncset.done $0x0  }
0x8f: {  	[sflag:s6] =	ssyncadd.s32 $0xFFFFC000  }
0x90: {  	[tilespmem:s5], [sflag:$0x1] =	stream.indirect.gather [hbm4b:s19+s8], $0x80, s23, s8, $0xb8;
	[tilespmem:$0x8C00] =	vst v63  }
0x91: {  	s1 =	rddreg [dreg:$0x5]  }
0x92: {  	[hbm4b:s1+s2] =	stream.linear.scatter [tilespmem:s9], [sflag:$0x2], $0x4000, $0x38;
	[tilespmem:$0x8C00] =	vst v63  }
0x93: {  	_ =	swait.ge [sflag:s7], $0x4000  }
0x94: {  	[sflag:s7] =	ssyncset.done $0x0  }
0x95: {  	[sflag:s7] =	ssyncadd.s32 $0xFFFFC000  }
0x96: {  	_ =	swait.ge [sflag:s6], $0x4000  }
0x97: {  	[sflag:s6] =	ssyncset.done $0x0  }
0x98: {  	s1 =	rddreg [dreg:$0x6];
	[sflag:s6] =	ssyncadd.s32 $0xFFFFC000  }
0x99: {  	[hbm4b:s1+s2] =	stream.linear.scatter [tilespmem:s5], [sflag:$0x3], $0x4000, $0x38;
	[tilespmem:$0x8C00] =	vst v63  }
0x9a: {  	_ =	swait.ge [sflag:s4], $0x4000  }
0x9b: {  	[sflag:s4] =	ssyncset.done $0x0  }
0x9c: {  	[sflag:s4] =	ssyncadd.s32 $0xFFFFC000  }
0x9d: {  	[tilespmem:s9], [sflag:$0x1] =	stream.indirect.gather [hbm4b:s3+s8], $0x80, s20, s8, $0xb8;
	[tilespmem:$0x8C00] =	vst v63  }
0x9e: {  	_ =	swait.ge [sflag:s7], $0x4000  }
0x9f: {  	[sflag:s7] =	ssyncset.done $0x0  }
0xa0: {  	[sflag:s7] =	ssyncadd.s32 $0xFFFFC000  }
0xa1: {  	[tilespmem:s5], [sflag:$0x1] =	stream.indirect.gather [hbm4b:s3+s8], $0x80, s22, s8, $0xb8;
	[tilespmem:$0x8C00] =	vst v63  }
0xa2: {  	s1 =	rddreg [dreg:$0x13]  }
0xa3: {  	[hbm4b:s1+s2] =	stream.linear.scatter [tilespmem:s9], [sflag:$0x2], $0x4000, $0x38;
	[tilespmem:$0x8C00] =	vst v63  }
0xa4: {  	_ =	swait.ge [sflag:s7], $0x4000  }
0xa5: {  	[sflag:s7] =	ssyncset.done $0x0  }
0xa6: {  	[sflag:s7] =	ssyncadd.s32 $0xFFFFC000  }
0xa7: {  	_ =	swait.ge [sflag:s6], $0x4000  }
0xa8: {  	[sflag:s6] =	ssyncset.done $0x0  }
0xa9: {  	[sflag:s6] =	ssyncadd.s32 $0xFFFFC000  }
0xaa: {  	[tilespmem:s9], [sflag:$0x1] =	stream.indirect.gather [hbm4b:s3+s8], $0x80, s21, s8, $0xb8;
	[tilespmem:$0x8C00] =	vst v63  }
0xab: {  	s1 =	rddreg [dreg:$0x14]  }
0xac: {  	[hbm4b:s1+s2] =	stream.linear.scatter [tilespmem:s5], [sflag:$0x2], $0x4000, $0x38;
	[tilespmem:$0x8C00] =	vst v63  }
0xad: {  	_ =	swait.ge [sflag:s7], $0x4000  }
0xae: {  	[sflag:s7] =	ssyncset.done $0x0  }
0xaf: {  	[sflag:s7] =	ssyncadd.s32 $0xFFFFC000  }
0xb0: {  	_ =	swait.ge [sflag:s6], $0x4000  }
0xb1: {  	[sflag:s6] =	ssyncset.done $0x0  }
0xb2: {  	[sflag:s6] =	ssyncadd.s32 $0xFFFFC000  }
0xb3: {  	[tilespmem:s5], [sflag:$0x1] =	stream.indirect.gather [hbm4b:s3+s8], $0x80, s18, s8, $0xb8;
	[tilespmem:$0x8C00] =	vst v63  }
0xb4: {  	s1 =	rddreg [dreg:$0x15]  }
0xb5: {  	[hbm4b:s1+s2] =	stream.linear.scatter [tilespmem:s9], [sflag:$0x2], $0x4000, $0x38;
	[tilespmem:$0x8C00] =	vst v63  }
0xb6: {  	_ =	swait.ge [sflag:s7], $0x4000  }
0xb7: {  	[sflag:s7] =	ssyncset.done $0x0  }
0xb8: {  	[sflag:s7] =	ssyncadd.s32 $0xFFFFC000  }
0xb9: {  	_ =	swait.ge [sflag:s6], $0x4000  }
0xba: {  	[sflag:s6] =	ssyncset.done $0x0  }
0xbb: {  	[sflag:s6] =	ssyncadd.s32 $0xFFFFC000  }
0xbc: {  	[tilespmem:s9], [sflag:$0x1] =	stream.indirect.gather [hbm4b:s3+s8], $0x80, s17, s8, $0xb8;
	[tilespmem:$0x8C00] =	vst v63  }
0xbd: {  	s1 =	rddreg [dreg:$0x16]  }
0xbe: {  	[hbm4b:s1+s2] =	stream.linear.scatter [tilespmem:s5], [sflag:$0x2], $0x4000, $0x38;
	[tilespmem:$0x8C00] =	vst v63  }
0xbf: {  	_ =	swait.ge [sflag:s7], $0x4000  }
0xc0: {  	[sflag:s7] =	ssyncset.done $0x0  }
0xc1: {  	[sflag:s7] =	ssyncadd.s32 $0xFFFFC000  }
0xc2: {  	_ =	swait.ge [sflag:s6], $0x4000  }
0xc3: {  	[sflag:s6] =	ssyncset.done $0x0  }
0xc4: {  	[sflag:s6] =	ssyncadd.s32 $0xFFFFC000  }
0xc5: {  	[tilespmem:s5], [sflag:$0x1] =	stream.indirect.gather [hbm4b:s3+s8], $0x80, s16, s8, $0xb8;
	[tilespmem:$0x8C00] =	vst v63  }
0xc6: {  	s1 =	rddreg [dreg:$0x17]  }
0xc7: {  	[hbm4b:s1+s2] =	stream.linear.scatter [tilespmem:s9], [sflag:$0x2], $0x4000, $0x38;
	[tilespmem:$0x8C00] =	vst v63  }
0xc8: {  	_ =	swait.ge [sflag:s7], $0x4000  }
0xc9: {  	[sflag:s7] =	ssyncset.done $0x0  }
0xca: {  	[sflag:s7] =	ssyncadd.s32 $0xFFFFC000  }
0xcb: {  	_ =	swait.ge [sflag:s6], $0x4000  }
0xcc: {  	[sflag:s6] =	ssyncset.done $0x0  }
0xcd: {  	[sflag:s6] =	ssyncadd.s32 $0xFFFFC000  }
0xce: {  	[tilespmem:s9], [sflag:$0x1] =	stream.indirect.gather [hbm4b:s3+s8], $0x80, s15, s8, $0xb8;
	[tilespmem:$0x8C00] =	vst v63  }
0xcf: {  	s1 =	rddreg [dreg:$0x18]  }
0xd0: {  	[hbm4b:s1+s2] =	stream.linear.scatter [tilespmem:s5], [sflag:$0x2], $0x4000, $0x38;
	[tilespmem:$0x8C00] =	vst v63  }
0xd1: {  	_ =	swait.ge [sflag:s7], $0x4000  }
0xd2: {  	[sflag:s7] =	ssyncset.done $0x0  }
0xd3: {  	[sflag:s7] =	ssyncadd.s32 $0xFFFFC000  }
0xd4: {  	_ =	swait.ge [sflag:s6], $0x4000  }
0xd5: {  	[sflag:s6] =	ssyncset.done $0x0  }
0xd6: {  	[sflag:s6] =	ssyncadd.s32 $0xFFFFC000  }
0xd7: {  	[tilespmem:s5], [sflag:$0x1] =	stream.indirect.gather [hbm4b:s3+s8], $0x80, s14, s8, $0xb8;
	[tilespmem:$0x8C00] =	vst v63  }
0xd8: {  	s1 =	rddreg [dreg:$0x19]  }
0xd9: {  	[hbm4b:s1+s2] =	stream.linear.scatter [tilespmem:s9], [sflag:$0x2], $0x4000, $0x38;
	[tilespmem:$0x8C00] =	vst v63  }
0xda: {  	_ =	swait.ge [sflag:s7], $0x4000  }
0xdb: {  	[sflag:s7] =	ssyncset.done $0x0  }
0xdc: {  	[sflag:s7] =	ssyncadd.s32 $0xFFFFC000  }
0xdd: {  	_ =	swait.ge [sflag:s6], $0x4000  }
0xde: {  	[sflag:s6] =	ssyncset.done $0x0  }
0xdf: {  	[sflag:s6] =	ssyncadd.s32 $0xFFFFC000  }
0xe0: {  	[tilespmem:s9], [sflag:$0x1] =	stream.indirect.gather [hbm4b:s3+s8], $0x80, s13, s8, $0xb8;
	[tilespmem:$0x8C00] =	vst v63  }
0xe1: {  	s1 =	rddreg [dreg:$0x1a]  }
0xe2: {  	[hbm4b:s1+s2] =	stream.linear.scatter [tilespmem:s5], [sflag:$0x2], $0x4000, $0x38;
	[tilespmem:$0x8C00] =	vst v63  }
0xe3: {  	_ =	swait.ge [sflag:s7], $0x4000  }
0xe4: {  	[sflag:s7] =	ssyncset.done $0x0  }
0xe5: {  	[sflag:s7] =	ssyncadd.s32 $0xFFFFC000  }
0xe6: {  	_ =	swait.ge [sflag:s6], $0x4000  }
0xe7: {  	[sflag:s6] =	ssyncset.done $0x0  }
0xe8: {  	[sflag:s6] =	ssyncadd.s32 $0xFFFFC000  }
0xe9: {  	[tilespmem:s5], [sflag:$0x1] =	stream.indirect.gather [hbm4b:s3+s8], $0x80, s12, s8, $0xb8;
	[tilespmem:$0x8C00] =	vst v63  }
0xea: {  	s1 =	rddreg [dreg:$0x1b]  }
0xeb: {  	[hbm4b:s1+s2] =	stream.linear.scatter [tilespmem:s9], [sflag:$0x2], $0x4000, $0x38;
	[tilespmem:$0x8C00] =	vst v63  }
0xec: {  	_ =	swait.ge [sflag:s7], $0x4000  }
0xed: {  	[sflag:s7] =	ssyncset.done $0x0  }
0xee: {  	[sflag:s7] =	ssyncadd.s32 $0xFFFFC000  }
0xef: {  	_ =	swait.ge [sflag:s6], $0x4000  }
0xf0: {  	[sflag:s6] =	ssyncset.done $0x0  }
0xf1: {  	[sflag:s6] =	ssyncadd.s32 $0xFFFFC000  }
0xf2: {  	[tilespmem:s9], [sflag:$0x1] =	stream.indirect.gather [hbm4b:s3+s8], $0x80, s11, s8, $0xb8;
	[tilespmem:$0x8C00] =	vst v63  }
0xf3: {  	s1 =	rddreg [dreg:$0x1c]  }
0xf4: {  	[hbm4b:s1+s2] =	stream.linear.scatter [tilespmem:s5], [sflag:$0x2], $0x4000, $0x38;
	[tilespmem:$0x8C00] =	vst v63  }
0xf5: {  	_ =	swait.ge [sflag:s7], $0x4000  }
0xf6: {  	[sflag:s7] =	ssyncset.done $0x0  }
0xf7: {  	[sflag:s7] =	ssyncadd.s32 $0xFFFFC000  }
0xf8: {  	_ =	swait.ge [sflag:s6], $0x4000  }
0xf9: {  	[sflag:s6] =	ssyncset.done $0x0  }
0xfa: {  	[sflag:s6] =	ssyncadd.s32 $0xFFFFC000  }
0xfb: {  	[tilespmem:s5], [sflag:$0x1] =	stream.indirect.gather [hbm4b:s3+s8], $0x80, s10, s8, $0xb8;
	[tilespmem:$0x8C00] =	vst v63  }
0xfc: {  	s1 =	rddreg [dreg:$0x7]  }
0xfd: {  	[hbm4b:s1+s2] =	stream.linear.scatter [tilespmem:s9], [sflag:$0x2], $0x4000, $0x38;
	[tilespmem:$0x8C00] =	vst v63  }
0xfe: {  	_ =	swait.ge [sflag:s7], $0x4000  }
0xff: {  	[sflag:s7] =	ssyncset.done $0x0  }
0x100: {  	[sflag:s7] =	ssyncadd.s32 $0xFFFFC000  }
0x101: {  	_ =	swait.ge [sflag:s6], $0x4000  }
0x102: {  	[sflag:s6] =	ssyncset.done $0x0  }
0x103: {  	s1 =	rddreg [dreg:$0x8];
	[sflag:s6] =	ssyncadd.s32 $0xFFFFC000  }
0x104: {  	[hbm4b:s1+s2] =	stream.linear.scatter [tilespmem:s5], [sflag:$0x3], $0x4000, $0x38;
	[tilespmem:$0x8C00] =	vst v63  }
0x105: {  	s1 =	rddreg [dreg:$0x1f]  }
0x106: {  	p1 =	sne.s32 s1, $0x1  }
.Ltmp1:
0x107: {  	_ = 	snop;
	(pc) =	sbr.rel @!p1 .LBB2_3-.Ltmp1, $3  }
0x108: {  	_ =	sdelay $0x1  }
0x109: {  	p0 =	por $0x1, $0x1;
	_ =	swait.ge [sflag:s4], $0x4000  }
0x10a: {  	s1 =	sadd.s32 $0xFFFFFFFF, s1;
	s0 =	rddreg [dreg:$0x3];
	[sflag:s4] =	ssyncset.done $0x0  }
.LBB2_2:
0x10b: {  	[sflag:s4] =	ssyncadd.s32 $0xFFFFC000  }
0x10c: {  	[tilespmem:s2], [sflag:$0x3] =	stream.linear.gather [hbm4b:s0+s2], $0x600, $0x38;
	[tilespmem:$0x8C00] =	vst v63  }
0x10d: {  	_ =	swait.ge [sflag:s4], $0x600  }
0x10e: {  	[sflag:s4] =	ssyncset.done $0x0  }
0x10f: {  	s10 =	rddreg [dreg:$0x4];
	[sflag:s4] =	ssyncadd.s32 $0xFFFFFA00  }
0x110: {  	[tilespmem:s20], [sflag:$0x3] =	stream.linear.gather [hbm4b:s10+s2], $0x600, $0x38;
	[tilespmem:$0x8C00] =	vst v63  }
0x111: {  	_ =	swait.ge [sflag:s4], $0x600  }
0x112: {  	[sflag:s4] =	ssyncset.done $0x0  }
0x113: {  	[sflag:s4] =	ssyncadd.s32 $0xFFFFFA00  }
0x114: {  	[tilespmem:s9], [sflag:$0x1] =	stream.indirect.gather [hbm4b:s19+s8], $0x80, s2, s8, $0xb8;
	[tilespmem:$0x8C00] =	vst v63  }
0x115: {  	_ =	swait.ge [sflag:s7], $0x4000  }
0x116: {  	[sflag:s7] =	ssyncset.done $0x0  }
0x117: {  	[sflag:s7] =	ssyncadd.s32 $0xFFFFC000  }
0x118: {  	[tilespmem:s5], [sflag:$0x1] =	stream.indirect.gather [hbm4b:s19+s8], $0x80, s8, s8, $0xb8;
	[tilespmem:$0x8C00] =	vst v63  }
0x119: {  	s10 =	rddreg [dreg:$0x9]  }
0x11a: {  	[hbm4b:s10+s2] =	stream.linear.scatter [tilespmem:s9], [sflag:$0x2], $0x4000, $0x38;
	[tilespmem:$0x8C00] =	vst v63  }
0x11b: {  	_ =	swait.ge [sflag:s7], $0x4000  }
0x11c: {  	[sflag:s7] =	ssyncset.done $0x0  }
0x11d: {  	[sflag:s7] =	ssyncadd.s32 $0xFFFFC000  }
0x11e: {  	_ =	swait.ge [sflag:s6], $0x4000  }
0x11f: {  	[sflag:s6] =	ssyncset.done $0x0  }
0x120: {  	s0 =	rddreg [dreg:$0x1d];
	[sflag:s6] =	ssyncadd.s32 $0xFFFFC000  }
0x121: {  	[tilespmem:s9], [sflag:$0x1] =	stream.indirect.gather [hbm4b:s19+s8], $0x80, s0, s8, $0xb8;
	[tilespmem:$0x8C00] =	vst v63  }
0x122: {  	s10 =	rddreg [dreg:$0xa]  }
0x123: {  	[hbm4b:s10+s2] =	stream.linear.scatter [tilespmem:s5], [sflag:$0x2], $0x4000, $0x38;
	[tilespmem:$0x8C00] =	vst v63  }
0x124: {  	_ =	swait.ge [sflag:s7], $0x4000  }
0x125: {  	[sflag:s7] =	ssyncset.done $0x0  }
0x126: {  	[sflag:s7] =	ssyncadd.s32 $0xFFFFC000  }
0x127: {  	_ =	swait.ge [sflag:s6], $0x4000  }
0x128: {  	[sflag:s6] =	ssyncset.done $0x0  }
0x129: {  	s0 =	rddreg [dreg:$0x1e];
	[sflag:s6] =	ssyncadd.s32 $0xFFFFC000  }
0x12a: {  	[tilespmem:s5], [sflag:$0x1] =	stream.indirect.gather [hbm4b:s19+s8], $0x80, s0, s8, $0xb8;
	[tilespmem:$0x8C00] =	vst v63  }
0x12b: {  	s10 =	rddreg [dreg:$0xb]  }
0x12c: {  	[hbm4b:s10+s2] =	stream.linear.scatter [tilespmem:s9], [sflag:$0x2], $0x4000, $0x38;
	[tilespmem:$0x8C00] =	vst v63  }
0x12d: {  	_ =	swait.ge [sflag:s7], $0x4000  }
0x12e: {  	[sflag:s7] =	ssyncset.done $0x0  }
0x12f: {  	[sflag:s7] =	ssyncadd.s32 $0xFFFFC000  }
0x130: {  	_ =	swait.ge [sflag:s6], $0x4000  }
0x131: {  	[sflag:s6] =	ssyncset.done $0x0  }
0x132: {  	[sflag:s6] =	ssyncadd.s32 $0xFFFFC000  }
0x133: {  	[tilespmem:s9], [sflag:$0x1] =	stream.indirect.gather [hbm4b:s19+s8], $0x80, s31, s8, $0xb8;
	[tilespmem:$0x8C00] =	vst v63  }
0x134: {  	s0 =	rddreg [dreg:$0xc]  }
0x135: {  	[hbm4b:s0+s2] =	stream.linear.scatter [tilespmem:s5], [sflag:$0x2], $0x4000, $0x38;
	[tilespmem:$0x8C00] =	vst v63  }
0x136: {  	_ =	swait.ge [sflag:s7], $0x4000  }
0x137: {  	[sflag:s7] =	ssyncset.done $0x0  }
0x138: {  	[sflag:s7] =	ssyncadd.s32 $0xFFFFC000  }
0x139: {  	_ =	swait.ge [sflag:s6], $0x4000  }
0x13a: {  	[sflag:s6] =	ssyncset.done $0x0  }
0x13b: {  	[sflag:s6] =	ssyncadd.s32 $0xFFFFC000  }
0x13c: {  	[tilespmem:s5], [sflag:$0x1] =	stream.indirect.gather [hbm4b:s19+s8], $0x80, s30, s8, $0xb8;
	[tilespmem:$0x8C00] =	vst v63  }
0x13d: {  	s0 =	rddreg [dreg:$0xd]  }
0x13e: {  	[hbm4b:s0+s2] =	stream.linear.scatter [tilespmem:s9], [sflag:$0x2], $0x4000, $0x38;
	[tilespmem:$0x8C00] =	vst v63  }
0x13f: {  	_ =	swait.ge [sflag:s7], $0x4000  }
0x140: {  	[sflag:s7] =	ssyncset.done $0x0  }
0x141: {  	[sflag:s7] =	ssyncadd.s32 $0xFFFFC000  }
0x142: {  	_ =	swait.ge [sflag:s6], $0x4000  }
0x143: {  	[sflag:s6] =	ssyncset.done $0x0  }
0x144: {  	[sflag:s6] =	ssyncadd.s32 $0xFFFFC000  }
0x145: {  	[tilespmem:s9], [sflag:$0x1] =	stream.indirect.gather [hbm4b:s19+s8], $0x80, s29, s8, $0xb8;
	[tilespmem:$0x8C00] =	vst v63  }
0x146: {  	s0 =	rddreg [dreg:$0xe]  }
0x147: {  	[hbm4b:s0+s2] =	stream.linear.scatter [tilespmem:s5], [sflag:$0x2], $0x4000, $0x38;
	[tilespmem:$0x8C00] =	vst v63  }
0x148: {  	_ =	swait.ge [sflag:s7], $0x4000  }
0x149: {  	[sflag:s7] =	ssyncset.done $0x0  }
0x14a: {  	[sflag:s7] =	ssyncadd.s32 $0xFFFFC000  }
0x14b: {  	_ =	swait.ge [sflag:s6], $0x4000  }
0x14c: {  	[sflag:s6] =	ssyncset.done $0x0  }
0x14d: {  	[sflag:s6] =	ssyncadd.s32 $0xFFFFC000  }
0x14e: {  	[tilespmem:s5], [sflag:$0x1] =	stream.indirect.gather [hbm4b:s19+s8], $0x80, s28, s8, $0xb8;
	[tilespmem:$0x8C00] =	vst v63  }
0x14f: {  	s0 =	rddreg [dreg:$0xf]  }
0x150: {  	[hbm4b:s0+s2] =	stream.linear.scatter [tilespmem:s9], [sflag:$0x2], $0x4000, $0x38;
	[tilespmem:$0x8C00] =	vst v63  }
0x151: {  	_ =	swait.ge [sflag:s7], $0x4000  }
0x152: {  	[sflag:s7] =	ssyncset.done $0x0  }
0x153: {  	[sflag:s7] =	ssyncadd.s32 $0xFFFFC000  }
0x154: {  	_ =	swait.ge [sflag:s6], $0x4000  }
0x155: {  	[sflag:s6] =	ssyncset.done $0x0  }
0x156: {  	[sflag:s6] =	ssyncadd.s32 $0xFFFFC000  }
0x157: {  	[tilespmem:s9], [sflag:$0x1] =	stream.indirect.gather [hbm4b:s19+s8], $0x80, s26, s8, $0xb8;
	[tilespmem:$0x8C00] =	vst v63  }
0x158: {  	s0 =	rddreg [dreg:$0x10]  }
0x159: {  	[hbm4b:s0+s2] =	stream.linear.scatter [tilespmem:s5], [sflag:$0x2], $0x4000, $0x38;
	[tilespmem:$0x8C00] =	vst v63  }
0x15a: {  	_ =	swait.ge [sflag:s7], $0x4000  }
0x15b: {  	[sflag:s7] =	ssyncset.done $0x0  }
0x15c: {  	[sflag:s7] =	ssyncadd.s32 $0xFFFFC000  }
0x15d: {  	_ =	swait.ge [sflag:s6], $0x4000  }
0x15e: {  	[sflag:s6] =	ssyncset.done $0x0  }
0x15f: {  	[sflag:s6] =	ssyncadd.s32 $0xFFFFC000  }
0x160: {  	[tilespmem:s5], [sflag:$0x1] =	stream.indirect.gather [hbm4b:s19+s8], $0x80, s25, s8, $0xb8;
	[tilespmem:$0x8C00] =	vst v63  }
0x161: {  	s0 =	rddreg [dreg:$0x11]  }
0x162: {  	[hbm4b:s0+s2] =	stream.linear.scatter [tilespmem:s9], [sflag:$0x2], $0x4000, $0x38;
	[tilespmem:$0x8C00] =	vst v63  }
0x163: {  	_ =	swait.ge [sflag:s7], $0x4000  }
0x164: {  	[sflag:s7] =	ssyncset.done $0x0  }
0x165: {  	[sflag:s7] =	ssyncadd.s32 $0xFFFFC000  }
0x166: {  	_ =	swait.ge [sflag:s6], $0x4000  }
0x167: {  	[sflag:s6] =	ssyncset.done $0x0  }
0x168: {  	[sflag:s6] =	ssyncadd.s32 $0xFFFFC000  }
0x169: {  	[tilespmem:s9], [sflag:$0x1] =	stream.indirect.gather [hbm4b:s19+s8], $0x80, s24, s8, $0xb8;
	[tilespmem:$0x8C00] =	vst v63  }
0x16a: {  	s0 =	rddreg [dreg:$0x12]  }
0x16b: {  	[hbm4b:s0+s2] =	stream.linear.scatter [tilespmem:s5], [sflag:$0x2], $0x4000, $0x38;
	[tilespmem:$0x8C00] =	vst v63  }
0x16c: {  	_ =	swait.ge [sflag:s7], $0x4000  }
0x16d: {  	[sflag:s7] =	ssyncset.done $0x0  }
0x16e: {  	[sflag:s7] =	ssyncadd.s32 $0xFFFFC000  }
0x16f: {  	_ =	swait.ge [sflag:s6], $0x4000  }
0x170: {  	[sflag:s6] =	ssyncset.done $0x0  }
0x171: {  	[sflag:s6] =	ssyncadd.s32 $0xFFFFC000  }
0x172: {  	[tilespmem:s5], [sflag:$0x1] =	stream.indirect.gather [hbm4b:s19+s8], $0x80, s23, s8, $0xb8;
	[tilespmem:$0x8C00] =	vst v63  }
0x173: {  	s0 =	rddreg [dreg:$0x5]  }
0x174: {  	[hbm4b:s0+s2] =	stream.linear.scatter [tilespmem:s9], [sflag:$0x2], $0x4000, $0x38;
	[tilespmem:$0x8C00] =	vst v63  }
0x175: {  	_ =	swait.ge [sflag:s7], $0x4000  }
0x176: {  	[sflag:s7] =	ssyncset.done $0x0  }
0x177: {  	[sflag:s7] =	ssyncadd.s32 $0xFFFFC000  }
0x178: {  	_ =	swait.ge [sflag:s6], $0x4000  }
0x179: {  	[sflag:s6] =	ssyncset.done $0x0  }
0x17a: {  	s0 =	rddreg [dreg:$0x6];
	[sflag:s6] =	ssyncadd.s32 $0xFFFFC000  }
0x17b: {  	[hbm4b:s0+s2] =	stream.linear.scatter [tilespmem:s5], [sflag:$0x3], $0x4000, $0x38;
	[tilespmem:$0x8C00] =	vst v63  }
0x17c: {  	_ =	swait.ge [sflag:s4], $0x4000  }
0x17d: {  	[sflag:s4] =	ssyncset.done $0x0  }
0x17e: {  	[sflag:s4] =	ssyncadd.s32 $0xFFFFC000  }
0x17f: {  	[tilespmem:s9], [sflag:$0x1] =	stream.indirect.gather [hbm4b:s3+s8], $0x80, s20, s8, $0xb8;
	[tilespmem:$0x8C00] =	vst v63  }
0x180: {  	_ =	swait.ge [sflag:s7], $0x4000  }
0x181: {  	[sflag:s7] =	ssyncset.done $0x0  }
0x182: {  	[sflag:s7] =	ssyncadd.s32 $0xFFFFC000  }
0x183: {  	[tilespmem:s5], [sflag:$0x1] =	stream.indirect.gather [hbm4b:s3+s8], $0x80, s22, s8, $0xb8;
	[tilespmem:$0x8C00] =	vst v63  }
0x184: {  	s0 =	rddreg [dreg:$0x13]  }
0x185: {  	[hbm4b:s0+s2] =	stream.linear.scatter [tilespmem:s9], [sflag:$0x2], $0x4000, $0x38;
	[tilespmem:$0x8C00] =	vst v63  }
0x186: {  	_ =	swait.ge [sflag:s7], $0x4000  }
0x187: {  	[sflag:s7] =	ssyncset.done $0x0  }
0x188: {  	[sflag:s7] =	ssyncadd.s32 $0xFFFFC000  }
0x189: {  	_ =	swait.ge [sflag:s6], $0x4000  }
0x18a: {  	[sflag:s6] =	ssyncset.done $0x0  }
0x18b: {  	[sflag:s6] =	ssyncadd.s32 $0xFFFFC000  }
0x18c: {  	[tilespmem:s9], [sflag:$0x1] =	stream.indirect.gather [hbm4b:s3+s8], $0x80, s21, s8, $0xb8;
	[tilespmem:$0x8C00] =	vst v63  }
0x18d: {  	s0 =	rddreg [dreg:$0x14]  }
0x18e: {  	[hbm4b:s0+s2] =	stream.linear.scatter [tilespmem:s5], [sflag:$0x2], $0x4000, $0x38;
	[tilespmem:$0x8C00] =	vst v63  }
0x18f: {  	_ =	swait.ge [sflag:s7], $0x4000  }
0x190: {  	[sflag:s7] =	ssyncset.done $0x0  }
0x191: {  	[sflag:s7] =	ssyncadd.s32 $0xFFFFC000  }
0x192: {  	_ =	swait.ge [sflag:s6], $0x4000  }
0x193: {  	[sflag:s6] =	ssyncset.done $0x0  }
0x194: {  	[sflag:s6] =	ssyncadd.s32 $0xFFFFC000  }
0x195: {  	[tilespmem:s5], [sflag:$0x1] =	stream.indirect.gather [hbm4b:s3+s8], $0x80, s18, s8, $0xb8;
	[tilespmem:$0x8C00] =	vst v63  }
0x196: {  	s0 =	rddreg [dreg:$0x15]  }
0x197: {  	[hbm4b:s0+s2] =	stream.linear.scatter [tilespmem:s9], [sflag:$0x2], $0x4000, $0x38;
	[tilespmem:$0x8C00] =	vst v63  }
0x198: {  	_ =	swait.ge [sflag:s7], $0x4000  }
0x199: {  	[sflag:s7] =	ssyncset.done $0x0  }
0x19a: {  	[sflag:s7] =	ssyncadd.s32 $0xFFFFC000  }
0x19b: {  	_ =	swait.ge [sflag:s6], $0x4000  }
0x19c: {  	[sflag:s6] =	ssyncset.done $0x0  }
0x19d: {  	[sflag:s6] =	ssyncadd.s32 $0xFFFFC000  }
0x19e: {  	[tilespmem:s9], [sflag:$0x1] =	stream.indirect.gather [hbm4b:s3+s8], $0x80, s17, s8, $0xb8;
	[tilespmem:$0x8C00] =	vst v63  }
0x19f: {  	s0 =	rddreg [dreg:$0x16]  }
0x1a0: {  	[hbm4b:s0+s2] =	stream.linear.scatter [tilespmem:s5], [sflag:$0x2], $0x4000, $0x38;
	[tilespmem:$0x8C00] =	vst v63  }
0x1a1: {  	_ =	swait.ge [sflag:s7], $0x4000  }
0x1a2: {  	[sflag:s7] =	ssyncset.done $0x0  }
0x1a3: {  	[sflag:s7] =	ssyncadd.s32 $0xFFFFC000  }
0x1a4: {  	_ =	swait.ge [sflag:s6], $0x4000  }
0x1a5: {  	[sflag:s6] =	ssyncset.done $0x0  }
0x1a6: {  	[sflag:s6] =	ssyncadd.s32 $0xFFFFC000  }
0x1a7: {  	[tilespmem:s5], [sflag:$0x1] =	stream.indirect.gather [hbm4b:s3+s8], $0x80, s16, s8, $0xb8;
	[tilespmem:$0x8C00] =	vst v63  }
0x1a8: {  	s0 =	rddreg [dreg:$0x17]  }
0x1a9: {  	[hbm4b:s0+s2] =	stream.linear.scatter [tilespmem:s9], [sflag:$0x2], $0x4000, $0x38;
	[tilespmem:$0x8C00] =	vst v63  }
0x1aa: {  	_ =	swait.ge [sflag:s7], $0x4000  }
0x1ab: {  	[sflag:s7] =	ssyncset.done $0x0  }
0x1ac: {  	[sflag:s7] =	ssyncadd.s32 $0xFFFFC000  }
0x1ad: {  	_ =	swait.ge [sflag:s6], $0x4000  }
0x1ae: {  	[sflag:s6] =	ssyncset.done $0x0  }
0x1af: {  	[sflag:s6] =	ssyncadd.s32 $0xFFFFC000  }
0x1b0: {  	[tilespmem:s9], [sflag:$0x1] =	stream.indirect.gather [hbm4b:s3+s8], $0x80, s15, s8, $0xb8;
	[tilespmem:$0x8C00] =	vst v63  }
0x1b1: {  	s0 =	rddreg [dreg:$0x18]  }
0x1b2: {  	[hbm4b:s0+s2] =	stream.linear.scatter [tilespmem:s5], [sflag:$0x2], $0x4000, $0x38;
	[tilespmem:$0x8C00] =	vst v63  }
0x1b3: {  	_ =	swait.ge [sflag:s7], $0x4000  }
0x1b4: {  	[sflag:s7] =	ssyncset.done $0x0  }
0x1b5: {  	[sflag:s7] =	ssyncadd.s32 $0xFFFFC000  }
0x1b6: {  	_ =	swait.ge [sflag:s6], $0x4000  }
0x1b7: {  	[sflag:s6] =	ssyncset.done $0x0  }
0x1b8: {  	[sflag:s6] =	ssyncadd.s32 $0xFFFFC000  }
0x1b9: {  	[tilespmem:s5], [sflag:$0x1] =	stream.indirect.gather [hbm4b:s3+s8], $0x80, s14, s8, $0xb8;
	[tilespmem:$0x8C00] =	vst v63  }
0x1ba: {  	s0 =	rddreg [dreg:$0x19]  }
0x1bb: {  	[hbm4b:s0+s2] =	stream.linear.scatter [tilespmem:s9], [sflag:$0x2], $0x4000, $0x38;
	[tilespmem:$0x8C00] =	vst v63  }
0x1bc: {  	_ =	swait.ge [sflag:s7], $0x4000  }
0x1bd: {  	[sflag:s7] =	ssyncset.done $0x0  }
0x1be: {  	[sflag:s7] =	ssyncadd.s32 $0xFFFFC000  }
0x1bf: {  	_ =	swait.ge [sflag:s6], $0x4000  }
0x1c0: {  	[sflag:s6] =	ssyncset.done $0x0  }
0x1c1: {  	[sflag:s6] =	ssyncadd.s32 $0xFFFFC000  }
0x1c2: {  	[tilespmem:s9], [sflag:$0x1] =	stream.indirect.gather [hbm4b:s3+s8], $0x80, s13, s8, $0xb8;
	[tilespmem:$0x8C00] =	vst v63  }
0x1c3: {  	s0 =	rddreg [dreg:$0x1a]  }
0x1c4: {  	[hbm4b:s0+s2] =	stream.linear.scatter [tilespmem:s5], [sflag:$0x2], $0x4000, $0x38;
	[tilespmem:$0x8C00] =	vst v63  }
0x1c5: {  	_ =	swait.ge [sflag:s7], $0x4000  }
0x1c6: {  	[sflag:s7] =	ssyncset.done $0x0  }
0x1c7: {  	[sflag:s7] =	ssyncadd.s32 $0xFFFFC000  }
0x1c8: {  	_ =	swait.ge [sflag:s6], $0x4000  }
0x1c9: {  	[sflag:s6] =	ssyncset.done $0x0  }
0x1ca: {  	[sflag:s6] =	ssyncadd.s32 $0xFFFFC000  }
0x1cb: {  	[tilespmem:s5], [sflag:$0x1] =	stream.indirect.gather [hbm4b:s3+s8], $0x80, s12, s8, $0xb8;
	[tilespmem:$0x8C00] =	vst v63  }
0x1cc: {  	s0 =	rddreg [dreg:$0x1b]  }
0x1cd: {  	[hbm4b:s0+s2] =	stream.linear.scatter [tilespmem:s9], [sflag:$0x2], $0x4000, $0x38;
	[tilespmem:$0x8C00] =	vst v63  }
0x1ce: {  	_ =	swait.ge [sflag:s7], $0x4000  }
0x1cf: {  	[sflag:s7] =	ssyncset.done $0x0  }
0x1d0: {  	[sflag:s7] =	ssyncadd.s32 $0xFFFFC000  }
0x1d1: {  	_ =	swait.ge [sflag:s6], $0x4000  }
0x1d2: {  	[sflag:s6] =	ssyncset.done $0x0  }
0x1d3: {  	[sflag:s6] =	ssyncadd.s32 $0xFFFFC000  }
0x1d4: {  	[tilespmem:s9], [sflag:$0x1] =	stream.indirect.gather [hbm4b:s3+s8], $0x80, s11, s8, $0xb8;
	[tilespmem:$0x8C00] =	vst v63  }
0x1d5: {  	s0 =	rddreg [dreg:$0x1c]  }
0x1d6: {  	[hbm4b:s0+s2] =	stream.linear.scatter [tilespmem:s5], [sflag:$0x2], $0x4000, $0x38;
	[tilespmem:$0x8C00] =	vst v63  }
0x1d7: {  	_ =	swait.ge [sflag:s7], $0x4000  }
0x1d8: {  	[sflag:s7] =	ssyncset.done $0x0  }
0x1d9: {  	[sflag:s7] =	ssyncadd.s32 $0xFFFFC000  }
0x1da: {  	_ =	swait.ge [sflag:s6], $0x4000  }
0x1db: {  	[sflag:s6] =	ssyncset.done $0x0  }
0x1dc: {  	s10 =	simm.s32 $0xB80;
	[sflag:s6] =	ssyncadd.s32 $0xFFFFC000  }
0x1dd: {  	[tilespmem:s5], [sflag:$0x1] =	stream.indirect.gather [hbm4b:s3+s8], $0x80, s10, s8, $0xb8;
	[tilespmem:$0x8C00] =	vst v63  }
0x1de: {  	s0 =	rddreg [dreg:$0x7]  }
0x1df: {  	[hbm4b:s0+s2] =	stream.linear.scatter [tilespmem:s9], [sflag:$0x2], $0x4000, $0x38;
	[tilespmem:$0x8C00] =	vst v63  }
0x1e0: {  	_ =	swait.ge [sflag:s7], $0x4000  }
0x1e1: {  	[sflag:s7] =	ssyncset.done $0x0  }
0x1e2: {  	[sflag:s7] =	ssyncadd.s32 $0xFFFFC000  }
0x1e3: {  	p1 =	sne.s32 s1, $0x1;
	_ =	swait.ge [sflag:s6], $0x4000  }
.Ltmp2:
0x1e4: {  	[sflag:s6] =	ssyncset.done $0x0;
	(pc) =	sbr.rel @p1 .LBB2_2-.Ltmp2, $4  }
0x1e5: {  	s0 =	rddreg [dreg:$0x8];
	[sflag:s6] =	ssyncadd.s32 $0xFFFFC000  }
0x1e6: {  	[hbm4b:s0+s2] =	stream.linear.scatter [tilespmem:s5], [sflag:$0x3], $0x4000, $0x38;
	[tilespmem:$0x8C00] =	vst v63  }
0x1e7: {  	_ =	swait.ge [sflag:s4], $0x4000  }
0x1e8: {  	s1 =	sadd.s32 $0xFFFFFFFF, s1;
	s0 =	rddreg [dreg:$0x3];
	[sflag:s4] =	ssyncset.done $0x0  }
.LBB2_3:
0x1e9: {  	[sflag:s4] =	ssyncadd.s32 @p0 $0xFFFFC000  }
0x1ea: {  	[tilespmem:s2], [sflag:$0x3] =	stream.linear.gather [hbm4b:s0+s2], $0x600, $0x38;
	[tilespmem:$0x8C00] =	vst v63  }
0x1eb: {  	_ =	swait.ge [sflag:s4], $0x600  }
0x1ec: {  	[sflag:s4] =	ssyncset.done $0x0  }
0x1ed: {  	s1 =	rddreg [dreg:$0x4];
	[sflag:s4] =	ssyncadd.s32 $0xFFFFFA00  }
0x1ee: {  	[tilespmem:s20], [sflag:$0x3] =	stream.linear.gather [hbm4b:s1+s2], $0x600, $0x38;
	[tilespmem:$0x8C00] =	vst v63  }
0x1ef: {  	_ =	swait.ge [sflag:s4], $0x600  }
0x1f0: {  	[sflag:s4] =	ssyncset.done $0x0  }
0x1f1: {  	[sflag:s4] =	ssyncadd.s32 $0xFFFFFA00  }
0x1f2: {  	[tilespmem:s9], [sflag:$0x1] =	stream.indirect.gather [hbm4b:s19+s8], $0x80, s2, s8, $0xb8;
	[tilespmem:$0x8C00] =	vst v63  }
0x1f3: {  	_ =	swait.ge [sflag:s7], $0x4000  }
0x1f4: {  	[sflag:s7] =	ssyncset.done $0x0  }
0x1f5: {  	[sflag:s7] =	ssyncadd.s32 $0xFFFFC000  }
0x1f6: {  	[tilespmem:s5], [sflag:$0x1] =	stream.indirect.gather [hbm4b:s19+s8], $0x80, s8, s8, $0xb8;
	[tilespmem:$0x8C00] =	vst v63  }
0x1f7: {  	s1 =	rddreg [dreg:$0x9]  }
0x1f8: {  	[hbm4b:s1+s2] =	stream.linear.scatter [tilespmem:s9], [sflag:$0x2], $0x4000, $0x38;
	[tilespmem:$0x8C00] =	vst v63  }
0x1f9: {  	_ =	swait.ge [sflag:s7], $0x4000  }
0x1fa: {  	[sflag:s7] =	ssyncset.done $0x0  }
0x1fb: {  	[sflag:s7] =	ssyncadd.s32 $0xFFFFC000  }
0x1fc: {  	_ =	swait.ge [sflag:s6], $0x4000  }
0x1fd: {  	[sflag:s6] =	ssyncset.done $0x0  }
0x1fe: {  	s0 =	rddreg [dreg:$0x1d];
	[sflag:s6] =	ssyncadd.s32 $0xFFFFC000  }
0x1ff: {  	[tilespmem:s9], [sflag:$0x1] =	stream.indirect.gather [hbm4b:s19+s8], $0x80, s0, s8, $0xb8;
	[tilespmem:$0x8C00] =	vst v63  }
0x200: {  	s1 =	rddreg [dreg:$0xa]  }
0x201: {  	[hbm4b:s1+s2] =	stream.linear.scatter [tilespmem:s5], [sflag:$0x2], $0x4000, $0x38;
	[tilespmem:$0x8C00] =	vst v63  }
0x202: {  	_ =	swait.ge [sflag:s7], $0x4000  }
0x203: {  	[sflag:s7] =	ssyncset.done $0x0  }
0x204: {  	[sflag:s7] =	ssyncadd.s32 $0xFFFFC000  }
0x205: {  	_ =	swait.ge [sflag:s6], $0x4000  }
0x206: {  	[sflag:s6] =	ssyncset.done $0x0  }
0x207: {  	s0 =	rddreg [dreg:$0x1e];
	[sflag:s6] =	ssyncadd.s32 $0xFFFFC000  }
0x208: {  	[tilespmem:s5], [sflag:$0x1] =	stream.indirect.gather [hbm4b:s19+s8], $0x80, s0, s8, $0xb8;
	[tilespmem:$0x8C00] =	vst v63  }
0x209: {  	s1 =	rddreg [dreg:$0xb]  }
0x20a: {  	[hbm4b:s1+s2] =	stream.linear.scatter [tilespmem:s9], [sflag:$0x2], $0x4000, $0x38;
	[tilespmem:$0x8C00] =	vst v63  }
0x20b: {  	_ =	swait.ge [sflag:s7], $0x4000  }
0x20c: {  	[sflag:s7] =	ssyncset.done $0x0  }
0x20d: {  	[sflag:s7] =	ssyncadd.s32 $0xFFFFC000  }
0x20e: {  	_ =	swait.ge [sflag:s6], $0x4000  }
0x20f: {  	[sflag:s6] =	ssyncset.done $0x0  }
0x210: {  	[sflag:s6] =	ssyncadd.s32 $0xFFFFC000  }
0x211: {  	[tilespmem:s9], [sflag:$0x1] =	stream.indirect.gather [hbm4b:s19+s8], $0x80, s31, s8, $0xb8;
	[tilespmem:$0x8C00] =	vst v63  }
0x212: {  	s1 =	rddreg [dreg:$0xc]  }
0x213: {  	[hbm4b:s1+s2] =	stream.linear.scatter [tilespmem:s5], [sflag:$0x2], $0x4000, $0x38;
	[tilespmem:$0x8C00] =	vst v63  }
0x214: {  	_ =	swait.ge [sflag:s7], $0x4000  }
0x215: {  	[sflag:s7] =	ssyncset.done $0x0  }
0x216: {  	[sflag:s7] =	ssyncadd.s32 $0xFFFFC000  }
0x217: {  	_ =	swait.ge [sflag:s6], $0x4000  }
0x218: {  	[sflag:s6] =	ssyncset.done $0x0  }
0x219: {  	[sflag:s6] =	ssyncadd.s32 $0xFFFFC000  }
0x21a: {  	[tilespmem:s5], [sflag:$0x1] =	stream.indirect.gather [hbm4b:s19+s8], $0x80, s30, s8, $0xb8;
	[tilespmem:$0x8C00] =	vst v63  }
0x21b: {  	s1 =	rddreg [dreg:$0xd]  }
0x21c: {  	[hbm4b:s1+s2] =	stream.linear.scatter [tilespmem:s9], [sflag:$0x2], $0x4000, $0x38;
	[tilespmem:$0x8C00] =	vst v63  }
0x21d: {  	_ =	swait.ge [sflag:s7], $0x4000  }
0x21e: {  	[sflag:s7] =	ssyncset.done $0x0  }
0x21f: {  	[sflag:s7] =	ssyncadd.s32 $0xFFFFC000  }
0x220: {  	_ =	swait.ge [sflag:s6], $0x4000  }
0x221: {  	[sflag:s6] =	ssyncset.done $0x0  }
0x222: {  	[sflag:s6] =	ssyncadd.s32 $0xFFFFC000  }
0x223: {  	[tilespmem:s9], [sflag:$0x1] =	stream.indirect.gather [hbm4b:s19+s8], $0x80, s29, s8, $0xb8;
	[tilespmem:$0x8C00] =	vst v63  }
0x224: {  	s30 =	rddreg [dreg:$0xe]  }
0x225: {  	[hbm4b:s30+s2] =	stream.linear.scatter [tilespmem:s5], [sflag:$0x2], $0x4000, $0x38;
	[tilespmem:$0x8C00] =	vst v63  }
0x226: {  	_ =	swait.ge [sflag:s7], $0x4000  }
0x227: {  	[sflag:s7] =	ssyncset.done $0x0  }
0x228: {  	[sflag:s7] =	ssyncadd.s32 $0xFFFFC000  }
0x229: {  	_ =	swait.ge [sflag:s6], $0x4000  }
0x22a: {  	[sflag:s6] =	ssyncset.done $0x0  }
0x22b: {  	[sflag:s6] =	ssyncadd.s32 $0xFFFFC000  }
0x22c: {  	[tilespmem:s5], [sflag:$0x1] =	stream.indirect.gather [hbm4b:s19+s8], $0x80, s28, s8, $0xb8;
	[tilespmem:$0x8C00] =	vst v63  }
0x22d: {  	s31 =	rddreg [dreg:$0xf]  }
0x22e: {  	[hbm4b:s31+s2] =	stream.linear.scatter [tilespmem:s9], [sflag:$0x2], $0x4000, $0x38;
	[tilespmem:$0x8C00] =	vst v63  }
0x22f: {  	_ =	swait.ge [sflag:s7], $0x4000  }
0x230: {  	[sflag:s7] =	ssyncset.done $0x0  }
0x231: {  	[sflag:s7] =	ssyncadd.s32 $0xFFFFC000  }
0x232: {  	_ =	swait.ge [sflag:s6], $0x4000  }
0x233: {  	[sflag:s6] =	ssyncset.done $0x0  }
0x234: {  	[sflag:s6] =	ssyncadd.s32 $0xFFFFC000  }
0x235: {  	[tilespmem:s9], [sflag:$0x1] =	stream.indirect.gather [hbm4b:s19+s8], $0x80, s26, s8, $0xb8;
	[tilespmem:$0x8C00] =	vst v63  }
0x236: {  	s1 =	rddreg [dreg:$0x10]  }
0x237: {  	[hbm4b:s1+s2] =	stream.linear.scatter [tilespmem:s5], [sflag:$0x2], $0x4000, $0x38;
	[tilespmem:$0x8C00] =	vst v63  }
0x238: {  	_ =	swait.ge [sflag:s7], $0x4000  }
0x239: {  	[sflag:s7] =	ssyncset.done $0x0  }
0x23a: {  	[sflag:s7] =	ssyncadd.s32 $0xFFFFC000  }
0x23b: {  	_ =	swait.ge [sflag:s6], $0x4000  }
0x23c: {  	[sflag:s6] =	ssyncset.done $0x0  }
0x23d: {  	[sflag:s6] =	ssyncadd.s32 $0xFFFFC000  }
0x23e: {  	[tilespmem:s5], [sflag:$0x1] =	stream.indirect.gather [hbm4b:s19+s8], $0x80, s25, s8, $0xb8;
	[tilespmem:$0x8C00] =	vst v63  }
0x23f: {  	s28 =	rddreg [dreg:$0x11]  }
0x240: {  	[hbm4b:s28+s2] =	stream.linear.scatter [tilespmem:s9], [sflag:$0x2], $0x4000, $0x38;
	[tilespmem:$0x8C00] =	vst v63  }
0x241: {  	_ =	swait.ge [sflag:s7], $0x4000  }
0x242: {  	[sflag:s7] =	ssyncset.done $0x0  }
0x243: {  	[sflag:s7] =	ssyncadd.s32 $0xFFFFC000  }
0x244: {  	_ =	swait.ge [sflag:s6], $0x4000  }
0x245: {  	[sflag:s6] =	ssyncset.done $0x0  }
0x246: {  	[sflag:s6] =	ssyncadd.s32 $0xFFFFC000  }
0x247: {  	[tilespmem:s9], [sflag:$0x1] =	stream.indirect.gather [hbm4b:s19+s8], $0x80, s24, s8, $0xb8;
	[tilespmem:$0x8C00] =	vst v63  }
0x248: {  	s29 =	rddreg [dreg:$0x12]  }
0x249: {  	[hbm4b:s29+s2] =	stream.linear.scatter [tilespmem:s5], [sflag:$0x2], $0x4000, $0x38;
	[tilespmem:$0x8C00] =	vst v63  }
0x24a: {  	_ =	swait.ge [sflag:s7], $0x4000  }
0x24b: {  	[sflag:s7] =	ssyncset.done $0x0  }
0x24c: {  	[sflag:s7] =	ssyncadd.s32 $0xFFFFC000  }
0x24d: {  	_ =	swait.ge [sflag:s6], $0x4000  }
0x24e: {  	[sflag:s6] =	ssyncset.done $0x0  }
0x24f: {  	[sflag:s6] =	ssyncadd.s32 $0xFFFFC000  }
0x250: {  	[tilespmem:s5], [sflag:$0x1] =	stream.indirect.gather [hbm4b:s19+s8], $0x80, s23, s8, $0xb8;
	[tilespmem:$0x8C00] =	vst v63  }
0x251: {  	s30 =	rddreg [dreg:$0x5]  }
0x252: {  	[hbm4b:s30+s2] =	stream.linear.scatter [tilespmem:s9], [sflag:$0x2], $0x4000, $0x38;
	[tilespmem:$0x8C00] =	vst v63  }
0x253: {  	_ =	swait.ge [sflag:s7], $0x4000  }
0x254: {  	[sflag:s7] =	ssyncset.done $0x0  }
0x255: {  	[sflag:s7] =	ssyncadd.s32 $0xFFFFC000  }
0x256: {  	_ =	swait.ge [sflag:s6], $0x4000  }
0x257: {  	[sflag:s6] =	ssyncset.done $0x0  }
0x258: {  	s31 =	rddreg [dreg:$0x6];
	[sflag:s6] =	ssyncadd.s32 $0xFFFFC000  }
0x259: {  	[hbm4b:s31+s2] =	stream.linear.scatter [tilespmem:s5], [sflag:$0x3], $0x4000, $0x38;
	[tilespmem:$0x8C00] =	vst v63  }
0x25a: {  	_ =	swait.ge [sflag:s4], $0x4000  }
0x25b: {  	[sflag:s4] =	ssyncset.done $0x0  }
0x25c: {  	[sflag:s4] =	ssyncadd.s32 $0xFFFFC000  }
0x25d: {  	[tilespmem:s9], [sflag:$0x1] =	stream.indirect.gather [hbm4b:s3+s8], $0x80, s20, s8, $0xb8;
	[tilespmem:$0x8C00] =	vst v63  }
0x25e: {  	_ =	swait.ge [sflag:s7], $0x4000  }
0x25f: {  	[sflag:s7] =	ssyncset.done $0x0  }
0x260: {  	[sflag:s7] =	ssyncadd.s32 $0xFFFFC000  }
0x261: {  	[tilespmem:s5], [sflag:$0x1] =	stream.indirect.gather [hbm4b:s3+s8], $0x80, s22, s8, $0xb8;
	[tilespmem:$0x8C00] =	vst v63  }
0x262: {  	s1 =	rddreg [dreg:$0x13]  }
0x263: {  	[hbm4b:s1+s2] =	stream.linear.scatter [tilespmem:s9], [sflag:$0x2], $0x4000, $0x38;
	[tilespmem:$0x8C00] =	vst v63  }
0x264: {  	_ =	swait.ge [sflag:s7], $0x4000  }
0x265: {  	[sflag:s7] =	ssyncset.done $0x0  }
0x266: {  	[sflag:s7] =	ssyncadd.s32 $0xFFFFC000  }
0x267: {  	_ =	swait.ge [sflag:s6], $0x4000  }
0x268: {  	[sflag:s6] =	ssyncset.done $0x0  }
0x269: {  	[sflag:s6] =	ssyncadd.s32 $0xFFFFC000  }
0x26a: {  	[tilespmem:s9], [sflag:$0x1] =	stream.indirect.gather [hbm4b:s3+s8], $0x80, s21, s8, $0xb8;
	[tilespmem:$0x8C00] =	vst v63  }
0x26b: {  	s19 =	rddreg [dreg:$0x14]  }
0x26c: {  	[hbm4b:s19+s2] =	stream.linear.scatter [tilespmem:s5], [sflag:$0x2], $0x4000, $0x38;
	[tilespmem:$0x8C00] =	vst v63  }
0x26d: {  	_ =	swait.ge [sflag:s7], $0x4000  }
0x26e: {  	[sflag:s7] =	ssyncset.done $0x0  }
0x26f: {  	[sflag:s7] =	ssyncadd.s32 $0xFFFFC000  }
0x270: {  	_ =	swait.ge [sflag:s6], $0x4000  }
0x271: {  	[sflag:s6] =	ssyncset.done $0x0  }
0x272: {  	[sflag:s6] =	ssyncadd.s32 $0xFFFFC000  }
0x273: {  	[tilespmem:s5], [sflag:$0x1] =	stream.indirect.gather [hbm4b:s3+s8], $0x80, s18, s8, $0xb8;
	[tilespmem:$0x8C00] =	vst v63  }
0x274: {  	s20 =	rddreg [dreg:$0x15]  }
0x275: {  	[hbm4b:s20+s2] =	stream.linear.scatter [tilespmem:s9], [sflag:$0x2], $0x4000, $0x38;
	[tilespmem:$0x8C00] =	vst v63  }
0x276: {  	_ =	swait.ge [sflag:s7], $0x4000  }
0x277: {  	[sflag:s7] =	ssyncset.done $0x0  }
0x278: {  	[sflag:s7] =	ssyncadd.s32 $0xFFFFC000  }
0x279: {  	_ =	swait.ge [sflag:s6], $0x4000  }
0x27a: {  	[sflag:s6] =	ssyncset.done $0x0  }
0x27b: {  	[sflag:s6] =	ssyncadd.s32 $0xFFFFC000  }
0x27c: {  	[tilespmem:s9], [sflag:$0x1] =	stream.indirect.gather [hbm4b:s3+s8], $0x80, s17, s8, $0xb8;
	[tilespmem:$0x8C00] =	vst v63  }
0x27d: {  	s21 =	rddreg [dreg:$0x16]  }
0x27e: {  	[hbm4b:s21+s2] =	stream.linear.scatter [tilespmem:s5], [sflag:$0x2], $0x4000, $0x38;
	[tilespmem:$0x8C00] =	vst v63  }
0x27f: {  	_ =	swait.ge [sflag:s7], $0x4000  }
0x280: {  	[sflag:s7] =	ssyncset.done $0x0  }
0x281: {  	[sflag:s7] =	ssyncadd.s32 $0xFFFFC000  }
0x282: {  	_ =	swait.ge [sflag:s6], $0x4000  }
0x283: {  	[sflag:s6] =	ssyncset.done $0x0  }
0x284: {  	[sflag:s6] =	ssyncadd.s32 $0xFFFFC000  }
0x285: {  	[tilespmem:s5], [sflag:$0x1] =	stream.indirect.gather [hbm4b:s3+s8], $0x80, s16, s8, $0xb8;
	[tilespmem:$0x8C00] =	vst v63  }
0x286: {  	s22 =	rddreg [dreg:$0x17]  }
0x287: {  	[hbm4b:s22+s2] =	stream.linear.scatter [tilespmem:s9], [sflag:$0x2], $0x4000, $0x38;
	[tilespmem:$0x8C00] =	vst v63  }
0x288: {  	_ =	swait.ge [sflag:s7], $0x4000  }
0x289: {  	[sflag:s7] =	ssyncset.done $0x0  }
0x28a: {  	[sflag:s7] =	ssyncadd.s32 $0xFFFFC000  }
0x28b: {  	_ =	swait.ge [sflag:s6], $0x4000  }
0x28c: {  	[sflag:s6] =	ssyncset.done $0x0  }
0x28d: {  	[sflag:s6] =	ssyncadd.s32 $0xFFFFC000  }
0x28e: {  	[tilespmem:s9], [sflag:$0x1] =	stream.indirect.gather [hbm4b:s3+s8], $0x80, s15, s8, $0xb8;
	[tilespmem:$0x8C00] =	vst v63  }
0x28f: {  	s23 =	rddreg [dreg:$0x18]  }
0x290: {  	[hbm4b:s23+s2] =	stream.linear.scatter [tilespmem:s5], [sflag:$0x2], $0x4000, $0x38;
	[tilespmem:$0x8C00] =	vst v63  }
0x291: {  	_ =	swait.ge [sflag:s7], $0x4000  }
0x292: {  	[sflag:s7] =	ssyncset.done $0x0  }
0x293: {  	[sflag:s7] =	ssyncadd.s32 $0xFFFFC000  }
0x294: {  	_ =	swait.ge [sflag:s6], $0x4000  }
0x295: {  	[sflag:s6] =	ssyncset.done $0x0  }
0x296: {  	[sflag:s6] =	ssyncadd.s32 $0xFFFFC000  }
0x297: {  	[tilespmem:s5], [sflag:$0x1] =	stream.indirect.gather [hbm4b:s3+s8], $0x80, s14, s8, $0xb8;
	[tilespmem:$0x8C00] =	vst v63  }
0x298: {  	s24 =	rddreg [dreg:$0x19]  }
0x299: {  	[hbm4b:s24+s2] =	stream.linear.scatter [tilespmem:s9], [sflag:$0x2], $0x4000, $0x38;
	[tilespmem:$0x8C00] =	vst v63  }
0x29a: {  	_ =	swait.ge [sflag:s7], $0x4000  }
0x29b: {  	[sflag:s7] =	ssyncset.done $0x0  }
0x29c: {  	[sflag:s7] =	ssyncadd.s32 $0xFFFFC000  }
0x29d: {  	_ =	swait.ge [sflag:s6], $0x4000  }
0x29e: {  	[sflag:s6] =	ssyncset.done $0x0  }
0x29f: {  	[sflag:s6] =	ssyncadd.s32 $0xFFFFC000  }
0x2a0: {  	[tilespmem:s9], [sflag:$0x1] =	stream.indirect.gather [hbm4b:s3+s8], $0x80, s13, s8, $0xb8;
	[tilespmem:$0x8C00] =	vst v63  }
0x2a1: {  	s25 =	rddreg [dreg:$0x1a]  }
0x2a2: {  	[hbm4b:s25+s2] =	stream.linear.scatter [tilespmem:s5], [sflag:$0x2], $0x4000, $0x38;
	[tilespmem:$0x8C00] =	vst v63  }
0x2a3: {  	_ =	swait.ge [sflag:s7], $0x4000  }
0x2a4: {  	[sflag:s7] =	ssyncset.done $0x0  }
0x2a5: {  	[sflag:s7] =	ssyncadd.s32 $0xFFFFC000  }
0x2a6: {  	_ =	swait.ge [sflag:s6], $0x4000  }
0x2a7: {  	[sflag:s6] =	ssyncset.done $0x0  }
0x2a8: {  	[sflag:s6] =	ssyncadd.s32 $0xFFFFC000  }
0x2a9: {  	[tilespmem:s5], [sflag:$0x1] =	stream.indirect.gather [hbm4b:s3+s8], $0x80, s12, s8, $0xb8;
	[tilespmem:$0x8C00] =	vst v63  }
0x2aa: {  	s26 =	rddreg [dreg:$0x1b]  }
0x2ab: {  	[hbm4b:s26+s2] =	stream.linear.scatter [tilespmem:s9], [sflag:$0x2], $0x4000, $0x38;
	[tilespmem:$0x8C00] =	vst v63  }
0x2ac: {  	_ =	swait.ge [sflag:s7], $0x4000  }
0x2ad: {  	[sflag:s7] =	ssyncset.done $0x0  }
0x2ae: {  	[sflag:s7] =	ssyncadd.s32 $0xFFFFC000  }
0x2af: {  	_ =	swait.ge [sflag:s6], $0x4000  }
0x2b0: {  	[sflag:s6] =	ssyncset.done $0x0  }
0x2b1: {  	[sflag:s6] =	ssyncadd.s32 $0xFFFFC000  }
0x2b2: {  	[tilespmem:s9], [sflag:$0x1] =	stream.indirect.gather [hbm4b:s3+s8], $0x80, s11, s8, $0xb8;
	[tilespmem:$0x8C00] =	vst v63  }
0x2b3: {  	s28 =	rddreg [dreg:$0x1c]  }
0x2b4: {  	[hbm4b:s28+s2] =	stream.linear.scatter [tilespmem:s5], [sflag:$0x2], $0x4000, $0x38;
	[tilespmem:$0x8C00] =	vst v63  }
0x2b5: {  	_ =	swait.ge [sflag:s7], $0x4000  }
0x2b6: {  	[sflag:s7] =	ssyncset.done $0x0  }
0x2b7: {  	[sflag:s7] =	ssyncadd.s32 $0xFFFFC000  }
0x2b8: {  	_ =	swait.ge [sflag:s6], $0x4000  }
0x2b9: {  	[sflag:s6] =	ssyncset.done $0x0  }
0x2ba: {  	[sflag:s6] =	ssyncadd.s32 $0xFFFFC000  }
0x2bb: {  	[tilespmem:s5], [sflag:$0x1] =	stream.indirect.gather [hbm4b:s3+s8], $0x80, s10, s8, $0xb8;
	[tilespmem:$0x8C00] =	vst v63  }
0x2bc: {  	s29 =	rddreg [dreg:$0x7]  }
0x2bd: {  	[hbm4b:s29+s2] =	stream.linear.scatter [tilespmem:s9], [sflag:$0x2], $0x4000, $0x38;
	[tilespmem:$0x8C00] =	vst v63  }
0x2be: {  	_ =	swait.ge [sflag:s7], $0x4000  }
0x2bf: {  	[sflag:s7] =	ssyncset.done $0x0  }
0x2c0: {  	[sflag:s7] =	ssyncadd.s32 $0xFFFFC000  }
0x2c1: {  	_ =	swait.ge [sflag:s6], $0x4000  }
0x2c2: {  	[sflag:s6] =	ssyncset.done $0x0  }
0x2c3: {  	s30 =	rddreg [dreg:$0x8];
	[sflag:s6] =	ssyncadd.s32 $0xFFFFC000  }
0x2c4: {  	[hbm4b:s30+s2] =	stream.linear.scatter [tilespmem:s5], [sflag:$0x3], $0x4000, $0x38;
	[tilespmem:$0x8C00] =	vst v63  }
0x2c5: {  	_ =	swait.ge [sflag:s4], $0x4000  }
0x2c6: {  	[sflag:s4] =	ssyncset.done $0x0  }
0x2c7: {  	[sflag:s4] =	ssyncadd.s32 $0xFFFFC000  }
0x2c8: {  	_ =	sfence.sel $0x180000  }
0x2c9: {  	[bflag:$0x0] =	sbarrier.arrive $0xFFFF  }
0x2ca: {  	_ =	strace $0x9000004A  }
0x2cb: {  	s31 =	stileid.u32;
	[bflag:$0x2] =	sbarrier.arrive $0xFFFF  }
0x2cc: {  	p0 =	sne.s32 s31, $0x0;
	s0 =	rddreg [dreg:$0x2]  }
0x2cd: {  	s0 =	sadd.s32 @!p0 $0x100000, s0  }
0x2ce: {  	[sflag:s0] =	ssyncadd.tile.s32 @!p0 $0x1;
	_ =	shalt  }
.Lfunc_end2:
_tile_overlayer_lowered:
.L_overlay_start_2:
0x2cf: {  	(tag) =	ssettag $0x2  }
0x2d0: {  	s0 =	rddreg [dreg:$0x0];
	s2 =	stileid.u32  }
0x2d1: {  	s1 =	rddreg [dreg:$0x1];
	p0 =	sne.s32 s2, $0x0  }
0x2d2: {  	s3 =	rddreg [dreg:$0x2];
	[bflag:$0x3] =	sbarrier.arrive $0xFFFF;
	s2 =	simm.s32 @!p0 $0x1C03  }
0x2d3: {  	[timem:s3], [sflag:s2] =	dma.local @!p0 [hbm:s0], s1  }
0x2d4: {  	s0 =	simm.s32 @!p0 $0x3  }
0x2d5: {  	_ =	swait.ge @!p0 [sflag:s0], s1  }
0x2d6: {  	s1 =	ssub.s32 @!p0 $0x0, s1;
	[sflag:s0] =	ssyncset.done @!p0 $0x0  }
0x2d7: {  	[sflag:s0] =	ssyncadd.s32 @!p0 s1  }
0x2d8: {  	[bflag:$0x3] =	sbarrier.arrive $0xFFFF  }
0x2d9: {  	_ =	shalt  }

// kernel: kernel.8.cloned.1.call-start
scs
__scs_entry_jumppad:
0x0: {  	(pc) =	sbr.rel $0x88, $3  }
0x1: {  	(tag) =	ssettag $0x0;
	lr =	simm.s32 $0x1  }
0x2: {  	[smem:$0x3F8A] =	sst lr;
	_ =	strace $0xD0000000  }
0x3: {  	_ = 	snop  }
0x4: {  	_ = 	snop  }
0x5: {  	_ = 	snop  }
0x6: {  	_ = 	snop  }
0x7: {  	_ = 	snop  }
__scs_overlays_trampoline_lowered:
0x8: {  	[smem:$0x3F99] =	sst s0  }
0x9: {  	[smem:$0x3F9A] =	sst s1  }
0xa: {  	[smem:$0x3F9B] =	sst s2  }
0xb: {  	[smem:$0x3F9C] =	sst s3  }
0xc: {  	[smem:$0x3F9D] =	sst s4  }
0xd: {  	[smem:$0x3F9E] =	sst s5  }
0xe: {  	[smem:$0x3F9F] =	sst s6  }
0xf: {  	[smem:$0x3FA0] =	sst s7  }
0x10: {  	[smem:$0x3FA1] =	sst s8  }
0x11: {  	[smem:$0x3FA2] =	sst s9;
	s0 =	simm.s32 @!p0 $0x0  }
0x12: {  	s1 =	sld [smem:$0x3F88];
	s0 =	simm.s32 @p0 $0x1  }
0x13: {  	[smem:$0x3FA3] =	sst s0;
	s0 =	simm.s32 @!p1 $0x0  }
0x14: {  	s2 =	sld [smem:$0x3F87];
	s0 =	simm.s32 @p1 $0x1  }
0x15: {  	[smem:$0x3FA4] =	sst s0;
	s0 =	simm.s32 @!p2 $0x0  }
0x16: {  	s3 =	sld [smem:$0x3FDB];
	s0 =	simm.s32 @p2 $0x1  }
0x17: {  	s4 =	simm.s32 $0x1BF5;
	[smem:$0x3FA6] =	sst s0  }
0x18: {  	s0 =	sld [smem:$0x3F89];
	_ =	swait.ge [sflag:s4], $0x0  }
0x19: {  	s7 =	sld [smem:$0x3F8A]  }
0x1a: {  	s8 =	sadd.s32 $0xFFFFE003, lr  }
0x1b: {  	s9 =	sadd.s32 $0xFFFFFEF7, lr;
	s5 =	simm.s32 $0xFFFFFFFF;
	p2 =	slt.u32 s8, $0xFFFFF086  }
0x1c: {  	p1 =	slt.u32 s9, $0xF7A;
	s5 =	simm.s32 @!p2 $0x0  }
0x1d: {  	s5 =	simm.s32 @p1 $0x1;
	p0 =	seq.s32 s7, s2  }
0x1e: {  	s7 =	smul.u32 @!p0 $0xF7A, s2;
	p2 =	seq.s32 @!p0 s5, $0x0  }
0x1f: {  	s9 =	smul.u32 $0xF7A, s1;
	s8 =	simm.s32 @!p0 $0x1BF5;
	p2 =	por !p2, p0  }
0x20: {  	[sflag:s8] =	ssyncset.s32 @!p0 $0xFFFFF086;
	s6 =	sadd.s32 @!p0 s3, s7;
	s7 =	simm.s32 @!p0 $0x108  }
0x21: {  	s3 =	sadd.s32 s3, s9;
	s6 =	sadd.s32 @!p0 $0x88, s6;
	s7 =	simm.s32 @p2 $0x1082  }
0x22: {  	[simem:s7], [sflag:s8] =	dma.local @!p0 [hbm:s6], $0xF7A  }
0x23: {  	s9 =	sor.u32 $0xD0000000, s2;
	s6 =	simm.s32 $0x108;
	_ =	swait.ge @!p0 [sflag:s8], $0x0  }
0x24: {  	s3 =	sadd.s32 $0x88, s3;
	s6 =	simm.s32 @!p1 $0x1082;
	[sflag:s4] =	ssyncset.s32 $0xFFFFF086  }
0x25: {  	[simem:s6], [sflag:s4] =	dma.local [hbm:s3], $0xF7A  }
0x26: {  	[smem:$0x3F8A] =	sst s1;
	(tag) =	ssettag s2;
	_ =	strace s9  }
0x27: {  	s1 =	sld [smem:$0x3F9A]  }
0x28: {  	s2 =	sld [smem:$0x3F9B]  }
0x29: {  	s4 =	sld [smem:$0x3F9D]  }
0x2a: {  	p0 =	seq.s32 s5, $0x0;
	s5 =	sld [smem:$0x3F9E]  }
0x2b: {  	s6 =	sld [smem:$0x3F9F]  }
0x2c: {  	s7 =	sld [smem:$0x3FA0]  }
0x2d: {  	s3 =	simm.s32 $0x108;
	s8 =	sld [smem:$0x3FA1]  }
0x2e: {  	s3 =	simm.s32 @!p0 $0x1082;
	s9 =	sld [smem:$0x3FA2]  }
0x2f: {  	lr =	sadd.s32 s0, s3;
	s0 =	sld [smem:$0x3F99]  }
0x30: {  	s3 =	sld [smem:$0x3F9C]  }
0x31: {  	[smem:$0x3FA5] =	sst s10  }
0x32: {  	s10 =	sld [smem:$0x3FA3];
	_ =	sdelay $0x3  }
0x33: {  	p0 =	seq.s32 s10, $0x1;
	s10 =	sld [smem:$0x3FA5];
	_ =	sdelay $0x3  }
0x34: {  	[smem:$0x3FA5] =	sst s10  }
0x35: {  	s10 =	sld [smem:$0x3FA4];
	_ =	sdelay $0x3  }
0x36: {  	p1 =	seq.s32 s10, $0x1;
	s10 =	sld [smem:$0x3FA5];
	_ =	sdelay $0x3  }
0x37: {  	[smem:$0x3FA5] =	sst s10  }
0x38: {  	s10 =	sld [smem:$0x3FA6]  }
0x39: {  	_ = 	snop;
	(pc) =	sbr.ind lr, $3  }
0x3a: {  	_ = 	snop  }
0x3b: {  	_ = 	snop  }
0x3c: {  	p2 =	seq.s32 s10, $0x1;
	s10 =	sld [smem:$0x3FA5]  }
0x3d: {  	_ =	shalt  }
0x3e: {  	_ =	shalt  }
0x3f: {  	_ =	shalt  }
0x40: {  	_ =	shalt  }
0x41: {  	_ =	shalt  }
0x42: {  	_ =	shalt  }
0x43: {  	_ =	shalt  }
0x44: {  	_ =	shalt  }
0x45: {  	_ =	shalt  }
0x46: {  	_ =	shalt  }
0x47: {  	_ =	shalt  }
0x48: {  	_ =	shalt  }
0x49: {  	_ =	shalt  }
0x4a: {  	_ =	shalt  }
0x4b: {  	_ =	shalt  }
0x4c: {  	_ =	shalt  }
0x4d: {  	_ =	shalt  }
0x4e: {  	_ =	shalt  }
0x4f: {  	_ =	shalt  }
0x50: {  	_ =	shalt  }
0x51: {  	_ =	shalt  }
0x52: {  	_ =	shalt  }
0x53: {  	_ =	shalt  }
0x54: {  	_ =	shalt  }
0x55: {  	_ =	shalt  }
0x56: {  	_ =	shalt  }
0x57: {  	_ =	shalt  }
0x58: {  	_ =	shalt  }
0x59: {  	_ =	shalt  }
0x5a: {  	_ =	shalt  }
0x5b: {  	_ =	shalt  }
0x5c: {  	_ =	shalt  }
0x5d: {  	_ =	shalt  }
0x5e: {  	_ =	shalt  }
0x5f: {  	_ =	shalt  }
0x60: {  	_ =	shalt  }
0x61: {  	_ =	shalt  }
0x62: {  	_ =	shalt  }
0x63: {  	_ =	shalt  }
0x64: {  	_ =	shalt  }
0x65: {  	_ =	shalt  }
0x66: {  	_ =	shalt  }
0x67: {  	_ =	shalt  }
0x68: {  	_ =	shalt  }
0x69: {  	_ =	shalt  }
0x6a: {  	_ =	shalt  }
0x6b: {  	_ =	shalt  }
0x6c: {  	_ =	shalt  }
0x6d: {  	_ =	shalt  }
0x6e: {  	_ =	shalt  }
0x6f: {  	_ =	shalt  }
0x70: {  	_ =	shalt  }
0x71: {  	_ =	shalt  }
0x72: {  	_ =	shalt  }
0x73: {  	_ =	shalt  }
0x74: {  	_ =	shalt  }
0x75: {  	_ =	shalt  }
0x76: {  	_ =	shalt  }
0x77: {  	_ =	shalt  }
0x78: {  	_ =	shalt  }
0x79: {  	_ =	shalt  }
0x7a: {  	_ =	shalt  }
0x7b: {  	_ =	shalt  }
0x7c: {  	_ =	shalt  }
0x7d: {  	_ =	shalt  }
0x7e: {  	_ =	shalt  }
0x7f: {  	_ =	shalt  }
0x80: {  	_ =	shalt  }
0x81: {  	_ =	shalt  }
0x82: {  	_ =	shalt  }
0x83: {  	_ =	shalt  }
0x84: {  	_ =	shalt  }
0x85: {  	_ =	shalt  }
0x86: {  	_ =	shalt  }
0x87: {  	_ =	shalt  }
.Lfunc_end0:
.L_simem_size_0:
called_computation_lowered:
.L_overlay_start_0:
0x88: {  	s2 =	sld [smem:$0x3FD9]  }
0x89: {  	s3 =	sld [smem:$0x3FFE];
	_ =	sdelay $0x1  }
0x8a: {  	s1 =	srdreg.scid  }
0x8b: {  	s0 =	sand.u32 $0x1, s1  }
0x8c: {  	s14 =	sshll.u32 s0, $0xA;
	s2 =	sadd.s32 s3, s2  }
0x8d: {  	s2 =	sadd.s32 s2, s14  }
0x8e: {  	[smem:$0x3FB1] =	sst s2  }
0x8f: {  	_ = 	snop  }
0x90: {  	s2 =	sld [smem:$0x3FD0];
	_ =	sdelay $0x2  }
0x91: {  	s15 =	simm.s32 $0xB;
	s4 =	simm.s32 $0x10  }
0x92: {  	[smem:s4], [sflag:s15] =	dma.local [hbm:s2], $0x1  }
0x93: {  	_ =	swait.eq [sflag:s15], $0x1  }
0x94: {  	[sflag:s15] =	ssyncset.done $0x0  }
0x95: {  	s16 =	sld [smem:$0x10];
	[sflag:s15] =	ssyncadd.s32 $0xFFFFFFFF  }
0x96: {  	s17 =	sld [smem:$0x11];
	(tm) =	ssettm $0x1  }
0x97: {  	s18 =	sld [smem:$0x3FFB];
	_ =	sdelay $0x3  }
0x98: {  	_ =	strace s18  }
0x99: {  	s4 =	sld [smem:$0x3FFC];
	_ =	sdelay $0x3  }
0x9a: {  	_ =	strace s4  }
0x9b: {  	s4 =	sld [smem:$0x3FFD];
	_ =	sdelay $0x3  }
0x9c: {  	_ =	strace s4  }
0x9d: {  	_ =	strace $0x8FFFFFFF  }
0x9e: {  	s19 =	sld [smem:$0x3FDB];
	_ =	sdelay $0x1  }
0x9f: {  	s5 =	simm.s32 $_scs_section_size  }
0xa0: {  	s6 =	simm.s32 $_size__tile_overlayer_lowered;
	s7 =	simm.s32 $_tile_overlayer_lowered  }
0xa1: {  	s22 =	simm.s32 $0x1BFF;
	s21 =	sshll.u32 s7, $0x1;
	s4 =	sadd.s32 s5, s19  }
0xa2: {  	s8 =	simm.s32 $0x0;
	s20 =	sshll.u32 s6, $0x1;
	s6 =	sadd.s32 s21, s4  }
0xa3: {  	[timem:s8], [sflag:s22] =	dma.local [hbm:s6], s20  }
0xa4: {  	_ =	swait.ge [sflag:s22], s20  }
0xa5: {  	s5 =	ssub.s32 $0x0, s20;
	[sflag:s22] =	ssyncset.done $0x0  }
0xa6: {  	[sflag:s22] =	ssyncadd.s32 s5;
	_ =	sdelay $0x1  }
0xa7: {  	s23 =	simm.s32 $0x1B8B  }
0xa8: {  	_ =	swait.ge [sflag:s23], $0x1  }
0xa9: {  	[sflag:s23] =	ssyncset.done $0x0  }
0xaa: {  	s25 =	simm.s32 $0x1B8E;
	s24 =	sld [smem:$0x3FFE];
	[sflag:s23] =	ssyncadd.s32 $0xFFFFFFFF  }
0xab: {  	s26 =	simm.s32 $execute0_lowered;
	[smem:$0x3FD2] =	sst s25  }
0xac: {  	s6 =	sshll.u32 s26, $0x1;
	_ =	strace $0x80000046;
	[dreg:$0x1] =	wrdreg $0xFFFFFFFF  }
0xad: {  	s28 =	simm.s32 $_size_execute0_lowered;
	s4 =	sadd.s32 s4, s6;
	[dreg:$0x0] =	wrdreg $0x0  }
0xae: {  	s6 =	sshll.u32 s28, $0x1;
	[dreg:$0x2] =	wrdreg s4  }
0xaf: {  	[dreg:$0x3] =	wrdreg s6  }
0xb0: {  	[dreg:$0x4] =	wrdreg $0xC0  }
0xb1: {  	_ =	task [dreg:s8], $0x5FFFF  }
0xb2: {  	[dreg:$0x1] =	wrdreg $0xFFFFFFFF  }
0xb3: {  	[dreg:$0x0] =	wrdreg $0x60  }
0xb4: {  	[dreg:$0x2] =	wrdreg s24  }
0xb5: {  	[dreg:$0x3] =	wrdreg s16  }
0xb6: {  	[dreg:$0x4] =	wrdreg s17  }
0xb7: {  	[dreg:$0x5] =	wrdreg $0x9  }
0xb8: {  	_ =	task.clear_ibuf [dreg:s8], $0x6FFFF;
	_ =	strace $0x90000046  }
0xb9: {  	s29 =	simm.s32 $0x9;
	_ =	strace $0x80000048  }
0xba: {  	_ =	swait.ge [sflag:s29], $0x1  }
0xbb: {  	[sflag:s29] =	ssyncadd.s32 $0xFFFFFFFF  }
0xbc: {  	_ =	strace $0x90000048  }
0xbd: {  	_ =	sfence  }
0xbe: {  	s30 =	sld [smem:$0x0];
	_ =	sdelay $0x2  }
0xbf: {  	s31 =	sshll.u32 s1, $0xD;
	s1 =	sshrl.u32 s1, $0x2  }
0xc0: {  	s3 =	sand.u32 $0x4000, s31;
	s1 =	sadd.s32 s1, s30  }
0xc1: {  	s0 =	sor.u32 s3, s0;
	s1 =	sshll.u32 s1, $0x11  }
0xc2: {  	s0 =	sor.u32 s1, s0  }
0xc3: {  	s0 =	sadd.s32 $0x8F2B, s0  }
0xc4: {  	[sflag:s0] =	ssyncadd.remote.s32 $0x1  }
0xc5: {  	_ =	sfence.sel $0xFFFF  }
0xc6: {  	[dreg:$0x0] =	wrdreg $0xFFFFFFFF;
	(pc) =	sbr.abs _section_cstart, $3  }
0xc7: {  	[dreg:$0x1] =	wrdreg $0xFFFFFFFF  }
0xc8: {  	_ =	task.clear_ibuf [dreg:s8], $0x2FFFF;
	_ =	strace $0x9FFFFFFF  }
0xc9: {  	(tm) =	ssettm $0x7FFFFFFF  }
tec
execute0_lowered:
.L_overlay_start_1:
0x0: {  	(tag) =	ssettag $0x1  }
0x1: {  	s1 =	srdreg.scid  }
0x2: {  	s20 =	rddreg [dreg:$0x0];
	s0 =	stileid.u32;
	s26 =	sand.u32 $0x1, s1  }
0x3: {  	s2 =	rddreg [dreg:$0x1];
	s3 =	sshll.u32 s0, $0x9;
	s1 =	sshll.u32 s26, $0xD  }
0x4: {  	s19 =	rddreg [dreg:$0x2];
	s12 =	sor.u32 s3, s1  }
0x5: {  	s1 =	rddreg [dreg:$0x3];
	s3 =	simm.s32 $0x0;
	s4 =	sshrl.u32 s12, $0x3  }
0x6: {  	[smem:$0x7FF] =	sst s3;
	s6 =	sadd.s32 s4, s20  }
0x7: {  	_ =	strace $0x80000047;
	s4 =	simm.s32 $0x3;
	s5 =	sadd.s32 $0x4800, s6  }
0x8: {  	[tilespmem:s3], [sflag:$0x3] =	stream.linear.gather [hbm4b:s5+s3], $0x200, $0x38;
	[tilespmem:$0x8400] =	vst v63  }
0x9: {  	_ =	swait.ge [sflag:s4], $0x200  }
0xa: {  	[sflag:s4] =	ssyncset.done $0x0  }
0xb: {  	s7 =	simm.s32 $0x200;
	s6 =	sadd.s32 $0x6800, s6;
	[sflag:s4] =	ssyncadd.s32 $0xFFFFFE00  }
0xc: {  	[tilespmem:s7], [sflag:$0x3] =	stream.linear.gather [hbm4b:s6+s3], $0x200, $0x38;
	[tilespmem:$0x8400] =	vst v63  }
0xd: {  	_ =	swait.ge [sflag:s4], $0x200  }
0xe: {  	s9 =	simm.s32 $0x80;
	s10 =	simm.s32 $0x400;
	[sflag:s4] =	ssyncset.done $0x0  }
0xf: {  	s11 =	simm.s32 $0x1;
	s8 =	sadd.s32 $0x8800, s20;
	[sflag:s4] =	ssyncadd.s32 $0xFFFFFE00  }
0x10: {  	[tilespmem:s10], [sflag:$0x1] =	stream.indirect.gather [hbm4b:s8+s9], $0x80, s3, s9, $0xb8;
	[tilespmem:$0x8400] =	vst v63  }
0x11: {  	_ =	swait.ge [sflag:s11], $0x4000  }
0x12: {  	[sflag:s11] =	ssyncset.done $0x0  }
0x13: {  	s21 =	sshll.u32 s12, $0x4;
	s12 =	simm.s32 $0x4400;
	[sflag:s11] =	ssyncadd.s32 $0xFFFFC000  }
0x14: {  	[tilespmem:s12], [sflag:$0x1] =	stream.indirect.gather [hbm4b:s8+s9], $0x80, s9, s9, $0xb8;
	[tilespmem:$0x8400] =	vst v63  }
0x15: {  	s13 =	sadd.s32 s19, s21  }
0x16: {  	[hbm4b:s13+s3] =	stream.linear.scatter [tilespmem:s10], [sflag:$0x2], $0x4000, $0x38;
	[tilespmem:$0x8400] =	vst v63  }
0x17: {  	_ =	swait.ge [sflag:s11], $0x4000  }
0x18: {  	[sflag:s11] =	ssyncset.done $0x0  }
0x19: {  	s14 =	simm.s32 $0x2;
	[sflag:s11] =	ssyncadd.s32 $0xFFFFC000  }
0x1a: {  	_ =	swait.ge [sflag:s14], $0x4000  }
0x1b: {  	[sflag:s14] =	ssyncset.done $0x0  }
0x1c: {  	s15 =	simm.s32 $0x100;
	s23 =	sor.u32 $0x800, s21;
	[sflag:s14] =	ssyncadd.s32 $0xFFFFC000  }
0x1d: {  	[tilespmem:s10], [sflag:$0x1] =	stream.indirect.gather [hbm4b:s8+s9], $0x80, s15, s9, $0xb8;
	[tilespmem:$0x8400] =	vst v63  }
0x1e: {  	s16 =	sadd.s32 s19, s23  }
0x1f: {  	[hbm4b:s16+s3] =	stream.linear.scatter [tilespmem:s12], [sflag:$0x2], $0x4000, $0x38;
	[tilespmem:$0x8400] =	vst v63  }
0x20: {  	_ =	swait.ge [sflag:s11], $0x4000  }
0x21: {  	[sflag:s11] =	ssyncset.done $0x0  }
0x22: {  	[sflag:s11] =	ssyncadd.s32 $0xFFFFC000  }
0x23: {  	_ =	swait.ge [sflag:s14], $0x4000  }
0x24: {  	[sflag:s14] =	ssyncset.done $0x0  }
0x25: {  	s17 =	simm.s32 $0x180;
	s25 =	sor.u32 $0x1000, s21;
	[sflag:s14] =	ssyncadd.s32 $0xFFFFC000  }
0x26: {  	[tilespmem:s12], [sflag:$0x1] =	stream.indirect.gather [hbm4b:s8+s9], $0x80, s17, s9, $0xb8;
	[tilespmem:$0x8400] =	vst v63  }
0x27: {  	s18 =	sadd.s32 s19, s25  }
0x28: {  	[hbm4b:s18+s3] =	stream.linear.scatter [tilespmem:s10], [sflag:$0x2], $0x4000, $0x38;
	[tilespmem:$0x8400] =	vst v63  }
0x29: {  	_ =	swait.ge [sflag:s11], $0x4000  }
0x2a: {  	[sflag:s11] =	ssyncset.done $0x0  }
0x2b: {  	[sflag:s11] =	ssyncadd.s32 $0xFFFFC000  }
0x2c: {  	_ =	swait.ge [sflag:s14], $0x4000  }
0x2d: {  	s28 =	sor.u32 $0x1800, s21;
	[sflag:s14] =	ssyncset.done $0x0  }
0x2e: {  	s19 =	sadd.s32 s19, s28;
	[sflag:s14] =	ssyncadd.s32 $0xFFFFC000  }
0x2f: {  	[hbm4b:s19+s3] =	stream.linear.scatter [tilespmem:s12], [sflag:$0x3], $0x4000, $0x38;
	[tilespmem:$0x8400] =	vst v63  }
0x30: {  	_ =	swait.ge [sflag:s4], $0x4000  }
0x31: {  	[sflag:s4] =	ssyncset.done $0x0  }
0x32: {  	[sflag:s4] =	ssyncadd.s32 $0xFFFFC000  }
0x33: {  	[tilespmem:s10], [sflag:$0x1] =	stream.indirect.gather [hbm4b:s2+s9], $0x80, s7, s9, $0xb8;
	[tilespmem:$0x8400] =	vst v63  }
0x34: {  	_ =	swait.ge [sflag:s11], $0x4000  }
0x35: {  	[sflag:s11] =	ssyncset.done $0x0  }
0x36: {  	s29 =	sadd.s32 $0x10800, s20;
	s20 =	simm.s32 $0x280;
	[sflag:s11] =	ssyncadd.s32 $0xFFFFC000  }
0x37: {  	[tilespmem:s12], [sflag:$0x1] =	stream.indirect.gather [hbm4b:s2+s9], $0x80, s20, s9, $0xb8;
	[tilespmem:$0x8400] =	vst v63  }
0x38: {  	s21 =	sadd.s32 s29, s21  }
0x39: {  	[hbm4b:s21+s3] =	stream.linear.scatter [tilespmem:s10], [sflag:$0x2], $0x4000, $0x38;
	[tilespmem:$0x8400] =	vst v63  }
0x3a: {  	_ =	swait.ge [sflag:s11], $0x4000  }
0x3b: {  	[sflag:s11] =	ssyncset.done $0x0  }
0x3c: {  	[sflag:s11] =	ssyncadd.s32 $0xFFFFC000  }
0x3d: {  	_ =	swait.ge [sflag:s14], $0x4000  }
0x3e: {  	[sflag:s14] =	ssyncset.done $0x0  }
0x3f: {  	s22 =	simm.s32 $0x300;
	[sflag:s14] =	ssyncadd.s32 $0xFFFFC000  }
0x40: {  	[tilespmem:s10], [sflag:$0x1] =	stream.indirect.gather [hbm4b:s2+s9], $0x80, s22, s9, $0xb8;
	[tilespmem:$0x8400] =	vst v63  }
0x41: {  	s23 =	sadd.s32 s29, s23  }
0x42: {  	[hbm4b:s23+s3] =	stream.linear.scatter [tilespmem:s12], [sflag:$0x2], $0x4000, $0x38;
	[tilespmem:$0x8400] =	vst v63  }
0x43: {  	_ =	swait.ge [sflag:s11], $0x4000  }
0x44: {  	[sflag:s11] =	ssyncset.done $0x0  }
0x45: {  	[sflag:s11] =	ssyncadd.s32 $0xFFFFC000  }
0x46: {  	_ =	swait.ge [sflag:s14], $0x4000  }
0x47: {  	[sflag:s14] =	ssyncset.done $0x0  }
0x48: {  	s24 =	simm.s32 $0x380;
	[sflag:s14] =	ssyncadd.s32 $0xFFFFC000  }
0x49: {  	[tilespmem:s12], [sflag:$0x1] =	stream.indirect.gather [hbm4b:s2+s9], $0x80, s24, s9, $0xb8;
	[tilespmem:$0x8400] =	vst v63  }
0x4a: {  	s26 =	ssub.s32 $0x2, s26;
	s25 =	sadd.s32 s29, s25  }
0x4b: {  	[hbm4b:s25+s3] =	stream.linear.scatter [tilespmem:s10], [sflag:$0x2], $0x4000, $0x38;
	[tilespmem:$0x8400] =	vst v63  }
0x4c: {  	s30 =	sshrl.u32 s26, $0x1;
	_ =	swait.ge [sflag:s11], $0x4000  }
0x4d: {  	s30 =	ssub.s32 s26, s30;
	[sflag:s11] =	ssyncset.done $0x0  }
0x4e: {  	s26 =	sadd.s32 s29, s28;
	s28 =	smax.u32 s30, $0x1;
	[sflag:s11] =	ssyncadd.s32 $0xFFFFC000  }
0x4f: {  	p0 =	sne.s32 s28, $0x1;
	_ =	swait.ge [sflag:s14], $0x4000  }
.Ltmp0:
0x50: {  	[sflag:s14] =	ssyncset.done $0x0;
	(pc) =	sbr.rel @!p0 .LBB2_2-.Ltmp0, $4  }
0x51: {  	[sflag:s14] =	ssyncadd.s32 $0xFFFFC000  }
0x52: {  	[hbm4b:s26+s3] =	stream.linear.scatter [tilespmem:s12], [sflag:$0x3], $0x4000, $0x38;
	[tilespmem:$0x8400] =	vst v63  }
0x53: {  	_ =	swait.ge [sflag:s4], $0x4000  }
0x54: {  	s28 =	sadd.s32 $0xFFFFFFFF, s28;
	[sflag:s4] =	ssyncset.done $0x0  }
.LBB2_1:
0x55: {  	p0 =	sne.s32 s28, $0x1;
	s28 =	sadd.s32 $0xFFFFFFFF, s28;
	[sflag:s4] =	ssyncadd.s32 $0xFFFFC000  }
0x56: {  	[tilespmem:s3], [sflag:$0x3] =	stream.linear.gather [hbm4b:s5+s3], $0x200, $0x38;
	[tilespmem:$0x8400] =	vst v63  }
0x57: {  	_ =	swait.ge [sflag:s4], $0x200  }
0x58: {  	[sflag:s4] =	ssyncset.done $0x0  }
0x59: {  	[sflag:s4] =	ssyncadd.s32 $0xFFFFFE00  }
0x5a: {  	[tilespmem:s7], [sflag:$0x3] =	stream.linear.gather [hbm4b:s6+s3], $0x200, $0x38;
	[tilespmem:$0x8400] =	vst v63  }
0x5b: {  	_ =	swait.ge [sflag:s4], $0x200  }
0x5c: {  	[sflag:s4] =	ssyncset.done $0x0  }
0x5d: {  	[sflag:s4] =	ssyncadd.s32 $0xFFFFFE00  }
0x5e: {  	[tilespmem:s10], [sflag:$0x1] =	stream.indirect.gather [hbm4b:s8+s9], $0x80, s3, s9, $0xb8;
	[tilespmem:$0x8400] =	vst v63  }
0x5f: {  	_ =	swait.ge [sflag:s11], $0x4000  }
0x60: {  	[sflag:s11] =	ssyncset.done $0x0  }
0x61: {  	[sflag:s11] =	ssyncadd.s32 $0xFFFFC000  }
0x62: {  	[tilespmem:s12], [sflag:$0x1] =	stream.indirect.gather [hbm4b:s8+s9], $0x80, s9, s9, $0xb8;
	[tilespmem:$0x8400] =	vst v63  }
0x63: {  	_ = 	snop  }
0x64: {  	[hbm4b:s13+s3] =	stream.linear.scatter [tilespmem:s10], [sflag:$0x2], $0x4000, $0x38;
	[tilespmem:$0x8400] =	vst v63  }
0x65: {  	_ =	swait.ge [sflag:s11], $0x4000  }
0x66: {  	[sflag:s11] =	ssyncset.done $0x0  }
0x67: {  	[sflag:s11] =	ssyncadd.s32 $0xFFFFC000  }
0x68: {  	_ =	swait.ge [sflag:s14], $0x4000  }
0x69: {  	[sflag:s14] =	ssyncset.done $0x0  }
0x6a: {  	[sflag:s14] =	ssyncadd.s32 $0xFFFFC000  }
0x6b: {  	[tilespmem:s10], [sflag:$0x1] =	stream.indirect.gather [hbm4b:s8+s9], $0x80, s15, s9, $0xb8;
	[tilespmem:$0x8400] =	vst v63  }
0x6c: {  	_ = 	snop  }
0x6d: {  	[hbm4b:s16+s3] =	stream.linear.scatter [tilespmem:s12], [sflag:$0x2], $0x4000, $0x38;
	[tilespmem:$0x8400] =	vst v63  }
0x6e: {  	_ =	swait.ge [sflag:s11], $0x4000  }
0x6f: {  	[sflag:s11] =	ssyncset.done $0x0  }
0x70: {  	[sflag:s11] =	ssyncadd.s32 $0xFFFFC000  }
0x71: {  	_ =	swait.ge [sflag:s14], $0x4000  }
0x72: {  	[sflag:s14] =	ssyncset.done $0x0  }
0x73: {  	[sflag:s14] =	ssyncadd.s32 $0xFFFFC000  }
0x74: {  	[tilespmem:s12], [sflag:$0x1] =	stream.indirect.gather [hbm4b:s8+s9], $0x80, s17, s9, $0xb8;
	[tilespmem:$0x8400] =	vst v63  }
0x75: {  	_ = 	snop  }
0x76: {  	[hbm4b:s18+s3] =	stream.linear.scatter [tilespmem:s10], [sflag:$0x2], $0x4000, $0x38;
	[tilespmem:$0x8400] =	vst v63  }
0x77: {  	_ =	swait.ge [sflag:s11], $0x4000  }
0x78: {  	[sflag:s11] =	ssyncset.done $0x0  }
0x79: {  	[sflag:s11] =	ssyncadd.s32 $0xFFFFC000  }
0x7a: {  	_ =	swait.ge [sflag:s14], $0x4000  }
0x7b: {  	[sflag:s14] =	ssyncset.done $0x0  }
0x7c: {  	[sflag:s14] =	ssyncadd.s32 $0xFFFFC000  }
0x7d: {  	[hbm4b:s19+s3] =	stream.linear.scatter [tilespmem:s12], [sflag:$0x3], $0x4000, $0x38;
	[tilespmem:$0x8400] =	vst v63  }
0x7e: {  	_ =	swait.ge [sflag:s4], $0x4000  }
0x7f: {  	[sflag:s4] =	ssyncset.done $0x0  }
0x80: {  	[sflag:s4] =	ssyncadd.s32 $0xFFFFC000  }
0x81: {  	[tilespmem:s10], [sflag:$0x1] =	stream.indirect.gather [hbm4b:s2+s9], $0x80, s7, s9, $0xb8;
	[tilespmem:$0x8400] =	vst v63  }
0x82: {  	_ =	swait.ge [sflag:s11], $0x4000  }
0x83: {  	[sflag:s11] =	ssyncset.done $0x0  }
0x84: {  	[sflag:s11] =	ssyncadd.s32 $0xFFFFC000  }
0x85: {  	[tilespmem:s12], [sflag:$0x1] =	stream.indirect.gather [hbm4b:s2+s9], $0x80, s20, s9, $0xb8;
	[tilespmem:$0x8400] =	vst v63  }
0x86: {  	_ = 	snop  }
0x87: {  	[hbm4b:s21+s3] =	stream.linear.scatter [tilespmem:s10], [sflag:$0x2], $0x4000, $0x38;
	[tilespmem:$0x8400] =	vst v63  }
0x88: {  	_ =	swait.ge [sflag:s11], $0x4000  }
0x89: {  	[sflag:s11] =	ssyncset.done $0x0  }
0x8a: {  	[sflag:s11] =	ssyncadd.s32 $0xFFFFC000  }
0x8b: {  	_ =	swait.ge [sflag:s14], $0x4000  }
0x8c: {  	[sflag:s14] =	ssyncset.done $0x0  }
0x8d: {  	[sflag:s14] =	ssyncadd.s32 $0xFFFFC000  }
0x8e: {  	[tilespmem:s10], [sflag:$0x1] =	stream.indirect.gather [hbm4b:s2+s9], $0x80, s22, s9, $0xb8;
	[tilespmem:$0x8400] =	vst v63  }
0x8f: {  	_ = 	snop  }
0x90: {  	[hbm4b:s23+s3] =	stream.linear.scatter [tilespmem:s12], [sflag:$0x2], $0x4000, $0x38;
	[tilespmem:$0x8400] =	vst v63  }
0x91: {  	_ =	swait.ge [sflag:s11], $0x4000  }
0x92: {  	[sflag:s11] =	ssyncset.done $0x0  }
0x93: {  	[sflag:s11] =	ssyncadd.s32 $0xFFFFC000  }
0x94: {  	_ =	swait.ge [sflag:s14], $0x4000  }
0x95: {  	[sflag:s14] =	ssyncset.done $0x0  }
0x96: {  	[sflag:s14] =	ssyncadd.s32 $0xFFFFC000  }
0x97: {  	[tilespmem:s12], [sflag:$0x1] =	stream.indirect.gather [hbm4b:s2+s9], $0x80, s24, s9, $0xb8;
	[tilespmem:$0x8400] =	vst v63  }
0x98: {  	_ = 	snop  }
0x99: {  	[hbm4b:s25+s3] =	stream.linear.scatter [tilespmem:s10], [sflag:$0x2], $0x4000, $0x38;
	[tilespmem:$0x8400] =	vst v63  }
0x9a: {  	_ =	swait.ge [sflag:s11], $0x4000  }
0x9b: {  	[sflag:s11] =	ssyncset.done $0x0  }
0x9c: {  	[sflag:s11] =	ssyncadd.s32 $0xFFFFC000  }
0x9d: {  	_ =	swait.ge [sflag:s14], $0x4000  }
.Ltmp1:
0x9e: {  	[sflag:s14] =	ssyncset.done $0x0;
	(pc) =	sbr.rel @p0 .LBB2_1-.Ltmp1, $4  }
0x9f: {  	[sflag:s14] =	ssyncadd.s32 $0xFFFFC000  }
0xa0: {  	[hbm4b:s26+s3] =	stream.linear.scatter [tilespmem:s12], [sflag:$0x3], $0x4000, $0x38;
	[tilespmem:$0x8400] =	vst v63  }
0xa1: {  	_ =	swait.ge [sflag:s4], $0x4000  }
0xa2: {  	[sflag:s4] =	ssyncset.done $0x0  }
.LBB2_2:
0xa3: {  	[sflag:s4] =	ssyncadd.s32 $0xFFFFC000  }
0xa4: {  	_ =	sfence.sel $0x180000  }
0xa5: {  	[bflag:$0x0] =	sbarrier.arrive $0xFFFF  }
0xa6: {  	p0 =	sne.s32 s0, $0x0;
	_ =	strace $0x90000047  }
0xa7: {  	s0 =	sadd.s32 @!p0 $0x100000, s1;
	[bflag:$0x2] =	sbarrier.arrive $0xFFFF  }
0xa8: {  	[sflag:s0] =	ssyncadd.tile.s32 @!p0 $0x1;
	_ =	shalt  }
.Lfunc_end2:
_tile_overlayer_lowered:
.L_overlay_start_2:
0xa9: {  	(tag) =	ssettag $0x2  }
0xaa: {  	s0 =	rddreg [dreg:$0x0];
	s2 =	stileid.u32  }
0xab: {  	s1 =	rddreg [dreg:$0x1];
	p0 =	sne.s32 s2, $0x0  }
0xac: {  	s3 =	rddreg [dreg:$0x2];
	[bflag:$0x3] =	sbarrier.arrive $0xFFFF;
	s2 =	simm.s32 @!p0 $0x1C03  }
0xad: {  	[timem:s3], [sflag:s2] =	dma.local @!p0 [hbm:s0], s1  }
0xae: {  	s0 =	simm.s32 @!p0 $0x3  }
0xaf: {  	_ =	swait.ge @!p0 [sflag:s0], s1  }
0xb0: {  	s1 =	ssub.s32 @!p0 $0x0, s1;
	[sflag:s0] =	ssyncset.done @!p0 $0x0  }
0xb1: {  	[sflag:s0] =	ssyncadd.s32 @!p0 s1  }
0xb2: {  	[bflag:$0x3] =	sbarrier.arrive $0xFFFF  }
0xb3: {  	_ =	shalt  }

</sc_bundles>
